<compile_context>
chip_gen: v7x
topology: tpu7x:2x2x1
jax: 0.10.2.dev20260603
libtpu: 0.0.44.dev20260713+nightly
codegen_flags: <defaults>
</compile_context>

<pallas_src>
import functools

import jax
import jax.numpy as jnp
from jax import lax
from jax.experimental import pallas as pl
from jax.experimental.pallas import tpu as pltpu
from jax.experimental.pallas import tpu_sc as plsc

N_SYM = 128
RW_LEN = 16
EMB_DIM = 128
B = 64
T = 200

_NC = 2
_NS = 16
_NW = _NC * _NS
_RPW = (B * T) // _NW
_BPW = B // _NW
_CH = 4
_CR = _RPW // _CH


@functools.lru_cache(maxsize=None)
def _gumbel_all():
    gkey = jax.random.key(1234)
    gs = []
    for t in range(RW_LEN):
        u = jax.random.uniform(jax.random.fold_in(gkey, t), (B, N_SYM),
                               minval=1e-6, maxval=1.0 - 1e-6)
        gs.append(-jnp.log(-jnp.log(u)))
    return jnp.stack(gs)



def _sc_body(ids_hbm, emb_hbm, out_hbm, idx_v, rows_v, acc_v, sem):
    wid = lax.axis_index("s") * _NC + lax.axis_index("c")
    pltpu.sync_copy(ids_hbm.at[wid], idx_v)
    copies = []
    for j in range(_CH):
        copies.append(pltpu.async_copy(
            emb_hbm.at[idx_v.at[j]], rows_v.at[pl.ds(j * _CR, _CR)], sem))
    for c in copies:
        c.wait()
    for b2 in range(_BPW):
        def body(t, accs):
            return tuple(accs[c] + rows_v[b2 * T + t, pl.ds(c * 16, 16)]
                         for c in range(EMB_DIM // 16))
        accs = lax.fori_loop(
            0, T, body,
            tuple(jnp.zeros((16,), jnp.float32)
                  for _ in range(EMB_DIM // 16)))
        for c in range(EMB_DIM // 16):
            acc_v[b2, pl.ds(c * 16, 16)] = accs[c] / jnp.float32(T)
    pltpu.sync_copy(acc_v, out_hbm.at[pl.ds(wid * _BPW, _BPW)])


def _sc_gather_mean(ids3, emb):
    mesh = plsc.VectorSubcoreMesh(core_axis_name="c", subcore_axis_name="s")
    k = functools.partial(
        pl.kernel, mesh=mesh,
        out_type=jax.ShapeDtypeStruct((B, EMB_DIM), jnp.float32),
        scratch_types=[
            pltpu.VMEM((_CH, _CR), jnp.int32),
            pltpu.VMEM((_RPW, EMB_DIM), jnp.float32),
            pltpu.VMEM((_BPW, EMB_DIM), jnp.float32),
            pltpu.SemaphoreType.DMA,
        ],
    )(_sc_body)
    return k(ids3, emb)



def _softplus(x):
    return jnp.logaddexp(x, 0.0)


def _dot(a, b):
    return jax.lax.dot_general(a, b, (((1,), (0,)), ((), ())),
                               precision=jax.lax.Precision.HIGHEST,
                               preferred_element_type=jnp.float32)


def _tc_body(h_ref, adj_ref, adjt_ref, pt_ref, pi_ref, wf0_ref, bf0_ref,
             wf_ref, bf_ref, g_ref, tau_ref,
             walks_ref, rho_all_ref, kl2_ref, kl0_ref,
             f2_ref, r_ref, wp_ref):
    n = N_SYM
    L = RW_LEN
    tauf = tau_ref[0, 0]
    h = h_ref[...]
    adj = adj_ref[...]
    adjt = adjt_ref[...]

    f0 = _softplus(_dot(h, wf0_ref[...]) + bf0_ref[...])
    for l in range(L - 1):
        Hl = _dot(h, wf_ref[:, 128 * l:128 * (l + 1)]) + bf_ref[:, 128 * l:128 * (l + 1)]
        Fl = _softplus(Hl)
        f2_ref[pl.ds(64 * l, 64), :] = Fl
        r_ref[pl.ds(64 * l, 64), :] = _dot(Fl, adjt)

    m = jnp.max(f0, axis=-1, keepdims=True)
    e = jnp.exp(f0 - m)
    rho = e / jnp.sum(e, axis=-1, keepdims=True)
    logits = jnp.log(rho + 1e-8)
    y = (logits + g_ref[0]) / tauf
    am = jnp.argmax(y, axis=-1, keepdims=True)
    ii = lax.broadcasted_iota(jnp.int32, (B, n), 1)
    Z = (ii == am).astype(jnp.float32)
    walks_ref[:, 0:1, :] = Z.reshape(B, 1, n)
    rho_all_ref[:, 0:1, :] = rho.reshape(B, 1, n)
    wp_ref[0:1, :] = jnp.mean(rho, axis=0, keepdims=True)

    for t in range(1, L):
        l = t - 1
        Fl = f2_ref[pl.ds(64 * l, 64), :]
        Rl = r_ref[pl.ds(64 * l, 64), :]
        rows = _dot(Z, adj)
        fidx = jnp.sum(Z * Fl, axis=-1, keepdims=True)
        qrow = rows * (fidx * Fl)
        srow = jnp.maximum(jnp.sum(qrow, axis=-1, keepdims=True), 1e-8)
        prob = qrow / srow
        y = (jnp.log(prob + 1e-8) + g_ref[t]) / tauf
        am = jnp.argmax(y, axis=-1, keepdims=True)
        Z = (ii == am).astype(jnp.float32)
        walks_ref[:, t:t + 1, :] = Z.reshape(B, 1, n)
        Sl = jnp.maximum(Fl * Rl, 1e-8)
        u = rho * Fl / Sl
        rho = Fl * _dot(u, adj)
        rho_all_ref[:, t:t + 1, :] = rho.reshape(B, 1, n)
        wp_ref[t:t + 1, :] = jnp.mean(rho, axis=0, keepdims=True)

    pt = pt_ref[...]
    condp = (pt > 0.0).astype(jnp.float32)
    log_pt = jnp.log(jnp.maximum(pt + (1.0 - condp), 1e-8))
    K = jnp.where(adjt > 0.0, adjt * (jnp.log(adjt) - log_pt), 0.0)

    kl2 = jnp.float32(0.0)
    for l in range(L - 1):
        Fl = f2_ref[pl.ds(64 * l, 64), :]
        Rl = r_ref[pl.ds(64 * l, 64), :]
        Sl = jnp.maximum(Fl * Rl, 1e-8)
        wpl = wp_ref[l:l + 1, :]
        A = wpl * Fl / Sl
        logFl = jnp.log(Fl)
        P1 = _dot(Fl, K)
        P3 = _dot(Fl * logFl, adjt)
        term = A * (P1 + (logFl - jnp.log(Sl)) * Rl + P3)
        kl2 = kl2 + jnp.sum(term)
    kl2_ref[...] = kl2.reshape(1, 1)

    rho0 = wp_ref[0:1, :]
    log_rho0 = jnp.log(jnp.maximum(rho0, 1e-8))
    pi = pi_ref[...]
    pim = jnp.max(pi, axis=-1, keepdims=True)
    shifted = pi - pim
    log_pi0 = shifted - jnp.log(jnp.sum(jnp.exp(shifted), axis=-1, keepdims=True))
    kl0 = jnp.sum(rho0 * (log_rho0 - log_pi0))
    kl0_ref[...] = kl0.reshape(1, 1)


def _tc_main(h, adj, adjt, pt, pi, wf0, bf0, wf, bf, g, tau32):
    n = N_SYM
    L = RW_LEN
    out_shape = [
        jax.ShapeDtypeStruct((B, L, n), jnp.float32),
        jax.ShapeDtypeStruct((B, L, n), jnp.float32),
        jax.ShapeDtypeStruct((1, 1), jnp.float32),
        jax.ShapeDtypeStruct((1, 1), jnp.float32),
    ]
    in_specs = [pl.BlockSpec(memory_space=pltpu.VMEM)] * 10 + [
        pl.BlockSpec(memory_space=pltpu.SMEM)]
    out_specs = [pl.BlockSpec(memory_space=pltpu.VMEM)] * 4
    return pl.pallas_call(
        _tc_body,
        out_shape=out_shape,
        in_specs=in_specs,
        out_specs=out_specs,
        scratch_shapes=[
            pltpu.VMEM(((L - 1) * B, n), jnp.float32),
            pltpu.VMEM(((L - 1) * B, n), jnp.float32),
            pltpu.VMEM((L, n), jnp.float32),
        ],
    )(h, adj, adjt, pt, pi, wf0, bf0, wf, bf, g, tau32)


def kernel(input, adj_matrix, tau, p_matrix, f0_prior, emb, W_f0, b_f0, W_f, b_f):
    ids3 = input.astype(jnp.int32).reshape(_NW, _CH, _CR)
    h = _sc_gather_mean(ids3, emb)
    g = _gumbel_all()
    tau32 = jnp.asarray(tau, jnp.float32).reshape(1, 1)
    walks, rho_all, kl2, kl0 = _tc_main(
        h, adj_matrix, adj_matrix.T, p_matrix.T,
        f0_prior.reshape(1, N_SYM), W_f0, b_f0.reshape(1, N_SYM),
        W_f, b_f.reshape(1, (RW_LEN - 1) * N_SYM), g, tau32)
    return walks, kl2[0, 0], kl0[0, 0], rho_all

# --- scband reference (transcript-rebuilt; emitter-appended) ---
"""Pipeline reference for scband-encode-onto-rw-7988639171373 (READ-ONLY COPY).

The authoritative reference and input builder live on the scoring server;
editing this copy changes nothing except your own understanding.
"""

import jax, jax.numpy as jnp
import numpy as np

N_SYM = 128
RW_LEN = 16
EMB_DIM = 128
VOC = 100000
B = 64
T = 200
CONST_LOWER = 0.0


def setup_inputs(seed: int = 0):
    key = jax.random.key(seed)
    ks = jax.random.split(key, 10)
    inp = {}
    inp['input'] = jax.random.randint(ks[0], (B, T), 0, VOC)
    inp['adj_matrix'] = jax.random.uniform(ks[1], (N_SYM, N_SYM), dtype=jnp.float32)
    inp['tau'] = 1
    inp['p_matrix'] = jax.random.uniform(ks[2], (N_SYM, N_SYM), dtype=jnp.float32)
    inp['f0_prior'] = jax.random.normal(ks[3], (N_SYM,), dtype=jnp.float32)
    inp['emb'] = jax.random.normal(ks[4], (VOC, EMB_DIM), dtype=jnp.float32) * 0.01
    inp['W_f0'] = jax.random.normal(ks[5], (EMB_DIM, N_SYM), dtype=jnp.float32) * 0.05
    inp['b_f0'] = jnp.zeros((N_SYM,), jnp.float32)
    inp['W_f'] = jax.random.normal(ks[6], (EMB_DIM, (RW_LEN - 1) * N_SYM), dtype=jnp.float32) * 0.05
    inp['b_f'] = jnp.zeros(((RW_LEN - 1) * N_SYM,), jnp.float32)
    return inp


def _gumbel(key, shape):
    u = jax.random.uniform(key, shape, minval=1e-6, maxval=1.0 - 1e-6)
    return -jnp.log(-jnp.log(u))


def _forward(input_ids, adj_matrix, tau, p_matrix, f0_prior, emb, W_f0, b_f0, W_f, b_f):
    n = N_SYM
    L = RW_LEN
    b = input_ids.shape[0]
    tauf = jnp.asarray(tau, jnp.float32)
    # get_functions_over_nodes: embed tokens, pool, project to node functions
    x = jnp.take(emb, input_ids, axis=0)            # [B, T, emb]
    h = jnp.mean(x, axis=1)                          # [B, emb]
    f0 = jax.nn.softplus(h @ W_f0 + b_f0)            # [B, n]
    f = jax.nn.softplus(h @ W_f + b_f).reshape(b, L - 1, n)  # [B, L-1, n]
    f_matrix = jnp.einsum('bli,blj->blij', f, f)
    f_matrix = f_matrix + CONST_LOWER * jnp.ones_like(f_matrix)
    q_matrix = adj_matrix.reshape(1, 1, n, n) * f_matrix      # [B, L-1, n, n]
    q_norm = q_matrix / jnp.maximum(jnp.sum(q_matrix, axis=-1, keepdims=True), 1e-8)
    # sample_walks: gumbel-softmax straight-through random walk
    gkey = jax.random.key(1234)
    rho = jax.nn.softmax(f0, axis=-1)                # [B, n]
    logits = jnp.log(rho + 1e-8)
    g = _gumbel(jax.random.fold_in(gkey, 0), (b, n))
    z_soft = jax.nn.softmax((logits + g) / tauf, axis=-1)
    z_hard = jax.nn.one_hot(jnp.argmax(z_soft, axis=-1), n, dtype=z_soft.dtype)
    z = z_soft + jax.lax.stop_gradient(z_hard - z_soft)
    walks = [z]
    rhos = [rho]
    for t in range(1, L):
        rho = jnp.einsum('bi,bij->bj', rhos[-1], q_norm[:, t - 1])
        prob = jnp.einsum('bi,bij->bj', walks[-1], q_norm[:, t - 1])
        logits = jnp.log(prob + 1e-8)
        g = _gumbel(jax.random.fold_in(gkey, t), (b, n))
        z_soft = jax.nn.softmax((logits + g) / tauf, axis=-1)
        z_hard = jax.nn.one_hot(jnp.argmax(z_soft, axis=-1), n, dtype=z_soft.dtype)
        z = z_soft + jax.lax.stop_gradient(z_hard - z_soft)
        walks.append(z)
        rhos.append(rho)
    walks = jnp.stack(walks, axis=1)       # [B, L, n]
    rho_all = jnp.stack(rhos, axis=1)      # [B, L, n]
    walk_prob = jnp.mean(rho_all, axis=0)  # [L, n]
    walk_prob_aux = rho_all
    # get_kl_rws
    cond = (q_norm > 0.0).astype(jnp.float32)
    log_q = jnp.log(jnp.maximum(q_norm + (1.0 - cond), 1e-8))
    condp = (p_matrix > 0.0).astype(jnp.float32)
    log_p = jnp.log(jnp.maximum(p_matrix + (1.0 - condp), 1e-8))
    rho0 = walk_prob[0]
    cond0 = (rho0 > 0.0).astype(jnp.float32)
    log_rho0 = jnp.log(jnp.maximum(rho0 + (1.0 - cond0), 1e-8))
    log_pi0 = jax.nn.log_softmax(f0_prior, axis=0)
    kl_0 = jnp.sum(rho0 * (log_rho0 - log_pi0))
    weight = walk_prob[:-1].reshape(-1, n, 1) * q_norm   # [B, L-1, n, n]
    kl_rws = jnp.sum(weight * (log_q - log_p.reshape(1, n, n)))
    return walks, kl_rws, kl_0, walk_prob_aux


def reference(input, adj_matrix, tau, p_matrix, f0_prior, emb, W_f0, b_f0, W_f, b_f):
    return _forward(input, adj_matrix, tau, p_matrix, f0_prior, emb, W_f0, b_f0, W_f, b_f)

if __name__ == "__main__":
    import jax
    _d = setup_inputs()
    print(jax.jit(kernel)(*tuple(_d.values())))

</pallas_src>

<mosaic_0001>
#map = affine_map<(d0, d1) -> (0, 0, 0)>
#map1 = affine_map<(d0, d1) -> (0, 0)>
module attributes {stable_mosaic.version = 14 : i64} {
  func.func @_sc_body(%arg0: i32, %arg1: i32, %arg2: memref<32x4x100xi32, #tpu.memory_space<hbm>>, %arg3: memref<100000x128xf32, #tpu.memory_space<hbm>>, %arg4: memref<64x128xf32, #tpu.memory_space<hbm>>, %arg5: memref<4x100xi32, #tpu.memory_space<vmem>>, %arg6: memref<400x128xf32, #tpu.memory_space<vmem>>, %arg7: memref<2x128xf32, #tpu.memory_space<vmem>>, %arg8: memref<!tpu.dma_semaphore, #tpu.memory_space<semaphore_mem>>) attributes {dimension_semantics = [#tpu.dimension_semantics<core_parallel>, #tpu.dimension_semantics<subcore_parallel>], iteration_bounds = array<i64: 2, 16>, scalar_prefetch = 0 : i64, scratch_operands = 4 : i64, tpu.core_type = #tpu.core_type<sc_vector_subcore>, window_params = [{transform_indices = #map}, {transform_indices = #map1}, {transform_indices = #map1}]} {
    %mul3A = arith.constant 2 : i32
    %mul3A_0 = arith.muli %arg1, %mul3A : i32
    %add3A = arith.addi %mul3A_0, %arg0 : i32
    "tpu.region"() ({
      %run_scoped3A = tpu.sem_alloc : memref<!tpu.dma_semaphore, #tpu.memory_space<semaphore_mem>>
      %dma_start3A_265 = arith.constant 0 : i32
      %dma_start3A_266 = arith.constant 0 : i32
      %dma_start3A_267 = tpu.memref_slice %arg2[%add3A, %dma_start3A_265, %dma_start3A_266] : memref<32x4x100xi32, #tpu.memory_space<hbm>> -> memref<1x4x100xi32, #tpu.memory_space<hbm>>
      %dma_start3A_268 = tpu.memref_squeeze %dma_start3A_267 : memref<1x4x100xi32, #tpu.memory_space<hbm>> -> memref<4x100xi32, #tpu.memory_space<hbm>>
      %dma_start3A_269 = arith.constant 0 : i32
      %dma_start3A_270 = arith.constant 0 : i32
      %dma_start3A_271 = tpu.memref_slice %arg2[%add3A, %dma_start3A_269, %dma_start3A_270] : memref<32x4x100xi32, #tpu.memory_space<hbm>> -> memref<1x4x100xi32, #tpu.memory_space<hbm>>
      %dma_start3A_272 = tpu.memref_squeeze %dma_start3A_271 : memref<1x4x100xi32, #tpu.memory_space<hbm>> -> memref<4x100xi32, #tpu.memory_space<hbm>>
      tpu.enqueue_dma source(%dma_start3A_272 : memref<4x100xi32, #tpu.memory_space<hbm>>) target(%arg5 : memref<4x100xi32, #tpu.memory_space<vmem>>) target_semaphore(%run_scoped3A : memref<!tpu.dma_semaphore, #tpu.memory_space<semaphore_mem>>)
      %dma_wait3A_273 = arith.constant 0 : i32
      %dma_wait3A_274 = arith.constant 0 : i32
      %dma_wait3A_275 = tpu.memref_slice %arg2[%add3A, %dma_wait3A_273, %dma_wait3A_274] : memref<32x4x100xi32, #tpu.memory_space<hbm>> -> memref<1x4x100xi32, #tpu.memory_space<hbm>>
      %dma_wait3A_276 = tpu.memref_squeeze %dma_wait3A_275 : memref<1x4x100xi32, #tpu.memory_space<hbm>> -> memref<4x100xi32, #tpu.memory_space<hbm>>
      %dma_wait3A_277 = arith.constant 0 : i32
      %dma_wait3A_278 = arith.constant 0 : i32
      %dma_wait3A_279 = tpu.memref_slice %arg2[%add3A, %dma_wait3A_277, %dma_wait3A_278] : memref<32x4x100xi32, #tpu.memory_space<hbm>> -> memref<1x4x100xi32, #tpu.memory_space<hbm>>
      %dma_wait3A_280 = tpu.memref_squeeze %dma_wait3A_279 : memref<1x4x100xi32, #tpu.memory_space<hbm>> -> memref<4x100xi32, #tpu.memory_space<hbm>>
      tpu.wait_dma2 semaphore(%run_scoped3A : memref<!tpu.dma_semaphore, #tpu.memory_space<semaphore_mem>>) src(%dma_wait3A_280 : memref<4x100xi32, #tpu.memory_space<hbm>>) dst(%arg5 : memref<4x100xi32, #tpu.memory_space<vmem>>)
      tpu.yield
    }) : () -> ()
    %dma_start3A = arith.constant 0 : i32
    %dma_start3A_1 = arith.constant 0 : i32
    %dma_start3A_2 = arith.constant 0 : i32
    %dma_start3A_3 = tpu.memref_slice %arg6[%dma_start3A_1, %dma_start3A_2] : memref<400x128xf32, #tpu.memory_space<vmem>> -> memref<100x128xf32, #tpu.memory_space<vmem>>
    %dma_start3A_4 = arith.constant 0 : i32
    %dma_start3A_5 = tpu.memref_slice %arg5[%dma_start3A, %dma_start3A_4] : memref<4x100xi32, #tpu.memory_space<vmem>> -> memref<1x100xi32, #tpu.memory_space<vmem>>
    %dma_start3A_6 = tpu.memref_squeeze %dma_start3A_5 : memref<1x100xi32, #tpu.memory_space<vmem>> -> memref<100xi32, #tpu.memory_space<vmem>>
    %dma_start3A_7 = arith.constant 0 : i32
    %dma_start3A_8 = arith.constant 0 : i32
    %dma_start3A_9 = tpu.memref_slice %arg3[%dma_start3A_7, %dma_start3A_8] : memref<100000x128xf32, #tpu.memory_space<hbm>> -> memref<100000x128xf32, #tpu.memory_space<hbm>>
    tpu.enqueue_indirect_dma source(%dma_start3A_9 : memref<100000x128xf32, #tpu.memory_space<hbm>>) target(%dma_start3A_3 : memref<100x128xf32, #tpu.memory_space<vmem>>) offsets(%dma_start3A_6 : memref<100xi32, #tpu.memory_space<vmem>>) semaphore(%arg8 : memref<!tpu.dma_semaphore, #tpu.memory_space<semaphore_mem>>)
    %dma_start3A_10 = arith.constant 1 : i32
    %dma_start3A_11 = arith.constant 100 : i32
    %dma_start3A_12 = arith.constant 0 : i32
    %dma_start3A_13 = tpu.memref_slice %arg6[%dma_start3A_11, %dma_start3A_12] : memref<400x128xf32, #tpu.memory_space<vmem>> -> memref<100x128xf32, #tpu.memory_space<vmem>>
    %dma_start3A_14 = arith.constant 0 : i32
    %dma_start3A_15 = tpu.memref_slice %arg5[%dma_start3A_10, %dma_start3A_14] : memref<4x100xi32, #tpu.memory_space<vmem>> -> memref<1x100xi32, #tpu.memory_space<vmem>>
    %dma_start3A_16 = tpu.memref_squeeze %dma_start3A_15 : memref<1x100xi32, #tpu.memory_space<vmem>> -> memref<100xi32, #tpu.memory_space<vmem>>
    %dma_start3A_17 = arith.constant 0 : i32
    %dma_start3A_18 = arith.constant 0 : i32
    %dma_start3A_19 = tpu.memref_slice %arg3[%dma_start3A_17, %dma_start3A_18] : memref<100000x128xf32, #tpu.memory_space<hbm>> -> memref<100000x128xf32, #tpu.memory_space<hbm>>
    tpu.enqueue_indirect_dma source(%dma_start3A_19 : memref<100000x128xf32, #tpu.memory_space<hbm>>) target(%dma_start3A_13 : memref<100x128xf32, #tpu.memory_space<vmem>>) offsets(%dma_start3A_16 : memref<100xi32, #tpu.memory_space<vmem>>) semaphore(%arg8 : memref<!tpu.dma_semaphore, #tpu.memory_space<semaphore_mem>>)
    %dma_start3A_20 = arith.constant 2 : i32
    %dma_start3A_21 = arith.constant 200 : i32
    %dma_start3A_22 = arith.constant 0 : i32
    %dma_start3A_23 = tpu.memref_slice %arg6[%dma_start3A_21, %dma_start3A_22] : memref<400x128xf32, #tpu.memory_space<vmem>> -> memref<100x128xf32, #tpu.memory_space<vmem>>
    %dma_start3A_24 = arith.constant 0 : i32
    %dma_start3A_25 = tpu.memref_slice %arg5[%dma_start3A_20, %dma_start3A_24] : memref<4x100xi32, #tpu.memory_space<vmem>> -> memref<1x100xi32, #tpu.memory_space<vmem>>
    %dma_start3A_26 = tpu.memref_squeeze %dma_start3A_25 : memref<1x100xi32, #tpu.memory_space<vmem>> -> memref<100xi32, #tpu.memory_space<vmem>>
    %dma_start3A_27 = arith.constant 0 : i32
    %dma_start3A_28 = arith.constant 0 : i32
    %dma_start3A_29 = tpu.memref_slice %arg3[%dma_start3A_27, %dma_start3A_28] : memref<100000x128xf32, #tpu.memory_space<hbm>> -> memref<100000x128xf32, #tpu.memory_space<hbm>>
    tpu.enqueue_indirect_dma source(%dma_start3A_29 : memref<100000x128xf32, #tpu.memory_space<hbm>>) target(%dma_start3A_23 : memref<100x128xf32, #tpu.memory_space<vmem>>) offsets(%dma_start3A_26 : memref<100xi32, #tpu.memory_space<vmem>>) semaphore(%arg8 : memref<!tpu.dma_semaphore, #tpu.memory_space<semaphore_mem>>)
    %dma_start3A_30 = arith.constant 3 : i32
    %dma_start3A_31 = arith.constant 300 : i32
    %dma_start3A_32 = arith.constant 0 : i32
    %dma_start3A_33 = tpu.memref_slice %arg6[%dma_start3A_31, %dma_start3A_32] : memref<400x128xf32, #tpu.memory_space<vmem>> -> memref<100x128xf32, #tpu.memory_space<vmem>>
    %dma_start3A_34 = arith.constant 0 : i32
    %dma_start3A_35 = tpu.memref_slice %arg5[%dma_start3A_30, %dma_start3A_34] : memref<4x100xi32, #tpu.memory_space<vmem>> -> memref<1x100xi32, #tpu.memory_space<vmem>>
    %dma_start3A_36 = tpu.memref_squeeze %dma_start3A_35 : memref<1x100xi32, #tpu.memory_space<vmem>> -> memref<100xi32, #tpu.memory_space<vmem>>
    %dma_start3A_37 = arith.constant 0 : i32
    %dma_start3A_38 = arith.constant 0 : i32
    %dma_start3A_39 = tpu.memref_slice %arg3[%dma_start3A_37, %dma_start3A_38] : memref<100000x128xf32, #tpu.memory_space<hbm>> -> memref<100000x128xf32, #tpu.memory_space<hbm>>
    tpu.enqueue_indirect_dma source(%dma_start3A_39 : memref<100000x128xf32, #tpu.memory_space<hbm>>) target(%dma_start3A_33 : memref<100x128xf32, #tpu.memory_space<vmem>>) offsets(%dma_start3A_36 : memref<100xi32, #tpu.memory_space<vmem>>) semaphore(%arg8 : memref<!tpu.dma_semaphore, #tpu.memory_space<semaphore_mem>>)
    %dma_wait3A = arith.constant 0 : i32
    %dma_wait3A_40 = arith.constant 0 : i32
    %dma_wait3A_41 = arith.constant 0 : i32
    %dma_wait3A_42 = tpu.memref_slice %arg6[%dma_wait3A_40, %dma_wait3A_41] : memref<400x128xf32, #tpu.memory_space<vmem>> -> memref<100x128xf32, #tpu.memory_space<vmem>>
    %dma_wait3A_43 = arith.constant 0 : i32
    %dma_wait3A_44 = tpu.memref_slice %arg5[%dma_wait3A, %dma_wait3A_43] : memref<4x100xi32, #tpu.memory_space<vmem>> -> memref<1x100xi32, #tpu.memory_space<vmem>>
    %dma_wait3A_45 = tpu.memref_squeeze %dma_wait3A_44 : memref<1x100xi32, #tpu.memory_space<vmem>> -> memref<100xi32, #tpu.memory_space<vmem>>
    %dma_wait3A_46 = arith.constant 0 : i32
    %dma_wait3A_47 = arith.constant 0 : i32
    %dma_wait3A_48 = tpu.memref_slice %arg3[%dma_wait3A_46, %dma_wait3A_47] : memref<100000x128xf32, #tpu.memory_space<hbm>> -> memref<100000x128xf32, #tpu.memory_space<hbm>>
    tpu.wait_indirect_dma semaphore(%arg8 : memref<!tpu.dma_semaphore, #tpu.memory_space<semaphore_mem>>) src(%dma_wait3A_48 : memref<100000x128xf32, #tpu.memory_space<hbm>>) dst(%dma_wait3A_42 : memref<100x128xf32, #tpu.memory_space<vmem>>)
    %dma_wait3A_49 = arith.constant 1 : i32
    %dma_wait3A_50 = arith.constant 100 : i32
    %dma_wait3A_51 = arith.constant 0 : i32
    %dma_wait3A_52 = tpu.memref_slice %arg6[%dma_wait3A_50, %dma_wait3A_51] : memref<400x128xf32, #tpu.memory_space<vmem>> -> memref<100x128xf32, #tpu.memory_space<vmem>>
    %dma_wait3A_53 = arith.constant 0 : i32
    %dma_wait3A_54 = tpu.memref_slice %arg5[%dma_wait3A_49, %dma_wait3A_53] : memref<4x100xi32, #tpu.memory_space<vmem>> -> memref<1x100xi32, #tpu.memory_space<vmem>>
    %dma_wait3A_55 = tpu.memref_squeeze %dma_wait3A_54 : memref<1x100xi32, #tpu.memory_space<vmem>> -> memref<100xi32, #tpu.memory_space<vmem>>
    %dma_wait3A_56 = arith.constant 0 : i32
    %dma_wait3A_57 = arith.constant 0 : i32
    %dma_wait3A_58 = tpu.memref_slice %arg3[%dma_wait3A_56, %dma_wait3A_57] : memref<100000x128xf32, #tpu.memory_space<hbm>> -> memref<100000x128xf32, #tpu.memory_space<hbm>>
    tpu.wait_indirect_dma semaphore(%arg8 : memref<!tpu.dma_semaphore, #tpu.memory_space<semaphore_mem>>) src(%dma_wait3A_58 : memref<100000x128xf32, #tpu.memory_space<hbm>>) dst(%dma_wait3A_52 : memref<100x128xf32, #tpu.memory_space<vmem>>)
    %dma_wait3A_59 = arith.constant 2 : i32
    %dma_wait3A_60 = arith.constant 200 : i32
    %dma_wait3A_61 = arith.constant 0 : i32
    %dma_wait3A_62 = tpu.memref_slice %arg6[%dma_wait3A_60, %dma_wait3A_61] : memref<400x128xf32, #tpu.memory_space<vmem>> -> memref<100x128xf32, #tpu.memory_space<vmem>>
    %dma_wait3A_63 = arith.constant 0 : i32
    %dma_wait3A_64 = tpu.memref_slice %arg5[%dma_wait3A_59, %dma_wait3A_63] : memref<4x100xi32, #tpu.memory_space<vmem>> -> memref<1x100xi32, #tpu.memory_space<vmem>>
    %dma_wait3A_65 = tpu.memref_squeeze %dma_wait3A_64 : memref<1x100xi32, #tpu.memory_space<vmem>> -> memref<100xi32, #tpu.memory_space<vmem>>
    %dma_wait3A_66 = arith.constant 0 : i32
    %dma_wait3A_67 = arith.constant 0 : i32
    %dma_wait3A_68 = tpu.memref_slice %arg3[%dma_wait3A_66, %dma_wait3A_67] : memref<100000x128xf32, #tpu.memory_space<hbm>> -> memref<100000x128xf32, #tpu.memory_space<hbm>>
    tpu.wait_indirect_dma semaphore(%arg8 : memref<!tpu.dma_semaphore, #tpu.memory_space<semaphore_mem>>) src(%dma_wait3A_68 : memref<100000x128xf32, #tpu.memory_space<hbm>>) dst(%dma_wait3A_62 : memref<100x128xf32, #tpu.memory_space<vmem>>)
    %dma_wait3A_69 = arith.constant 3 : i32
    %dma_wait3A_70 = arith.constant 300 : i32
    %dma_wait3A_71 = arith.constant 0 : i32
    %dma_wait3A_72 = tpu.memref_slice %arg6[%dma_wait3A_70, %dma_wait3A_71] : memref<400x128xf32, #tpu.memory_space<vmem>> -> memref<100x128xf32, #tpu.memory_space<vmem>>
    %dma_wait3A_73 = arith.constant 0 : i32
    %dma_wait3A_74 = tpu.memref_slice %arg5[%dma_wait3A_69, %dma_wait3A_73] : memref<4x100xi32, #tpu.memory_space<vmem>> -> memref<1x100xi32, #tpu.memory_space<vmem>>
    %dma_wait3A_75 = tpu.memref_squeeze %dma_wait3A_74 : memref<1x100xi32, #tpu.memory_space<vmem>> -> memref<100xi32, #tpu.memory_space<vmem>>
    %dma_wait3A_76 = arith.constant 0 : i32
    %dma_wait3A_77 = arith.constant 0 : i32
    %dma_wait3A_78 = tpu.memref_slice %arg3[%dma_wait3A_76, %dma_wait3A_77] : memref<100000x128xf32, #tpu.memory_space<hbm>> -> memref<100000x128xf32, #tpu.memory_space<hbm>>
    tpu.wait_indirect_dma semaphore(%arg8 : memref<!tpu.dma_semaphore, #tpu.memory_space<semaphore_mem>>) src(%dma_wait3A_78 : memref<100000x128xf32, #tpu.memory_space<hbm>>) dst(%dma_wait3A_72 : memref<100x128xf32, #tpu.memory_space<vmem>>)
    %broadcast_in_dim3A = arith.constant 0.000000e+00 : f32
    %broadcast_in_dim3A_79 = vector.broadcast %broadcast_in_dim3A : f32 to vector<16xf32>
    %broadcast_in_dim3A_80 = arith.constant 0.000000e+00 : f32
    %broadcast_in_dim3A_81 = vector.broadcast %broadcast_in_dim3A_80 : f32 to vector<16xf32>
    %broadcast_in_dim3A_82 = arith.constant 0.000000e+00 : f32
    %broadcast_in_dim3A_83 = vector.broadcast %broadcast_in_dim3A_82 : f32 to vector<16xf32>
    %broadcast_in_dim3A_84 = arith.constant 0.000000e+00 : f32
    %broadcast_in_dim3A_85 = vector.broadcast %broadcast_in_dim3A_84 : f32 to vector<16xf32>
    %broadcast_in_dim3A_86 = arith.constant 0.000000e+00 : f32
    %broadcast_in_dim3A_87 = vector.broadcast %broadcast_in_dim3A_86 : f32 to vector<16xf32>
    %broadcast_in_dim3A_88 = arith.constant 0.000000e+00 : f32
    %broadcast_in_dim3A_89 = vector.broadcast %broadcast_in_dim3A_88 : f32 to vector<16xf32>
    %broadcast_in_dim3A_90 = arith.constant 0.000000e+00 : f32
    %broadcast_in_dim3A_91 = vector.broadcast %broadcast_in_dim3A_90 : f32 to vector<16xf32>
    %broadcast_in_dim3A_92 = arith.constant 0.000000e+00 : f32
    %broadcast_in_dim3A_93 = vector.broadcast %broadcast_in_dim3A_92 : f32 to vector<16xf32>
    %scan3A = arith.constant 0 : i32
    %scan3A_94 = arith.constant 200 : i32
    %scan3A_95 = arith.addi %scan3A, %scan3A_94 : i32
    %scan3A_96 = arith.constant 1 : i32
    %scan3A_97:8 = scf.for %scan3A_265 = %scan3A to %scan3A_95 step %scan3A_96 iter_args(%scan3A_266 = %broadcast_in_dim3A_79, %scan3A_267 = %broadcast_in_dim3A_81, %scan3A_268 = %broadcast_in_dim3A_83, %scan3A_269 = %broadcast_in_dim3A_85, %scan3A_270 = %broadcast_in_dim3A_87, %scan3A_271 = %broadcast_in_dim3A_89, %scan3A_272 = %broadcast_in_dim3A_91, %scan3A_273 = %broadcast_in_dim3A_93) -> (vector<16xf32>, vector<16xf32>, vector<16xf32>, vector<16xf32>, vector<16xf32>, vector<16xf32>, vector<16xf32>, vector<16xf32>)  : i32 {
      %add3A_274 = arith.constant 0 : i32
      %add3A_275 = arith.addi %add3A_274, %scan3A_265 : i32
      %get3A = arith.index_cast %add3A_275 : i32 to index
      %get3A_276 = arith.constant 0 : index
      %get3A_277 = tpu.vector_load %arg6[%get3A, %get3A_276] {strides = array<i32>} : memref<400x128xf32, #tpu.memory_space<vmem>>, vector<1x16xf32>,
      %get3A_278 = vector.shape_cast %get3A_277 : vector<1x16xf32> to vector<16xf32>
      %add3A_279 = arith.addf %scan3A_266, %get3A_278 : vector<16xf32>
      %add3A_280 = arith.constant 0 : i32
      %add3A_281 = arith.addi %add3A_280, %scan3A_265 : i32
      %get3A_282 = arith.index_cast %add3A_281 : i32 to index
      %get3A_283 = arith.constant 16 : index
      %get3A_284 = tpu.vector_load %arg6[%get3A_282, %get3A_283] {strides = array<i32>} : memref<400x128xf32, #tpu.memory_space<vmem>>, vector<1x16xf32>,
      %get3A_285 = vector.shape_cast %get3A_284 : vector<1x16xf32> to vector<16xf32>
      %add3A_286 = arith.addf %scan3A_267, %get3A_285 : vector<16xf32>
      %add3A_287 = arith.constant 0 : i32
      %add3A_288 = arith.addi %add3A_287, %scan3A_265 : i32
      %get3A_289 = arith.index_cast %add3A_288 : i32 to index
      %get3A_290 = arith.constant 32 : index
      %get3A_291 = tpu.vector_load %arg6[%get3A_289, %get3A_290] {strides = array<i32>} : memref<400x128xf32, #tpu.memory_space<vmem>>, vector<1x16xf32>,
      %get3A_292 = vector.shape_cast %get3A_291 : vector<1x16xf32> to vector<16xf32>
      %add3A_293 = arith.addf %scan3A_268, %get3A_292 : vector<16xf32>
      %add3A_294 = arith.constant 0 : i32
      %add3A_295 = arith.addi %add3A_294, %scan3A_265 : i32
      %get3A_296 = arith.index_cast %add3A_295 : i32 to index
      %get3A_297 = arith.constant 48 : index
      %get3A_298 = tpu.vector_load %arg6[%get3A_296, %get3A_297] {strides = array<i32>} : memref<400x128xf32, #tpu.memory_space<vmem>>, vector<1x16xf32>,
      %get3A_299 = vector.shape_cast %get3A_298 : vector<1x16xf32> to vector<16xf32>
      %add3A_300 = arith.addf %scan3A_269, %get3A_299 : vector<16xf32>
      %add3A_301 = arith.constant 0 : i32
      %add3A_302 = arith.addi %add3A_301, %scan3A_265 : i32
      %get3A_303 = arith.index_cast %add3A_302 : i32 to index
      %get3A_304 = arith.constant 64 : index
      %get3A_305 = tpu.vector_load %arg6[%get3A_303, %get3A_304] {strides = array<i32>} : memref<400x128xf32, #tpu.memory_space<vmem>>, vector<1x16xf32>,
      %get3A_306 = vector.shape_cast %get3A_305 : vector<1x16xf32> to vector<16xf32>
      %add3A_307 = arith.addf %scan3A_270, %get3A_306 : vector<16xf32>
      %add3A_308 = arith.constant 0 : i32
      %add3A_309 = arith.addi %add3A_308, %scan3A_265 : i32
      %get3A_310 = arith.index_cast %add3A_309 : i32 to index
      %get3A_311 = arith.constant 80 : index
      %get3A_312 = tpu.vector_load %arg6[%get3A_310, %get3A_311] {strides = array<i32>} : memref<400x128xf32, #tpu.memory_space<vmem>>, vector<1x16xf32>,
      %get3A_313 = vector.shape_cast %get3A_312 : vector<1x16xf32> to vector<16xf32>
      %add3A_314 = arith.addf %scan3A_271, %get3A_313 : vector<16xf32>
      %add3A_315 = arith.constant 0 : i32
      %add3A_316 = arith.addi %add3A_315, %scan3A_265 : i32
      %get3A_317 = arith.index_cast %add3A_316 : i32 to index
      %get3A_318 = arith.constant 96 : index
      %get3A_319 = tpu.vector_load %arg6[%get3A_317, %get3A_318] {strides = array<i32>} : memref<400x128xf32, #tpu.memory_space<vmem>>, vector<1x16xf32>,
      %get3A_320 = vector.shape_cast %get3A_319 : vector<1x16xf32> to vector<16xf32>
      %add3A_321 = arith.addf %scan3A_272, %get3A_320 : vector<16xf32>
      %add3A_322 = arith.constant 0 : i32
      %add3A_323 = arith.addi %add3A_322, %scan3A_265 : i32
      %get3A_324 = arith.index_cast %add3A_323 : i32 to index
      %get3A_325 = arith.constant 112 : index
      %get3A_326 = tpu.vector_load %arg6[%get3A_324, %get3A_325] {strides = array<i32>} : memref<400x128xf32, #tpu.memory_space<vmem>>, vector<1x16xf32>,
      %get3A_327 = vector.shape_cast %get3A_326 : vector<1x16xf32> to vector<16xf32>
      %add3A_328 = arith.addf %scan3A_273, %get3A_327 : vector<16xf32>
      scf.yield %add3A_279, %add3A_286, %add3A_293, %add3A_300, %add3A_307, %add3A_314, %add3A_321, %add3A_328 : vector<16xf32>, vector<16xf32>, vector<16xf32>, vector<16xf32>, vector<16xf32>, vector<16xf32>, vector<16xf32>, vector<16xf32>
    }
    %scan3A_98 = arith.constant 200 : i32
    %div3A = arith.constant 2.000000e+02 : f32
    %div3A_99 = vector.broadcast %div3A : f32 to vector<16xf32>
    %div3A_100 = arith.divf %scan3A_97#0, %div3A_99 : vector<16xf32>
    %swap3A = arith.constant 0 : i32
    %swap3A_101 = arith.index_cast %swap3A : i32 to index
    %swap3A_102 = arith.constant 0 : index
    %swap3A_103 = tpu.vector_load %arg7[%swap3A_101, %swap3A_102] {strides = array<i32>} : memref<2x128xf32, #tpu.memory_space<vmem>>, vector<1x16xf32>,
    %swap3A_104 = vector.shape_cast %swap3A_103 : vector<1x16xf32> to vector<16xf32>
    %swap3A_105 = vector.shape_cast %div3A_100 : vector<16xf32> to vector<1x16xf32>
    tpu.vector_store %arg7[%swap3A_101, %swap3A_102], %swap3A_105 {strides = array<i32>} : memref<2x128xf32, #tpu.memory_space<vmem>>, vector<1x16xf32>,
    %div3A_106 = arith.constant 2.000000e+02 : f32
    %div3A_107 = vector.broadcast %div3A_106 : f32 to vector<16xf32>
    %div3A_108 = arith.divf %scan3A_97#1, %div3A_107 : vector<16xf32>
    %swap3A_109 = arith.constant 0 : i32
    %swap3A_110 = arith.index_cast %swap3A_109 : i32 to index
    %swap3A_111 = arith.constant 16 : index
    %swap3A_112 = tpu.vector_load %arg7[%swap3A_110, %swap3A_111] {strides = array<i32>} : memref<2x128xf32, #tpu.memory_space<vmem>>, vector<1x16xf32>,
    %swap3A_113 = vector.shape_cast %swap3A_112 : vector<1x16xf32> to vector<16xf32>
    %swap3A_114 = vector.shape_cast %div3A_108 : vector<16xf32> to vector<1x16xf32>
    tpu.vector_store %arg7[%swap3A_110, %swap3A_111], %swap3A_114 {strides = array<i32>} : memref<2x128xf32, #tpu.memory_space<vmem>>, vector<1x16xf32>,
    %div3A_115 = arith.constant 2.000000e+02 : f32
    %div3A_116 = vector.broadcast %div3A_115 : f32 to vector<16xf32>
    %div3A_117 = arith.divf %scan3A_97#2, %div3A_116 : vector<16xf32>
    %swap3A_118 = arith.constant 0 : i32
    %swap3A_119 = arith.index_cast %swap3A_118 : i32 to index
    %swap3A_120 = arith.constant 32 : index
    %swap3A_121 = tpu.vector_load %arg7[%swap3A_119, %swap3A_120] {strides = array<i32>} : memref<2x128xf32, #tpu.memory_space<vmem>>, vector<1x16xf32>,
    %swap3A_122 = vector.shape_cast %swap3A_121 : vector<1x16xf32> to vector<16xf32>
    %swap3A_123 = vector.shape_cast %div3A_117 : vector<16xf32> to vector<1x16xf32>
    tpu.vector_store %arg7[%swap3A_119, %swap3A_120], %swap3A_123 {strides = array<i32>} : memref<2x128xf32, #tpu.memory_space<vmem>>, vector<1x16xf32>,
    %div3A_124 = arith.constant 2.000000e+02 : f32
    %div3A_125 = vector.broadcast %div3A_124 : f32 to vector<16xf32>
    %div3A_126 = arith.divf %scan3A_97#3, %div3A_125 : vector<16xf32>
    %swap3A_127 = arith.constant 0 : i32
    %swap3A_128 = arith.index_cast %swap3A_127 : i32 to index
    %swap3A_129 = arith.constant 48 : index
    %swap3A_130 = tpu.vector_load %arg7[%swap3A_128, %swap3A_129] {strides = array<i32>} : memref<2x128xf32, #tpu.memory_space<vmem>>, vector<1x16xf32>,
    %swap3A_131 = vector.shape_cast %swap3A_130 : vector<1x16xf32> to vector<16xf32>
    %swap3A_132 = vector.shape_cast %div3A_126 : vector<16xf32> to vector<1x16xf32>
    tpu.vector_store %arg7[%swap3A_128, %swap3A_129], %swap3A_132 {strides = array<i32>} : memref<2x128xf32, #tpu.memory_space<vmem>>, vector<1x16xf32>,
    %div3A_133 = arith.constant 2.000000e+02 : f32
    %div3A_134 = vector.broadcast %div3A_133 : f32 to vector<16xf32>
    %div3A_135 = arith.divf %scan3A_97#4, %div3A_134 : vector<16xf32>
    %swap3A_136 = arith.constant 0 : i32
    %swap3A_137 = arith.index_cast %swap3A_136 : i32 to index
    %swap3A_138 = arith.constant 64 : index
    %swap3A_139 = tpu.vector_load %arg7[%swap3A_137, %swap3A_138] {strides = array<i32>} : memref<2x128xf32, #tpu.memory_space<vmem>>, vector<1x16xf32>,
    %swap3A_140 = vector.shape_cast %swap3A_139 : vector<1x16xf32> to vector<16xf32>
    %swap3A_141 = vector.shape_cast %div3A_135 : vector<16xf32> to vector<1x16xf32>
    tpu.vector_store %arg7[%swap3A_137, %swap3A_138], %swap3A_141 {strides = array<i32>} : memref<2x128xf32, #tpu.memory_space<vmem>>, vector<1x16xf32>,
    %div3A_142 = arith.constant 2.000000e+02 : f32
    %div3A_143 = vector.broadcast %div3A_142 : f32 to vector<16xf32>
    %div3A_144 = arith.divf %scan3A_97#5, %div3A_143 : vector<16xf32>
    %swap3A_145 = arith.constant 0 : i32
    %swap3A_146 = arith.index_cast %swap3A_145 : i32 to index
    %swap3A_147 = arith.constant 80 : index
    %swap3A_148 = tpu.vector_load %arg7[%swap3A_146, %swap3A_147] {strides = array<i32>} : memref<2x128xf32, #tpu.memory_space<vmem>>, vector<1x16xf32>,
    %swap3A_149 = vector.shape_cast %swap3A_148 : vector<1x16xf32> to vector<16xf32>
    %swap3A_150 = vector.shape_cast %div3A_144 : vector<16xf32> to vector<1x16xf32>
    tpu.vector_store %arg7[%swap3A_146, %swap3A_147], %swap3A_150 {strides = array<i32>} : memref<2x128xf32, #tpu.memory_space<vmem>>, vector<1x16xf32>,
    %div3A_151 = arith.constant 2.000000e+02 : f32
    %div3A_152 = vector.broadcast %div3A_151 : f32 to vector<16xf32>
    %div3A_153 = arith.divf %scan3A_97#6, %div3A_152 : vector<16xf32>
    %swap3A_154 = arith.constant 0 : i32
    %swap3A_155 = arith.index_cast %swap3A_154 : i32 to index
    %swap3A_156 = arith.constant 96 : index
    %swap3A_157 = tpu.vector_load %arg7[%swap3A_155, %swap3A_156] {strides = array<i32>} : memref<2x128xf32, #tpu.memory_space<vmem>>, vector<1x16xf32>,
    %swap3A_158 = vector.shape_cast %swap3A_157 : vector<1x16xf32> to vector<16xf32>
    %swap3A_159 = vector.shape_cast %div3A_153 : vector<16xf32> to vector<1x16xf32>
    tpu.vector_store %arg7[%swap3A_155, %swap3A_156], %swap3A_159 {strides = array<i32>} : memref<2x128xf32, #tpu.memory_space<vmem>>, vector<1x16xf32>,
    %div3A_160 = arith.constant 2.000000e+02 : f32
    %div3A_161 = vector.broadcast %div3A_160 : f32 to vector<16xf32>
    %div3A_162 = arith.divf %scan3A_97#7, %div3A_161 : vector<16xf32>
    %swap3A_163 = arith.constant 0 : i32
    %swap3A_164 = arith.index_cast %swap3A_163 : i32 to index
    %swap3A_165 = arith.constant 112 : index
    %swap3A_166 = tpu.vector_load %arg7[%swap3A_164, %swap3A_165] {strides = array<i32>} : memref<2x128xf32, #tpu.memory_space<vmem>>, vector<1x16xf32>,
    %swap3A_167 = vector.shape_cast %swap3A_166 : vector<1x16xf32> to vector<16xf32>
    %swap3A_168 = vector.shape_cast %div3A_162 : vector<16xf32> to vector<1x16xf32>
    tpu.vector_store %arg7[%swap3A_164, %swap3A_165], %swap3A_168 {strides = array<i32>} : memref<2x128xf32, #tpu.memory_space<vmem>>, vector<1x16xf32>,
    %broadcast_in_dim3A_169 = arith.constant 0.000000e+00 : f32
    %broadcast_in_dim3A_170 = vector.broadcast %broadcast_in_dim3A_169 : f32 to vector<16xf32>
    %broadcast_in_dim3A_171 = arith.constant 0.000000e+00 : f32
    %broadcast_in_dim3A_172 = vector.broadcast %broadcast_in_dim3A_171 : f32 to vector<16xf32>
    %broadcast_in_dim3A_173 = arith.constant 0.000000e+00 : f32
    %broadcast_in_dim3A_174 = vector.broadcast %broadcast_in_dim3A_173 : f32 to vector<16xf32>
    %broadcast_in_dim3A_175 = arith.constant 0.000000e+00 : f32
    %broadcast_in_dim3A_176 = vector.broadcast %broadcast_in_dim3A_175 : f32 to vector<16xf32>
    %broadcast_in_dim3A_177 = arith.constant 0.000000e+00 : f32
    %broadcast_in_dim3A_178 = vector.broadcast %broadcast_in_dim3A_177 : f32 to vector<16xf32>
    %broadcast_in_dim3A_179 = arith.constant 0.000000e+00 : f32
    %broadcast_in_dim3A_180 = vector.broadcast %broadcast_in_dim3A_179 : f32 to vector<16xf32>
    %broadcast_in_dim3A_181 = arith.constant 0.000000e+00 : f32
    %broadcast_in_dim3A_182 = vector.broadcast %broadcast_in_dim3A_181 : f32 to vector<16xf32>
    %broadcast_in_dim3A_183 = arith.constant 0.000000e+00 : f32
    %broadcast_in_dim3A_184 = vector.broadcast %broadcast_in_dim3A_183 : f32 to vector<16xf32>
    %scan3A_185 = arith.constant 0 : i32
    %scan3A_186 = arith.constant 200 : i32
    %scan3A_187 = arith.addi %scan3A_185, %scan3A_186 : i32
    %scan3A_188 = arith.constant 1 : i32
    %scan3A_189:8 = scf.for %scan3A_265 = %scan3A_185 to %scan3A_187 step %scan3A_188 iter_args(%scan3A_266 = %broadcast_in_dim3A_170, %scan3A_267 = %broadcast_in_dim3A_172, %scan3A_268 = %broadcast_in_dim3A_174, %scan3A_269 = %broadcast_in_dim3A_176, %scan3A_270 = %broadcast_in_dim3A_178, %scan3A_271 = %broadcast_in_dim3A_180, %scan3A_272 = %broadcast_in_dim3A_182, %scan3A_273 = %broadcast_in_dim3A_184) -> (vector<16xf32>, vector<16xf32>, vector<16xf32>, vector<16xf32>, vector<16xf32>, vector<16xf32>, vector<16xf32>, vector<16xf32>)  : i32 {
      %add3A_274 = arith.constant 200 : i32
      %add3A_275 = arith.addi %add3A_274, %scan3A_265 : i32
      %get3A = arith.index_cast %add3A_275 : i32 to index
      %get3A_276 = arith.constant 0 : index
      %get3A_277 = tpu.vector_load %arg6[%get3A, %get3A_276] {strides = array<i32>} : memref<400x128xf32, #tpu.memory_space<vmem>>, vector<1x16xf32>,
      %get3A_278 = vector.shape_cast %get3A_277 : vector<1x16xf32> to vector<16xf32>
      %add3A_279 = arith.addf %scan3A_266, %get3A_278 : vector<16xf32>
      %add3A_280 = arith.constant 200 : i32
      %add3A_281 = arith.addi %add3A_280, %scan3A_265 : i32
      %get3A_282 = arith.index_cast %add3A_281 : i32 to index
      %get3A_283 = arith.constant 16 : index
      %get3A_284 = tpu.vector_load %arg6[%get3A_282, %get3A_283] {strides = array<i32>} : memref<400x128xf32, #tpu.memory_space<vmem>>, vector<1x16xf32>,
      %get3A_285 = vector.shape_cast %get3A_284 : vector<1x16xf32> to vector<16xf32>
      %add3A_286 = arith.addf %scan3A_267, %get3A_285 : vector<16xf32>
      %add3A_287 = arith.constant 200 : i32
      %add3A_288 = arith.addi %add3A_287, %scan3A_265 : i32
      %get3A_289 = arith.index_cast %add3A_288 : i32 to index
      %get3A_290 = arith.constant 32 : index
      %get3A_291 = tpu.vector_load %arg6[%get3A_289, %get3A_290] {strides = array<i32>} : memref<400x128xf32, #tpu.memory_space<vmem>>, vector<1x16xf32>,
      %get3A_292 = vector.shape_cast %get3A_291 : vector<1x16xf32> to vector<16xf32>
      %add3A_293 = arith.addf %scan3A_268, %get3A_292 : vector<16xf32>
      %add3A_294 = arith.constant 200 : i32
      %add3A_295 = arith.addi %add3A_294, %scan3A_265 : i32
      %get3A_296 = arith.index_cast %add3A_295 : i32 to index
      %get3A_297 = arith.constant 48 : index
      %get3A_298 = tpu.vector_load %arg6[%get3A_296, %get3A_297] {strides = array<i32>} : memref<400x128xf32, #tpu.memory_space<vmem>>, vector<1x16xf32>,
      %get3A_299 = vector.shape_cast %get3A_298 : vector<1x16xf32> to vector<16xf32>
      %add3A_300 = arith.addf %scan3A_269, %get3A_299 : vector<16xf32>
      %add3A_301 = arith.constant 200 : i32
      %add3A_302 = arith.addi %add3A_301, %scan3A_265 : i32
      %get3A_303 = arith.index_cast %add3A_302 : i32 to index
      %get3A_304 = arith.constant 64 : index
      %get3A_305 = tpu.vector_load %arg6[%get3A_303, %get3A_304] {strides = array<i32>} : memref<400x128xf32, #tpu.memory_space<vmem>>, vector<1x16xf32>,
      %get3A_306 = vector.shape_cast %get3A_305 : vector<1x16xf32> to vector<16xf32>
      %add3A_307 = arith.addf %scan3A_270, %get3A_306 : vector<16xf32>
      %add3A_308 = arith.constant 200 : i32
      %add3A_309 = arith.addi %add3A_308, %scan3A_265 : i32
      %get3A_310 = arith.index_cast %add3A_309 : i32 to index
      %get3A_311 = arith.constant 80 : index
      %get3A_312 = tpu.vector_load %arg6[%get3A_310, %get3A_311] {strides = array<i32>} : memref<400x128xf32, #tpu.memory_space<vmem>>, vector<1x16xf32>,
      %get3A_313 = vector.shape_cast %get3A_312 : vector<1x16xf32> to vector<16xf32>
      %add3A_314 = arith.addf %scan3A_271, %get3A_313 : vector<16xf32>
      %add3A_315 = arith.constant 200 : i32
      %add3A_316 = arith.addi %add3A_315, %scan3A_265 : i32
      %get3A_317 = arith.index_cast %add3A_316 : i32 to index
      %get3A_318 = arith.constant 96 : index
      %get3A_319 = tpu.vector_load %arg6[%get3A_317, %get3A_318] {strides = array<i32>} : memref<400x128xf32, #tpu.memory_space<vmem>>, vector<1x16xf32>,
      %get3A_320 = vector.shape_cast %get3A_319 : vector<1x16xf32> to vector<16xf32>
      %add3A_321 = arith.addf %scan3A_272, %get3A_320 : vector<16xf32>
      %add3A_322 = arith.constant 200 : i32
      %add3A_323 = arith.addi %add3A_322, %scan3A_265 : i32
      %get3A_324 = arith.index_cast %add3A_323 : i32 to index
      %get3A_325 = arith.constant 112 : index
      %get3A_326 = tpu.vector_load %arg6[%get3A_324, %get3A_325] {strides = array<i32>} : memref<400x128xf32, #tpu.memory_space<vmem>>, vector<1x16xf32>,
      %get3A_327 = vector.shape_cast %get3A_326 : vector<1x16xf32> to vector<16xf32>
      %add3A_328 = arith.addf %scan3A_273, %get3A_327 : vector<16xf32>
      scf.yield %add3A_279, %add3A_286, %add3A_293, %add3A_300, %add3A_307, %add3A_314, %add3A_321, %add3A_328 : vector<16xf32>, vector<16xf32>, vector<16xf32>, vector<16xf32>, vector<16xf32>, vector<16xf32>, vector<16xf32>, vector<16xf32>
    }
    %scan3A_190 = arith.constant 200 : i32
    %div3A_191 = arith.constant 2.000000e+02 : f32
    %div3A_192 = vector.broadcast %div3A_191 : f32 to vector<16xf32>
    %div3A_193 = arith.divf %scan3A_189#0, %div3A_192 : vector<16xf32>
    %swap3A_194 = arith.constant 1 : i32
    %swap3A_195 = arith.index_cast %swap3A_194 : i32 to index
    %swap3A_196 = arith.constant 0 : index
    %swap3A_197 = tpu.vector_load %arg7[%swap3A_195, %swap3A_196] {strides = array<i32>} : memref<2x128xf32, #tpu.memory_space<vmem>>, vector<1x16xf32>,
    %swap3A_198 = vector.shape_cast %swap3A_197 : vector<1x16xf32> to vector<16xf32>
    %swap3A_199 = vector.shape_cast %div3A_193 : vector<16xf32> to vector<1x16xf32>
    tpu.vector_store %arg7[%swap3A_195, %swap3A_196], %swap3A_199 {strides = array<i32>} : memref<2x128xf32, #tpu.memory_space<vmem>>, vector<1x16xf32>,
    %div3A_200 = arith.constant 2.000000e+02 : f32
    %div3A_201 = vector.broadcast %div3A_200 : f32 to vector<16xf32>
    %div3A_202 = arith.divf %scan3A_189#1, %div3A_201 : vector<16xf32>
    %swap3A_203 = arith.constant 1 : i32
    %swap3A_204 = arith.index_cast %swap3A_203 : i32 to index
    %swap3A_205 = arith.constant 16 : index
    %swap3A_206 = tpu.vector_load %arg7[%swap3A_204, %swap3A_205] {strides = array<i32>} : memref<2x128xf32, #tpu.memory_space<vmem>>, vector<1x16xf32>,
    %swap3A_207 = vector.shape_cast %swap3A_206 : vector<1x16xf32> to vector<16xf32>
    %swap3A_208 = vector.shape_cast %div3A_202 : vector<16xf32> to vector<1x16xf32>
    tpu.vector_store %arg7[%swap3A_204, %swap3A_205], %swap3A_208 {strides = array<i32>} : memref<2x128xf32, #tpu.memory_space<vmem>>, vector<1x16xf32>,
    %div3A_209 = arith.constant 2.000000e+02 : f32
    %div3A_210 = vector.broadcast %div3A_209 : f32 to vector<16xf32>
    %div3A_211 = arith.divf %scan3A_189#2, %div3A_210 : vector<16xf32>
    %swap3A_212 = arith.constant 1 : i32
    %swap3A_213 = arith.index_cast %swap3A_212 : i32 to index
    %swap3A_214 = arith.constant 32 : index
    %swap3A_215 = tpu.vector_load %arg7[%swap3A_213, %swap3A_214] {strides = array<i32>} : memref<2x128xf32, #tpu.memory_space<vmem>>, vector<1x16xf32>,
    %swap3A_216 = vector.shape_cast %swap3A_215 : vector<1x16xf32> to vector<16xf32>
    %swap3A_217 = vector.shape_cast %div3A_211 : vector<16xf32> to vector<1x16xf32>
    tpu.vector_store %arg7[%swap3A_213, %swap3A_214], %swap3A_217 {strides = array<i32>} : memref<2x128xf32, #tpu.memory_space<vmem>>, vector<1x16xf32>,
    %div3A_218 = arith.constant 2.000000e+02 : f32
    %div3A_219 = vector.broadcast %div3A_218 : f32 to vector<16xf32>
    %div3A_220 = arith.divf %scan3A_189#3, %div3A_219 : vector<16xf32>
    %swap3A_221 = arith.constant 1 : i32
    %swap3A_222 = arith.index_cast %swap3A_221 : i32 to index
    %swap3A_223 = arith.constant 48 : index
    %swap3A_224 = tpu.vector_load %arg7[%swap3A_222, %swap3A_223] {strides = array<i32>} : memref<2x128xf32, #tpu.memory_space<vmem>>, vector<1x16xf32>,
    %swap3A_225 = vector.shape_cast %swap3A_224 : vector<1x16xf32> to vector<16xf32>
    %swap3A_226 = vector.shape_cast %div3A_220 : vector<16xf32> to vector<1x16xf32>
    tpu.vector_store %arg7[%swap3A_222, %swap3A_223], %swap3A_226 {strides = array<i32>} : memref<2x128xf32, #tpu.memory_space<vmem>>, vector<1x16xf32>,
    %div3A_227 = arith.constant 2.000000e+02 : f32
    %div3A_228 = vector.broadcast %div3A_227 : f32 to vector<16xf32>
    %div3A_229 = arith.divf %scan3A_189#4, %div3A_228 : vector<16xf32>
    %swap3A_230 = arith.constant 1 : i32
    %swap3A_231 = arith.index_cast %swap3A_230 : i32 to index
    %swap3A_232 = arith.constant 64 : index
    %swap3A_233 = tpu.vector_load %arg7[%swap3A_231, %swap3A_232] {strides = array<i32>} : memref<2x128xf32, #tpu.memory_space<vmem>>, vector<1x16xf32>,
    %swap3A_234 = vector.shape_cast %swap3A_233 : vector<1x16xf32> to vector<16xf32>
    %swap3A_235 = vector.shape_cast %div3A_229 : vector<16xf32> to vector<1x16xf32>
    tpu.vector_store %arg7[%swap3A_231, %swap3A_232], %swap3A_235 {strides = array<i32>} : memref<2x128xf32, #tpu.memory_space<vmem>>, vector<1x16xf32>,
    %div3A_236 = arith.constant 2.000000e+02 : f32
    %div3A_237 = vector.broadcast %div3A_236 : f32 to vector<16xf32>
    %div3A_238 = arith.divf %scan3A_189#5, %div3A_237 : vector<16xf32>
    %swap3A_239 = arith.constant 1 : i32
    %swap3A_240 = arith.index_cast %swap3A_239 : i32 to index
    %swap3A_241 = arith.constant 80 : index
    %swap3A_242 = tpu.vector_load %arg7[%swap3A_240, %swap3A_241] {strides = array<i32>} : memref<2x128xf32, #tpu.memory_space<vmem>>, vector<1x16xf32>,
    %swap3A_243 = vector.shape_cast %swap3A_242 : vector<1x16xf32> to vector<16xf32>
    %swap3A_244 = vector.shape_cast %div3A_238 : vector<16xf32> to vector<1x16xf32>
    tpu.vector_store %arg7[%swap3A_240, %swap3A_241], %swap3A_244 {strides = array<i32>} : memref<2x128xf32, #tpu.memory_space<vmem>>, vector<1x16xf32>,
    %div3A_245 = arith.constant 2.000000e+02 : f32
    %div3A_246 = vector.broadcast %div3A_245 : f32 to vector<16xf32>
    %div3A_247 = arith.divf %scan3A_189#6, %div3A_246 : vector<16xf32>
    %swap3A_248 = arith.constant 1 : i32
    %swap3A_249 = arith.index_cast %swap3A_248 : i32 to index
    %swap3A_250 = arith.constant 96 : index
    %swap3A_251 = tpu.vector_load %arg7[%swap3A_249, %swap3A_250] {strides = array<i32>} : memref<2x128xf32, #tpu.memory_space<vmem>>, vector<1x16xf32>,
    %swap3A_252 = vector.shape_cast %swap3A_251 : vector<1x16xf32> to vector<16xf32>
    %swap3A_253 = vector.shape_cast %div3A_247 : vector<16xf32> to vector<1x16xf32>
    tpu.vector_store %arg7[%swap3A_249, %swap3A_250], %swap3A_253 {strides = array<i32>} : memref<2x128xf32, #tpu.memory_space<vmem>>, vector<1x16xf32>,
    %div3A_254 = arith.constant 2.000000e+02 : f32
    %div3A_255 = vector.broadcast %div3A_254 : f32 to vector<16xf32>
    %div3A_256 = arith.divf %scan3A_189#7, %div3A_255 : vector<16xf32>
    %swap3A_257 = arith.constant 1 : i32
    %swap3A_258 = arith.index_cast %swap3A_257 : i32 to index
    %swap3A_259 = arith.constant 112 : index
    %swap3A_260 = tpu.vector_load %arg7[%swap3A_258, %swap3A_259] {strides = array<i32>} : memref<2x128xf32, #tpu.memory_space<vmem>>, vector<1x16xf32>,
    %swap3A_261 = vector.shape_cast %swap3A_260 : vector<1x16xf32> to vector<16xf32>
    %swap3A_262 = vector.shape_cast %div3A_256 : vector<16xf32> to vector<1x16xf32>
    tpu.vector_store %arg7[%swap3A_258, %swap3A_259], %swap3A_262 {strides = array<i32>} : memref<2x128xf32, #tpu.memory_space<vmem>>, vector<1x16xf32>,
    %mul3A_263 = arith.constant 2 : i32
    %mul3A_264 = arith.muli %add3A, %mul3A_263 : i32
    "tpu.region"() ({
      %run_scoped3A = tpu.sem_alloc : memref<!tpu.dma_semaphore, #tpu.memory_space<semaphore_mem>>
      %dma_start3A_265 = arith.constant 0 : i32
      %dma_start3A_266 = tpu.memref_slice %arg4[%mul3A_264, %dma_start3A_265] : memref<64x128xf32, #tpu.memory_space<hbm>> -> memref<2x128xf32, #tpu.memory_space<hbm>>
      %dma_start3A_267 = arith.constant 0 : i32
      %dma_start3A_268 = tpu.memref_slice %arg4[%mul3A_264, %dma_start3A_267] : memref<64x128xf32, #tpu.memory_space<hbm>> -> memref<2x128xf32, #tpu.memory_space<hbm>>
      tpu.enqueue_dma source(%arg7 : memref<2x128xf32, #tpu.memory_space<vmem>>) target(%dma_start3A_268 : memref<2x128xf32, #tpu.memory_space<hbm>>) target_semaphore(%run_scoped3A : memref<!tpu.dma_semaphore, #tpu.memory_space<semaphore_mem>>)
      %dma_wait3A_269 = arith.constant 0 : i32
      %dma_wait3A_270 = tpu.memref_slice %arg4[%mul3A_264, %dma_wait3A_269] : memref<64x128xf32, #tpu.memory_space<hbm>> -> memref<2x128xf32, #tpu.memory_space<hbm>>
      %dma_wait3A_271 = arith.constant 0 : i32
      %dma_wait3A_272 = tpu.memref_slice %arg4[%mul3A_264, %dma_wait3A_271] : memref<64x128xf32, #tpu.memory_space<hbm>> -> memref<2x128xf32, #tpu.memory_space<hbm>>
      tpu.wait_dma2 semaphore(%run_scoped3A : memref<!tpu.dma_semaphore, #tpu.memory_space<semaphore_mem>>) src(%arg7 : memref<2x128xf32, #tpu.memory_space<vmem>>) dst(%dma_wait3A_272 : memref<2x128xf32, #tpu.memory_space<hbm>>)
      tpu.yield
    }) : () -> ()
    return
  }
}

module attributes {stable_mosaic.version = 14 : i64} {
  func.func @_tc_body(%arg0: memref<64x128xf32, #tpu.memory_space<vmem>>, %arg1: memref<128x128xf32, #tpu.memory_space<vmem>>, %arg2: memref<128x128xf32, #tpu.memory_space<vmem>>, %arg3: memref<128x128xf32, #tpu.memory_space<vmem>>, %arg4: memref<1x128xf32, #tpu.memory_space<vmem>>, %arg5: memref<128x128xf32, #tpu.memory_space<vmem>>, %arg6: memref<1x128xf32, #tpu.memory_space<vmem>>, %arg7: memref<128x1920xf32, #tpu.memory_space<vmem>>, %arg8: memref<1x1920xf32, #tpu.memory_space<vmem>>, %arg9: memref<16x64x128xf32, #tpu.memory_space<vmem>>, %arg10: memref<1x1xf32, #tpu.memory_space<smem>>, %arg11: memref<64x16x128xf32, #tpu.memory_space<vmem>>, %arg12: memref<64x16x128xf32, #tpu.memory_space<vmem>>, %arg13: memref<1x1xf32, #tpu.memory_space<vmem>>, %arg14: memref<1x1xf32, #tpu.memory_space<vmem>>, %arg15: memref<960x128xf32, #tpu.memory_space<vmem>>, %arg16: memref<960x128xf32, #tpu.memory_space<vmem>>, %arg17: memref<16x128xf32, #tpu.memory_space<vmem>>) attributes {dimension_semantics = [], scalar_prefetch = 0 : i64, scratch_operands = 3 : i64, tpu.core_type = #tpu.core_type<tc>} {
    %get3A = arith.constant 0 : index
    %get3A_0 = arith.constant 0 : index
    %get3A_1 = memref.load %arg10[%get3A, %get3A_0] : memref<1x1xf32, #tpu.memory_space<smem>>
    %get3A_2 = arith.constant 0 : index
    %get3A_3 = arith.constant 0 : index
    %get3A_4 = vector.load %arg0[%get3A_2, %get3A_3] : memref<64x128xf32, #tpu.memory_space<vmem>>, vector<64x128xf32>
    %get3A_5 = arith.constant 0 : index
    %get3A_6 = arith.constant 0 : index
    %get3A_7 = vector.load %arg1[%get3A_5, %get3A_6] : memref<128x128xf32, #tpu.memory_space<vmem>>, vector<128x128xf32>
    %get3A_8 = arith.constant 0 : index
    %get3A_9 = arith.constant 0 : index
    %get3A_10 = vector.load %arg2[%get3A_8, %get3A_9] : memref<128x128xf32, #tpu.memory_space<vmem>>, vector<128x128xf32>
    %get3A_11 = arith.constant 0 : index
    %get3A_12 = arith.constant 0 : index
    %get3A_13 = vector.load %arg5[%get3A_11, %get3A_12] : memref<128x128xf32, #tpu.memory_space<vmem>>, vector<128x128xf32>
    %dot_general3A = arith.constant dense<0.000000e+00> : vector<64x128xf32>
    %dot_general3A_14 = tpu.matmul %get3A_4, %get3A_13, %dot_general3A {dimension_numbers = #tpu.dot_dimension_numbers<[1], [0], [0], [1], [0, 0, 1, 1], [], []>, precision = #tpu.contract_precision<fp32>, transpose_lhs_hint = false} : vector<64x128xf32>, vector<128x128xf32>, vector<64x128xf32> -> vector<64x128xf32>
    %get3A_15 = arith.constant 0 : index
    %get3A_16 = arith.constant 0 : index
    %get3A_17 = vector.load %arg6[%get3A_15, %get3A_16] : memref<1x128xf32, #tpu.memory_space<vmem>>, vector<1x128xf32>
    %add3A = vector.broadcast %get3A_17 : vector<1x128xf32> to vector<64x128xf32>
    %add3A_18 = arith.addf %dot_general3A_14, %add3A : vector<64x128xf32>
    %custom_jvp_call3A = arith.constant 0.000000e+00 : f32
    %max3A = vector.broadcast %custom_jvp_call3A : f32 to vector<64x128xf32>
    %max3A_19 = arith.maximumf %add3A_18, %max3A : vector<64x128xf32>
    %sub3A = vector.broadcast %custom_jvp_call3A : f32 to vector<64x128xf32>
    %sub3A_20 = arith.subf %add3A_18, %sub3A : vector<64x128xf32>
    %ne3A = arith.cmpf one, %sub3A_20, %sub3A_20 : vector<64x128xf32>
    %add3A_21 = vector.broadcast %custom_jvp_call3A : f32 to vector<64x128xf32>
    %add3A_22 = arith.addf %add3A_18, %add3A_21 : vector<64x128xf32>
    %abs3A = math.absf %sub3A_20 : vector<64x128xf32>
    %neg3A = arith.constant 0.000000e+00 : f32
    %neg3A_23 = vector.broadcast %neg3A : f32 to vector<64x128xf32>
    %neg3A_24 = arith.subf %neg3A_23, %abs3A : vector<64x128xf32>
    %exp3A = math.exp %neg3A_24 : vector<64x128xf32>
    %log1p3A = math.log1p %exp3A : vector<64x128xf32>
    %add3A_25 = arith.addf %max3A_19, %log1p3A : vector<64x128xf32>
    %select_n3A = arith.select %ne3A, %add3A_22, %add3A_25 : vector<64x128xi1>, vector<64x128xf32>
    %get3A_26 = arith.constant 0 : index
    %get3A_27 = arith.constant 0 : index
    %get3A_28 = vector.load %arg7[%get3A_26, %get3A_27] : memref<128x1920xf32, #tpu.memory_space<vmem>>, vector<128x128xf32>
    %dot_general3A_29 = arith.constant dense<0.000000e+00> : vector<64x128xf32>
    %dot_general3A_30 = tpu.matmul %get3A_4, %get3A_28, %dot_general3A_29 {dimension_numbers = #tpu.dot_dimension_numbers<[1], [0], [0], [1], [0, 0, 1, 1], [], []>, precision = #tpu.contract_precision<fp32>, transpose_lhs_hint = false} : vector<64x128xf32>, vector<128x128xf32>, vector<64x128xf32> -> vector<64x128xf32>
    %get3A_31 = arith.constant 0 : index
    %get3A_32 = arith.constant 0 : index
    %get3A_33 = vector.load %arg8[%get3A_31, %get3A_32] : memref<1x1920xf32, #tpu.memory_space<vmem>>, vector<1x128xf32>
    %add3A_34 = vector.broadcast %get3A_33 : vector<1x128xf32> to vector<64x128xf32>
    %add3A_35 = arith.addf %dot_general3A_30, %add3A_34 : vector<64x128xf32>
    %custom_jvp_call3A_36 = arith.constant 0.000000e+00 : f32
    %max3A_37 = vector.broadcast %custom_jvp_call3A_36 : f32 to vector<64x128xf32>
    %max3A_38 = arith.maximumf %add3A_35, %max3A_37 : vector<64x128xf32>
    %sub3A_39 = vector.broadcast %custom_jvp_call3A_36 : f32 to vector<64x128xf32>
    %sub3A_40 = arith.subf %add3A_35, %sub3A_39 : vector<64x128xf32>
    %ne3A_41 = arith.cmpf one, %sub3A_40, %sub3A_40 : vector<64x128xf32>
    %add3A_42 = vector.broadcast %custom_jvp_call3A_36 : f32 to vector<64x128xf32>
    %add3A_43 = arith.addf %add3A_35, %add3A_42 : vector<64x128xf32>
    %abs3A_44 = math.absf %sub3A_40 : vector<64x128xf32>
    %neg3A_45 = arith.constant 0.000000e+00 : f32
    %neg3A_46 = vector.broadcast %neg3A_45 : f32 to vector<64x128xf32>
    %neg3A_47 = arith.subf %neg3A_46, %abs3A_44 : vector<64x128xf32>
    %exp3A_48 = math.exp %neg3A_47 : vector<64x128xf32>
    %log1p3A_49 = math.log1p %exp3A_48 : vector<64x128xf32>
    %add3A_50 = arith.addf %max3A_38, %log1p3A_49 : vector<64x128xf32>
    %select_n3A_51 = arith.select %ne3A_41, %add3A_43, %add3A_50 : vector<64x128xi1>, vector<64x128xf32>
    %swap3A = arith.constant 0 : index
    %swap3A_52 = arith.constant 0 : index
    %swap3A_53 = vector.load %arg15[%swap3A, %swap3A_52] : memref<960x128xf32, #tpu.memory_space<vmem>>, vector<64x128xf32>
    tpu.vector_store %arg15[%swap3A, %swap3A_52], %select_n3A_51 {strides = array<i32>} : memref<960x128xf32, #tpu.memory_space<vmem>>, vector<64x128xf32>,
    %dot_general3A_54 = arith.constant dense<0.000000e+00> : vector<64x128xf32>
    %dot_general3A_55 = tpu.matmul %select_n3A_51, %get3A_10, %dot_general3A_54 {dimension_numbers = #tpu.dot_dimension_numbers<[1], [0], [0], [1], [0, 0, 1, 1], [], []>, precision = #tpu.contract_precision<fp32>, transpose_lhs_hint = false} : vector<64x128xf32>, vector<128x128xf32>, vector<64x128xf32> -> vector<64x128xf32>
    %swap3A_56 = arith.constant 0 : index
    %swap3A_57 = arith.constant 0 : index
    %swap3A_58 = vector.load %arg16[%swap3A_56, %swap3A_57] : memref<960x128xf32, #tpu.memory_space<vmem>>, vector<64x128xf32>
    tpu.vector_store %arg16[%swap3A_56, %swap3A_57], %dot_general3A_55 {strides = array<i32>} : memref<960x128xf32, #tpu.memory_space<vmem>>, vector<64x128xf32>,
    %get3A_59 = arith.constant 0 : index
    %get3A_60 = arith.constant 128 : index
    %get3A_61 = vector.load %arg7[%get3A_59, %get3A_60] : memref<128x1920xf32, #tpu.memory_space<vmem>>, vector<128x128xf32>
    %dot_general3A_62 = arith.constant dense<0.000000e+00> : vector<64x128xf32>
    %dot_general3A_63 = tpu.matmul %get3A_4, %get3A_61, %dot_general3A_62 {dimension_numbers = #tpu.dot_dimension_numbers<[1], [0], [0], [1], [0, 0, 1, 1], [], []>, precision = #tpu.contract_precision<fp32>, transpose_lhs_hint = false} : vector<64x128xf32>, vector<128x128xf32>, vector<64x128xf32> -> vector<64x128xf32>
    %get3A_64 = arith.constant 0 : index
    %get3A_65 = arith.constant 128 : index
    %get3A_66 = vector.load %arg8[%get3A_64, %get3A_65] : memref<1x1920xf32, #tpu.memory_space<vmem>>, vector<1x128xf32>
    %add3A_67 = vector.broadcast %get3A_66 : vector<1x128xf32> to vector<64x128xf32>
    %add3A_68 = arith.addf %dot_general3A_63, %add3A_67 : vector<64x128xf32>
    %custom_jvp_call3A_69 = arith.constant 0.000000e+00 : f32
    %max3A_70 = vector.broadcast %custom_jvp_call3A_69 : f32 to vector<64x128xf32>
    %max3A_71 = arith.maximumf %add3A_68, %max3A_70 : vector<64x128xf32>
    %sub3A_72 = vector.broadcast %custom_jvp_call3A_69 : f32 to vector<64x128xf32>
    %sub3A_73 = arith.subf %add3A_68, %sub3A_72 : vector<64x128xf32>
    %ne3A_74 = arith.cmpf one, %sub3A_73, %sub3A_73 : vector<64x128xf32>
    %add3A_75 = vector.broadcast %custom_jvp_call3A_69 : f32 to vector<64x128xf32>
    %add3A_76 = arith.addf %add3A_68, %add3A_75 : vector<64x128xf32>
    %abs3A_77 = math.absf %sub3A_73 : vector<64x128xf32>
    %neg3A_78 = arith.constant 0.000000e+00 : f32
    %neg3A_79 = vector.broadcast %neg3A_78 : f32 to vector<64x128xf32>
    %neg3A_80 = arith.subf %neg3A_79, %abs3A_77 : vector<64x128xf32>
    %exp3A_81 = math.exp %neg3A_80 : vector<64x128xf32>
    %log1p3A_82 = math.log1p %exp3A_81 : vector<64x128xf32>
    %add3A_83 = arith.addf %max3A_71, %log1p3A_82 : vector<64x128xf32>
    %select_n3A_84 = arith.select %ne3A_74, %add3A_76, %add3A_83 : vector<64x128xi1>, vector<64x128xf32>
    %swap3A_85 = arith.constant 64 : index
    %swap3A_86 = arith.constant 0 : index
    %swap3A_87 = vector.load %arg15[%swap3A_85, %swap3A_86] : memref<960x128xf32, #tpu.memory_space<vmem>>, vector<64x128xf32>
    tpu.vector_store %arg15[%swap3A_85, %swap3A_86], %select_n3A_84 {strides = array<i32>} : memref<960x128xf32, #tpu.memory_space<vmem>>, vector<64x128xf32>,
    %dot_general3A_88 = arith.constant dense<0.000000e+00> : vector<64x128xf32>
    %dot_general3A_89 = tpu.matmul %select_n3A_84, %get3A_10, %dot_general3A_88 {dimension_numbers = #tpu.dot_dimension_numbers<[1], [0], [0], [1], [0, 0, 1, 1], [], []>, precision = #tpu.contract_precision<fp32>, transpose_lhs_hint = false} : vector<64x128xf32>, vector<128x128xf32>, vector<64x128xf32> -> vector<64x128xf32>
    %swap3A_90 = arith.constant 64 : index
    %swap3A_91 = arith.constant 0 : index
    %swap3A_92 = vector.load %arg16[%swap3A_90, %swap3A_91] : memref<960x128xf32, #tpu.memory_space<vmem>>, vector<64x128xf32>
    tpu.vector_store %arg16[%swap3A_90, %swap3A_91], %dot_general3A_89 {strides = array<i32>} : memref<960x128xf32, #tpu.memory_space<vmem>>, vector<64x128xf32>,
    %get3A_93 = arith.constant 0 : index
    %get3A_94 = arith.constant 256 : index
    %get3A_95 = vector.load %arg7[%get3A_93, %get3A_94] : memref<128x1920xf32, #tpu.memory_space<vmem>>, vector<128x128xf32>
    %dot_general3A_96 = arith.constant dense<0.000000e+00> : vector<64x128xf32>
    %dot_general3A_97 = tpu.matmul %get3A_4, %get3A_95, %dot_general3A_96 {dimension_numbers = #tpu.dot_dimension_numbers<[1], [0], [0], [1], [0, 0, 1, 1], [], []>, precision = #tpu.contract_precision<fp32>, transpose_lhs_hint = false} : vector<64x128xf32>, vector<128x128xf32>, vector<64x128xf32> -> vector<64x128xf32>
    %get3A_98 = arith.constant 0 : index
    %get3A_99 = arith.constant 256 : index
    %get3A_100 = vector.load %arg8[%get3A_98, %get3A_99] : memref<1x1920xf32, #tpu.memory_space<vmem>>, vector<1x128xf32>
    %add3A_101 = vector.broadcast %get3A_100 : vector<1x128xf32> to vector<64x128xf32>
    %add3A_102 = arith.addf %dot_general3A_97, %add3A_101 : vector<64x128xf32>
    %custom_jvp_call3A_103 = arith.constant 0.000000e+00 : f32
    %max3A_104 = vector.broadcast %custom_jvp_call3A_103 : f32 to vector<64x128xf32>
    %max3A_105 = arith.maximumf %add3A_102, %max3A_104 : vector<64x128xf32>
    %sub3A_106 = vector.broadcast %custom_jvp_call3A_103 : f32 to vector<64x128xf32>
    %sub3A_107 = arith.subf %add3A_102, %sub3A_106 : vector<64x128xf32>
    %ne3A_108 = arith.cmpf one, %sub3A_107, %sub3A_107 : vector<64x128xf32>
    %add3A_109 = vector.broadcast %custom_jvp_call3A_103 : f32 to vector<64x128xf32>
    %add3A_110 = arith.addf %add3A_102, %add3A_109 : vector<64x128xf32>
    %abs3A_111 = math.absf %sub3A_107 : vector<64x128xf32>
    %neg3A_112 = arith.constant 0.000000e+00 : f32
    %neg3A_113 = vector.broadcast %neg3A_112 : f32 to vector<64x128xf32>
    %neg3A_114 = arith.subf %neg3A_113, %abs3A_111 : vector<64x128xf32>
    %exp3A_115 = math.exp %neg3A_114 : vector<64x128xf32>
    %log1p3A_116 = math.log1p %exp3A_115 : vector<64x128xf32>
    %add3A_117 = arith.addf %max3A_105, %log1p3A_116 : vector<64x128xf32>
    %select_n3A_118 = arith.select %ne3A_108, %add3A_110, %add3A_117 : vector<64x128xi1>, vector<64x128xf32>
    %swap3A_119 = arith.constant 128 : index
    %swap3A_120 = arith.constant 0 : index
    %swap3A_121 = vector.load %arg15[%swap3A_119, %swap3A_120] : memref<960x128xf32, #tpu.memory_space<vmem>>, vector<64x128xf32>
    tpu.vector_store %arg15[%swap3A_119, %swap3A_120], %select_n3A_118 {strides = array<i32>} : memref<960x128xf32, #tpu.memory_space<vmem>>, vector<64x128xf32>,
    %dot_general3A_122 = arith.constant dense<0.000000e+00> : vector<64x128xf32>
    %dot_general3A_123 = tpu.matmul %select_n3A_118, %get3A_10, %dot_general3A_122 {dimension_numbers = #tpu.dot_dimension_numbers<[1], [0], [0], [1], [0, 0, 1, 1], [], []>, precision = #tpu.contract_precision<fp32>, transpose_lhs_hint = false} : vector<64x128xf32>, vector<128x128xf32>, vector<64x128xf32> -> vector<64x128xf32>
    %swap3A_124 = arith.constant 128 : index
    %swap3A_125 = arith.constant 0 : index
    %swap3A_126 = vector.load %arg16[%swap3A_124, %swap3A_125] : memref<960x128xf32, #tpu.memory_space<vmem>>, vector<64x128xf32>
    tpu.vector_store %arg16[%swap3A_124, %swap3A_125], %dot_general3A_123 {strides = array<i32>} : memref<960x128xf32, #tpu.memory_space<vmem>>, vector<64x128xf32>,
    %get3A_127 = arith.constant 0 : index
    %get3A_128 = arith.constant 384 : index
    %get3A_129 = vector.load %arg7[%get3A_127, %get3A_128] : memref<128x1920xf32, #tpu.memory_space<vmem>>, vector<128x128xf32>
    %dot_general3A_130 = arith.constant dense<0.000000e+00> : vector<64x128xf32>
    %dot_general3A_131 = tpu.matmul %get3A_4, %get3A_129, %dot_general3A_130 {dimension_numbers = #tpu.dot_dimension_numbers<[1], [0], [0], [1], [0, 0, 1, 1], [], []>, precision = #tpu.contract_precision<fp32>, transpose_lhs_hint = false} : vector<64x128xf32>, vector<128x128xf32>, vector<64x128xf32> -> vector<64x128xf32>
    %get3A_132 = arith.constant 0 : index
    %get3A_133 = arith.constant 384 : index
    %get3A_134 = vector.load %arg8[%get3A_132, %get3A_133] : memref<1x1920xf32, #tpu.memory_space<vmem>>, vector<1x128xf32>
    %add3A_135 = vector.broadcast %get3A_134 : vector<1x128xf32> to vector<64x128xf32>
    %add3A_136 = arith.addf %dot_general3A_131, %add3A_135 : vector<64x128xf32>
    %custom_jvp_call3A_137 = arith.constant 0.000000e+00 : f32
    %max3A_138 = vector.broadcast %custom_jvp_call3A_137 : f32 to vector<64x128xf32>
    %max3A_139 = arith.maximumf %add3A_136, %max3A_138 : vector<64x128xf32>
    %sub3A_140 = vector.broadcast %custom_jvp_call3A_137 : f32 to vector<64x128xf32>
    %sub3A_141 = arith.subf %add3A_136, %sub3A_140 : vector<64x128xf32>
    %ne3A_142 = arith.cmpf one, %sub3A_141, %sub3A_141 : vector<64x128xf32>
    %add3A_143 = vector.broadcast %custom_jvp_call3A_137 : f32 to vector<64x128xf32>
    %add3A_144 = arith.addf %add3A_136, %add3A_143 : vector<64x128xf32>
    %abs3A_145 = math.absf %sub3A_141 : vector<64x128xf32>
    %neg3A_146 = arith.constant 0.000000e+00 : f32
    %neg3A_147 = vector.broadcast %neg3A_146 : f32 to vector<64x128xf32>
    %neg3A_148 = arith.subf %neg3A_147, %abs3A_145 : vector<64x128xf32>
    %exp3A_149 = math.exp %neg3A_148 : vector<64x128xf32>
    %log1p3A_150 = math.log1p %exp3A_149 : vector<64x128xf32>
    %add3A_151 = arith.addf %max3A_139, %log1p3A_150 : vector<64x128xf32>
    %select_n3A_152 = arith.select %ne3A_142, %add3A_144, %add3A_151 : vector<64x128xi1>, vector<64x128xf32>
    %swap3A_153 = arith.constant 192 : index
    %swap3A_154 = arith.constant 0 : index
    %swap3A_155 = vector.load %arg15[%swap3A_153, %swap3A_154] : memref<960x128xf32, #tpu.memory_space<vmem>>, vector<64x128xf32>
    tpu.vector_store %arg15[%swap3A_153, %swap3A_154], %select_n3A_152 {strides = array<i32>} : memref<960x128xf32, #tpu.memory_space<vmem>>, vector<64x128xf32>,
    %dot_general3A_156 = arith.constant dense<0.000000e+00> : vector<64x128xf32>
    %dot_general3A_157 = tpu.matmul %select_n3A_152, %get3A_10, %dot_general3A_156 {dimension_numbers = #tpu.dot_dimension_numbers<[1], [0], [0], [1], [0, 0, 1, 1], [], []>, precision = #tpu.contract_precision<fp32>, transpose_lhs_hint = false} : vector<64x128xf32>, vector<128x128xf32>, vector<64x128xf32> -> vector<64x128xf32>
    %swap3A_158 = arith.constant 192 : index
    %swap3A_159 = arith.constant 0 : index
    %swap3A_160 = vector.load %arg16[%swap3A_158, %swap3A_159] : memref<960x128xf32, #tpu.memory_space<vmem>>, vector<64x128xf32>
    tpu.vector_store %arg16[%swap3A_158, %swap3A_159], %dot_general3A_157 {strides = array<i32>} : memref<960x128xf32, #tpu.memory_space<vmem>>, vector<64x128xf32>,
    %get3A_161 = arith.constant 0 : index
    %get3A_162 = arith.constant 512 : index
    %get3A_163 = vector.load %arg7[%get3A_161, %get3A_162] : memref<128x1920xf32, #tpu.memory_space<vmem>>, vector<128x128xf32>
    %dot_general3A_164 = arith.constant dense<0.000000e+00> : vector<64x128xf32>
    %dot_general3A_165 = tpu.matmul %get3A_4, %get3A_163, %dot_general3A_164 {dimension_numbers = #tpu.dot_dimension_numbers<[1], [0], [0], [1], [0, 0, 1, 1], [], []>, precision = #tpu.contract_precision<fp32>, transpose_lhs_hint = false} : vector<64x128xf32>, vector<128x128xf32>, vector<64x128xf32> -> vector<64x128xf32>
    %get3A_166 = arith.constant 0 : index
    %get3A_167 = arith.constant 512 : index
    %get3A_168 = vector.load %arg8[%get3A_166, %get3A_167] : memref<1x1920xf32, #tpu.memory_space<vmem>>, vector<1x128xf32>
    %add3A_169 = vector.broadcast %get3A_168 : vector<1x128xf32> to vector<64x128xf32>
    %add3A_170 = arith.addf %dot_general3A_165, %add3A_169 : vector<64x128xf32>
    %custom_jvp_call3A_171 = arith.constant 0.000000e+00 : f32
    %max3A_172 = vector.broadcast %custom_jvp_call3A_171 : f32 to vector<64x128xf32>
    %max3A_173 = arith.maximumf %add3A_170, %max3A_172 : vector<64x128xf32>
    %sub3A_174 = vector.broadcast %custom_jvp_call3A_171 : f32 to vector<64x128xf32>
    %sub3A_175 = arith.subf %add3A_170, %sub3A_174 : vector<64x128xf32>
    %ne3A_176 = arith.cmpf one, %sub3A_175, %sub3A_175 : vector<64x128xf32>
    %add3A_177 = vector.broadcast %custom_jvp_call3A_171 : f32 to vector<64x128xf32>
    %add3A_178 = arith.addf %add3A_170, %add3A_177 : vector<64x128xf32>
    %abs3A_179 = math.absf %sub3A_175 : vector<64x128xf32>
    %neg3A_180 = arith.constant 0.000000e+00 : f32
    %neg3A_181 = vector.broadcast %neg3A_180 : f32 to vector<64x128xf32>
    %neg3A_182 = arith.subf %neg3A_181, %abs3A_179 : vector<64x128xf32>
    %exp3A_183 = math.exp %neg3A_182 : vector<64x128xf32>
    %log1p3A_184 = math.log1p %exp3A_183 : vector<64x128xf32>
    %add3A_185 = arith.addf %max3A_173, %log1p3A_184 : vector<64x128xf32>
    %select_n3A_186 = arith.select %ne3A_176, %add3A_178, %add3A_185 : vector<64x128xi1>, vector<64x128xf32>
    %swap3A_187 = arith.constant 256 : index
    %swap3A_188 = arith.constant 0 : index
    %swap3A_189 = vector.load %arg15[%swap3A_187, %swap3A_188] : memref<960x128xf32, #tpu.memory_space<vmem>>, vector<64x128xf32>
    tpu.vector_store %arg15[%swap3A_187, %swap3A_188], %select_n3A_186 {strides = array<i32>} : memref<960x128xf32, #tpu.memory_space<vmem>>, vector<64x128xf32>,
    %dot_general3A_190 = arith.constant dense<0.000000e+00> : vector<64x128xf32>
    %dot_general3A_191 = tpu.matmul %select_n3A_186, %get3A_10, %dot_general3A_190 {dimension_numbers = #tpu.dot_dimension_numbers<[1], [0], [0], [1], [0, 0, 1, 1], [], []>, precision = #tpu.contract_precision<fp32>, transpose_lhs_hint = false} : vector<64x128xf32>, vector<128x128xf32>, vector<64x128xf32> -> vector<64x128xf32>
    %swap3A_192 = arith.constant 256 : index
    %swap3A_193 = arith.constant 0 : index
    %swap3A_194 = vector.load %arg16[%swap3A_192, %swap3A_193] : memref<960x128xf32, #tpu.memory_space<vmem>>, vector<64x128xf32>
    tpu.vector_store %arg16[%swap3A_192, %swap3A_193], %dot_general3A_191 {strides = array<i32>} : memref<960x128xf32, #tpu.memory_space<vmem>>, vector<64x128xf32>,
    %get3A_195 = arith.constant 0 : index
    %get3A_196 = arith.constant 640 : index
    %get3A_197 = vector.load %arg7[%get3A_195, %get3A_196] : memref<128x1920xf32, #tpu.memory_space<vmem>>, vector<128x128xf32>
    %dot_general3A_198 = arith.constant dense<0.000000e+00> : vector<64x128xf32>
    %dot_general3A_199 = tpu.matmul %get3A_4, %get3A_197, %dot_general3A_198 {dimension_numbers = #tpu.dot_dimension_numbers<[1], [0], [0], [1], [0, 0, 1, 1], [], []>, precision = #tpu.contract_precision<fp32>, transpose_lhs_hint = false} : vector<64x128xf32>, vector<128x128xf32>, vector<64x128xf32> -> vector<64x128xf32>
    %get3A_200 = arith.constant 0 : index
    %get3A_201 = arith.constant 640 : index
    %get3A_202 = vector.load %arg8[%get3A_200, %get3A_201] : memref<1x1920xf32, #tpu.memory_space<vmem>>, vector<1x128xf32>
    %add3A_203 = vector.broadcast %get3A_202 : vector<1x128xf32> to vector<64x128xf32>
    %add3A_204 = arith.addf %dot_general3A_199, %add3A_203 : vector<64x128xf32>
    %custom_jvp_call3A_205 = arith.constant 0.000000e+00 : f32
    %max3A_206 = vector.broadcast %custom_jvp_call3A_205 : f32 to vector<64x128xf32>
    %max3A_207 = arith.maximumf %add3A_204, %max3A_206 : vector<64x128xf32>
    %sub3A_208 = vector.broadcast %custom_jvp_call3A_205 : f32 to vector<64x128xf32>
    %sub3A_209 = arith.subf %add3A_204, %sub3A_208 : vector<64x128xf32>
    %ne3A_210 = arith.cmpf one, %sub3A_209, %sub3A_209 : vector<64x128xf32>
    %add3A_211 = vector.broadcast %custom_jvp_call3A_205 : f32 to vector<64x128xf32>
    %add3A_212 = arith.addf %add3A_204, %add3A_211 : vector<64x128xf32>
    %abs3A_213 = math.absf %sub3A_209 : vector<64x128xf32>
    %neg3A_214 = arith.constant 0.000000e+00 : f32
    %neg3A_215 = vector.broadcast %neg3A_214 : f32 to vector<64x128xf32>
    %neg3A_216 = arith.subf %neg3A_215, %abs3A_213 : vector<64x128xf32>
    %exp3A_217 = math.exp %neg3A_216 : vector<64x128xf32>
    %log1p3A_218 = math.log1p %exp3A_217 : vector<64x128xf32>
    %add3A_219 = arith.addf %max3A_207, %log1p3A_218 : vector<64x128xf32>
    %select_n3A_220 = arith.select %ne3A_210, %add3A_212, %add3A_219 : vector<64x128xi1>, vector<64x128xf32>
    %swap3A_221 = arith.constant 320 : index
    %swap3A_222 = arith.constant 0 : index
    %swap3A_223 = vector.load %arg15[%swap3A_221, %swap3A_222] : memref<960x128xf32, #tpu.memory_space<vmem>>, vector<64x128xf32>
    tpu.vector_store %arg15[%swap3A_221, %swap3A_222], %select_n3A_220 {strides = array<i32>} : memref<960x128xf32, #tpu.memory_space<vmem>>, vector<64x128xf32>,
    %dot_general3A_224 = arith.constant dense<0.000000e+00> : vector<64x128xf32>
    %dot_general3A_225 = tpu.matmul %select_n3A_220, %get3A_10, %dot_general3A_224 {dimension_numbers = #tpu.dot_dimension_numbers<[1], [0], [0], [1], [0, 0, 1, 1], [], []>, precision = #tpu.contract_precision<fp32>, transpose_lhs_hint = false} : vector<64x128xf32>, vector<128x128xf32>, vector<64x128xf32> -> vector<64x128xf32>
    %swap3A_226 = arith.constant 320 : index
    %swap3A_227 = arith.constant 0 : index
    %swap3A_228 = vector.load %arg16[%swap3A_226, %swap3A_227] : memref<960x128xf32, #tpu.memory_space<vmem>>, vector<64x128xf32>
    tpu.vector_store %arg16[%swap3A_226, %swap3A_227], %dot_general3A_225 {strides = array<i32>} : memref<960x128xf32, #tpu.memory_space<vmem>>, vector<64x128xf32>,
    %get3A_229 = arith.constant 0 : index
    %get3A_230 = arith.constant 768 : index
    %get3A_231 = vector.load %arg7[%get3A_229, %get3A_230] : memref<128x1920xf32, #tpu.memory_space<vmem>>, vector<128x128xf32>
    %dot_general3A_232 = arith.constant dense<0.000000e+00> : vector<64x128xf32>
    %dot_general3A_233 = tpu.matmul %get3A_4, %get3A_231, %dot_general3A_232 {dimension_numbers = #tpu.dot_dimension_numbers<[1], [0], [0], [1], [0, 0, 1, 1], [], []>, precision = #tpu.contract_precision<fp32>, transpose_lhs_hint = false} : vector<64x128xf32>, vector<128x128xf32>, vector<64x128xf32> -> vector<64x128xf32>
    %get3A_234 = arith.constant 0 : index
    %get3A_235 = arith.constant 768 : index
    %get3A_236 = vector.load %arg8[%get3A_234, %get3A_235] : memref<1x1920xf32, #tpu.memory_space<vmem>>, vector<1x128xf32>
    %add3A_237 = vector.broadcast %get3A_236 : vector<1x128xf32> to vector<64x128xf32>
    %add3A_238 = arith.addf %dot_general3A_233, %add3A_237 : vector<64x128xf32>
    %custom_jvp_call3A_239 = arith.constant 0.000000e+00 : f32
    %max3A_240 = vector.broadcast %custom_jvp_call3A_239 : f32 to vector<64x128xf32>
    %max3A_241 = arith.maximumf %add3A_238, %max3A_240 : vector<64x128xf32>
    %sub3A_242 = vector.broadcast %custom_jvp_call3A_239 : f32 to vector<64x128xf32>
    %sub3A_243 = arith.subf %add3A_238, %sub3A_242 : vector<64x128xf32>
    %ne3A_244 = arith.cmpf one, %sub3A_243, %sub3A_243 : vector<64x128xf32>
    %add3A_245 = vector.broadcast %custom_jvp_call3A_239 : f32 to vector<64x128xf32>
    %add3A_246 = arith.addf %add3A_238, %add3A_245 : vector<64x128xf32>
    %abs3A_247 = math.absf %sub3A_243 : vector<64x128xf32>
    %neg3A_248 = arith.constant 0.000000e+00 : f32
    %neg3A_249 = vector.broadcast %neg3A_248 : f32 to vector<64x128xf32>
    %neg3A_250 = arith.subf %neg3A_249, %abs3A_247 : vector<64x128xf32>
    %exp3A_251 = math.exp %neg3A_250 : vector<64x128xf32>
    %log1p3A_252 = math.log1p %exp3A_251 : vector<64x128xf32>
    %add3A_253 = arith.addf %max3A_241, %log1p3A_252 : vector<64x128xf32>
    %select_n3A_254 = arith.select %ne3A_244, %add3A_246, %add3A_253 : vector<64x128xi1>, vector<64x128xf32>
    %swap3A_255 = arith.constant 384 : index
    %swap3A_256 = arith.constant 0 : index
    %swap3A_257 = vector.load %arg15[%swap3A_255, %swap3A_256] : memref<960x128xf32, #tpu.memory_space<vmem>>, vector<64x128xf32>
    tpu.vector_store %arg15[%swap3A_255, %swap3A_256], %select_n3A_254 {strides = array<i32>} : memref<960x128xf32, #tpu.memory_space<vmem>>, vector<64x128xf32>,
    %dot_general3A_258 = arith.constant dense<0.000000e+00> : vector<64x128xf32>
    %dot_general3A_259 = tpu.matmul %select_n3A_254, %get3A_10, %dot_general3A_258 {dimension_numbers = #tpu.dot_dimension_numbers<[1], [0], [0], [1], [0, 0, 1, 1], [], []>, precision = #tpu.contract_precision<fp32>, transpose_lhs_hint = false} : vector<64x128xf32>, vector<128x128xf32>, vector<64x128xf32> -> vector<64x128xf32>
    %swap3A_260 = arith.constant 384 : index
    %swap3A_261 = arith.constant 0 : index
    %swap3A_262 = vector.load %arg16[%swap3A_260, %swap3A_261] : memref<960x128xf32, #tpu.memory_space<vmem>>, vector<64x128xf32>
    tpu.vector_store %arg16[%swap3A_260, %swap3A_261], %dot_general3A_259 {strides = array<i32>} : memref<960x128xf32, #tpu.memory_space<vmem>>, vector<64x128xf32>,
    %get3A_263 = arith.constant 0 : index
    %get3A_264 = arith.constant 896 : index
    %get3A_265 = vector.load %arg7[%get3A_263, %get3A_264] : memref<128x1920xf32, #tpu.memory_space<vmem>>, vector<128x128xf32>
    %dot_general3A_266 = arith.constant dense<0.000000e+00> : vector<64x128xf32>
    %dot_general3A_267 = tpu.matmul %get3A_4, %get3A_265, %dot_general3A_266 {dimension_numbers = #tpu.dot_dimension_numbers<[1], [0], [0], [1], [0, 0, 1, 1], [], []>, precision = #tpu.contract_precision<fp32>, transpose_lhs_hint = false} : vector<64x128xf32>, vector<128x128xf32>, vector<64x128xf32> -> vector<64x128xf32>
    %get3A_268 = arith.constant 0 : index
    %get3A_269 = arith.constant 896 : index
    %get3A_270 = vector.load %arg8[%get3A_268, %get3A_269] : memref<1x1920xf32, #tpu.memory_space<vmem>>, vector<1x128xf32>
    %add3A_271 = vector.broadcast %get3A_270 : vector<1x128xf32> to vector<64x128xf32>
    %add3A_272 = arith.addf %dot_general3A_267, %add3A_271 : vector<64x128xf32>
    %custom_jvp_call3A_273 = arith.constant 0.000000e+00 : f32
    %max3A_274 = vector.broadcast %custom_jvp_call3A_273 : f32 to vector<64x128xf32>
    %max3A_275 = arith.maximumf %add3A_272, %max3A_274 : vector<64x128xf32>
    %sub3A_276 = vector.broadcast %custom_jvp_call3A_273 : f32 to vector<64x128xf32>
    %sub3A_277 = arith.subf %add3A_272, %sub3A_276 : vector<64x128xf32>
    %ne3A_278 = arith.cmpf one, %sub3A_277, %sub3A_277 : vector<64x128xf32>
    %add3A_279 = vector.broadcast %custom_jvp_call3A_273 : f32 to vector<64x128xf32>
    %add3A_280 = arith.addf %add3A_272, %add3A_279 : vector<64x128xf32>
    %abs3A_281 = math.absf %sub3A_277 : vector<64x128xf32>
    %neg3A_282 = arith.constant 0.000000e+00 : f32
    %neg3A_283 = vector.broadcast %neg3A_282 : f32 to vector<64x128xf32>
    %neg3A_284 = arith.subf %neg3A_283, %abs3A_281 : vector<64x128xf32>
    %exp3A_285 = math.exp %neg3A_284 : vector<64x128xf32>
    %log1p3A_286 = math.log1p %exp3A_285 : vector<64x128xf32>
    %add3A_287 = arith.addf %max3A_275, %log1p3A_286 : vector<64x128xf32>
    %select_n3A_288 = arith.select %ne3A_278, %add3A_280, %add3A_287 : vector<64x128xi1>, vector<64x128xf32>
    %swap3A_289 = arith.constant 448 : index
    %swap3A_290 = arith.constant 0 : index
    %swap3A_291 = vector.load %arg15[%swap3A_289, %swap3A_290] : memref<960x128xf32, #tpu.memory_space<vmem>>, vector<64x128xf32>
    tpu.vector_store %arg15[%swap3A_289, %swap3A_290], %select_n3A_288 {strides = array<i32>} : memref<960x128xf32, #tpu.memory_space<vmem>>, vector<64x128xf32>,
    %dot_general3A_292 = arith.constant dense<0.000000e+00> : vector<64x128xf32>
    %dot_general3A_293 = tpu.matmul %select_n3A_288, %get3A_10, %dot_general3A_292 {dimension_numbers = #tpu.dot_dimension_numbers<[1], [0], [0], [1], [0, 0, 1, 1], [], []>, precision = #tpu.contract_precision<fp32>, transpose_lhs_hint = false} : vector<64x128xf32>, vector<128x128xf32>, vector<64x128xf32> -> vector<64x128xf32>
    %swap3A_294 = arith.constant 448 : index
    %swap3A_295 = arith.constant 0 : index
    %swap3A_296 = vector.load %arg16[%swap3A_294, %swap3A_295] : memref<960x128xf32, #tpu.memory_space<vmem>>, vector<64x128xf32>
    tpu.vector_store %arg16[%swap3A_294, %swap3A_295], %dot_general3A_293 {strides = array<i32>} : memref<960x128xf32, #tpu.memory_space<vmem>>, vector<64x128xf32>,
    %get3A_297 = arith.constant 0 : index
    %get3A_298 = arith.constant 1024 : index
    %get3A_299 = vector.load %arg7[%get3A_297, %get3A_298] : memref<128x1920xf32, #tpu.memory_space<vmem>>, vector<128x128xf32>
    %dot_general3A_300 = arith.constant dense<0.000000e+00> : vector<64x128xf32>
    %dot_general3A_301 = tpu.matmul %get3A_4, %get3A_299, %dot_general3A_300 {dimension_numbers = #tpu.dot_dimension_numbers<[1], [0], [0], [1], [0, 0, 1, 1], [], []>, precision = #tpu.contract_precision<fp32>, transpose_lhs_hint = false} : vector<64x128xf32>, vector<128x128xf32>, vector<64x128xf32> -> vector<64x128xf32>
    %get3A_302 = arith.constant 0 : index
    %get3A_303 = arith.constant 1024 : index
    %get3A_304 = vector.load %arg8[%get3A_302, %get3A_303] : memref<1x1920xf32, #tpu.memory_space<vmem>>, vector<1x128xf32>
    %add3A_305 = vector.broadcast %get3A_304 : vector<1x128xf32> to vector<64x128xf32>
    %add3A_306 = arith.addf %dot_general3A_301, %add3A_305 : vector<64x128xf32>
    %custom_jvp_call3A_307 = arith.constant 0.000000e+00 : f32
    %max3A_308 = vector.broadcast %custom_jvp_call3A_307 : f32 to vector<64x128xf32>
    %max3A_309 = arith.maximumf %add3A_306, %max3A_308 : vector<64x128xf32>
    %sub3A_310 = vector.broadcast %custom_jvp_call3A_307 : f32 to vector<64x128xf32>
    %sub3A_311 = arith.subf %add3A_306, %sub3A_310 : vector<64x128xf32>
    %ne3A_312 = arith.cmpf one, %sub3A_311, %sub3A_311 : vector<64x128xf32>
    %add3A_313 = vector.broadcast %custom_jvp_call3A_307 : f32 to vector<64x128xf32>
    %add3A_314 = arith.addf %add3A_306, %add3A_313 : vector<64x128xf32>
    %abs3A_315 = math.absf %sub3A_311 : vector<64x128xf32>
    %neg3A_316 = arith.constant 0.000000e+00 : f32
    %neg3A_317 = vector.broadcast %neg3A_316 : f32 to vector<64x128xf32>
    %neg3A_318 = arith.subf %neg3A_317, %abs3A_315 : vector<64x128xf32>
    %exp3A_319 = math.exp %neg3A_318 : vector<64x128xf32>
    %log1p3A_320 = math.log1p %exp3A_319 : vector<64x128xf32>
    %add3A_321 = arith.addf %max3A_309, %log1p3A_320 : vector<64x128xf32>
    %select_n3A_322 = arith.select %ne3A_312, %add3A_314, %add3A_321 : vector<64x128xi1>, vector<64x128xf32>
    %swap3A_323 = arith.constant 512 : index
    %swap3A_324 = arith.constant 0 : index
    %swap3A_325 = vector.load %arg15[%swap3A_323, %swap3A_324] : memref<960x128xf32, #tpu.memory_space<vmem>>, vector<64x128xf32>
    tpu.vector_store %arg15[%swap3A_323, %swap3A_324], %select_n3A_322 {strides = array<i32>} : memref<960x128xf32, #tpu.memory_space<vmem>>, vector<64x128xf32>,
    %dot_general3A_326 = arith.constant dense<0.000000e+00> : vector<64x128xf32>
    %dot_general3A_327 = tpu.matmul %select_n3A_322, %get3A_10, %dot_general3A_326 {dimension_numbers = #tpu.dot_dimension_numbers<[1], [0], [0], [1], [0, 0, 1, 1], [], []>, precision = #tpu.contract_precision<fp32>, transpose_lhs_hint = false} : vector<64x128xf32>, vector<128x128xf32>, vector<64x128xf32> -> vector<64x128xf32>
    %swap3A_328 = arith.constant 512 : index
    %swap3A_329 = arith.constant 0 : index
    %swap3A_330 = vector.load %arg16[%swap3A_328, %swap3A_329] : memref<960x128xf32, #tpu.memory_space<vmem>>, vector<64x128xf32>
    tpu.vector_store %arg16[%swap3A_328, %swap3A_329], %dot_general3A_327 {strides = array<i32>} : memref<960x128xf32, #tpu.memory_space<vmem>>, vector<64x128xf32>,
    %get3A_331 = arith.constant 0 : index
    %get3A_332 = arith.constant 1152 : index
    %get3A_333 = vector.load %arg7[%get3A_331, %get3A_332] : memref<128x1920xf32, #tpu.memory_space<vmem>>, vector<128x128xf32>
    %dot_general3A_334 = arith.constant dense<0.000000e+00> : vector<64x128xf32>
    %dot_general3A_335 = tpu.matmul %get3A_4, %get3A_333, %dot_general3A_334 {dimension_numbers = #tpu.dot_dimension_numbers<[1], [0], [0], [1], [0, 0, 1, 1], [], []>, precision = #tpu.contract_precision<fp32>, transpose_lhs_hint = false} : vector<64x128xf32>, vector<128x128xf32>, vector<64x128xf32> -> vector<64x128xf32>
    %get3A_336 = arith.constant 0 : index
    %get3A_337 = arith.constant 1152 : index
    %get3A_338 = vector.load %arg8[%get3A_336, %get3A_337] : memref<1x1920xf32, #tpu.memory_space<vmem>>, vector<1x128xf32>
    %add3A_339 = vector.broadcast %get3A_338 : vector<1x128xf32> to vector<64x128xf32>
    %add3A_340 = arith.addf %dot_general3A_335, %add3A_339 : vector<64x128xf32>
    %custom_jvp_call3A_341 = arith.constant 0.000000e+00 : f32
    %max3A_342 = vector.broadcast %custom_jvp_call3A_341 : f32 to vector<64x128xf32>
    %max3A_343 = arith.maximumf %add3A_340, %max3A_342 : vector<64x128xf32>
    %sub3A_344 = vector.broadcast %custom_jvp_call3A_341 : f32 to vector<64x128xf32>
    %sub3A_345 = arith.subf %add3A_340, %sub3A_344 : vector<64x128xf32>
    %ne3A_346 = arith.cmpf one, %sub3A_345, %sub3A_345 : vector<64x128xf32>
    %add3A_347 = vector.broadcast %custom_jvp_call3A_341 : f32 to vector<64x128xf32>
    %add3A_348 = arith.addf %add3A_340, %add3A_347 : vector<64x128xf32>
    %abs3A_349 = math.absf %sub3A_345 : vector<64x128xf32>
    %neg3A_350 = arith.constant 0.000000e+00 : f32
    %neg3A_351 = vector.broadcast %neg3A_350 : f32 to vector<64x128xf32>
    %neg3A_352 = arith.subf %neg3A_351, %abs3A_349 : vector<64x128xf32>
    %exp3A_353 = math.exp %neg3A_352 : vector<64x128xf32>
    %log1p3A_354 = math.log1p %exp3A_353 : vector<64x128xf32>
    %add3A_355 = arith.addf %max3A_343, %log1p3A_354 : vector<64x128xf32>
    %select_n3A_356 = arith.select %ne3A_346, %add3A_348, %add3A_355 : vector<64x128xi1>, vector<64x128xf32>
    %swap3A_357 = arith.constant 576 : index
    %swap3A_358 = arith.constant 0 : index
    %swap3A_359 = vector.load %arg15[%swap3A_357, %swap3A_358] : memref<960x128xf32, #tpu.memory_space<vmem>>, vector<64x128xf32>
    tpu.vector_store %arg15[%swap3A_357, %swap3A_358], %select_n3A_356 {strides = array<i32>} : memref<960x128xf32, #tpu.memory_space<vmem>>, vector<64x128xf32>,
    %dot_general3A_360 = arith.constant dense<0.000000e+00> : vector<64x128xf32>
    %dot_general3A_361 = tpu.matmul %select_n3A_356, %get3A_10, %dot_general3A_360 {dimension_numbers = #tpu.dot_dimension_numbers<[1], [0], [0], [1], [0, 0, 1, 1], [], []>, precision = #tpu.contract_precision<fp32>, transpose_lhs_hint = false} : vector<64x128xf32>, vector<128x128xf32>, vector<64x128xf32> -> vector<64x128xf32>
    %swap3A_362 = arith.constant 576 : index
    %swap3A_363 = arith.constant 0 : index
    %swap3A_364 = vector.load %arg16[%swap3A_362, %swap3A_363] : memref<960x128xf32, #tpu.memory_space<vmem>>, vector<64x128xf32>
    tpu.vector_store %arg16[%swap3A_362, %swap3A_363], %dot_general3A_361 {strides = array<i32>} : memref<960x128xf32, #tpu.memory_space<vmem>>, vector<64x128xf32>,
    %get3A_365 = arith.constant 0 : index
    %get3A_366 = arith.constant 1280 : index
    %get3A_367 = vector.load %arg7[%get3A_365, %get3A_366] : memref<128x1920xf32, #tpu.memory_space<vmem>>, vector<128x128xf32>
    %dot_general3A_368 = arith.constant dense<0.000000e+00> : vector<64x128xf32>
    %dot_general3A_369 = tpu.matmul %get3A_4, %get3A_367, %dot_general3A_368 {dimension_numbers = #tpu.dot_dimension_numbers<[1], [0], [0], [1], [0, 0, 1, 1], [], []>, precision = #tpu.contract_precision<fp32>, transpose_lhs_hint = false} : vector<64x128xf32>, vector<128x128xf32>, vector<64x128xf32> -> vector<64x128xf32>
    %get3A_370 = arith.constant 0 : index
    %get3A_371 = arith.constant 1280 : index
    %get3A_372 = vector.load %arg8[%get3A_370, %get3A_371] : memref<1x1920xf32, #tpu.memory_space<vmem>>, vector<1x128xf32>
    %add3A_373 = vector.broadcast %get3A_372 : vector<1x128xf32> to vector<64x128xf32>
    %add3A_374 = arith.addf %dot_general3A_369, %add3A_373 : vector<64x128xf32>
    %custom_jvp_call3A_375 = arith.constant 0.000000e+00 : f32
    %max3A_376 = vector.broadcast %custom_jvp_call3A_375 : f32 to vector<64x128xf32>
    %max3A_377 = arith.maximumf %add3A_374, %max3A_376 : vector<64x128xf32>
    %sub3A_378 = vector.broadcast %custom_jvp_call3A_375 : f32 to vector<64x128xf32>
    %sub3A_379 = arith.subf %add3A_374, %sub3A_378 : vector<64x128xf32>
    %ne3A_380 = arith.cmpf one, %sub3A_379, %sub3A_379 : vector<64x128xf32>
    %add3A_381 = vector.broadcast %custom_jvp_call3A_375 : f32 to vector<64x128xf32>
    %add3A_382 = arith.addf %add3A_374, %add3A_381 : vector<64x128xf32>
    %abs3A_383 = math.absf %sub3A_379 : vector<64x128xf32>
    %neg3A_384 = arith.constant 0.000000e+00 : f32
    %neg3A_385 = vector.broadcast %neg3A_384 : f32 to vector<64x128xf32>
    %neg3A_386 = arith.subf %neg3A_385, %abs3A_383 : vector<64x128xf32>
    %exp3A_387 = math.exp %neg3A_386 : vector<64x128xf32>
    %log1p3A_388 = math.log1p %exp3A_387 : vector<64x128xf32>
    %add3A_389 = arith.addf %max3A_377, %log1p3A_388 : vector<64x128xf32>
    %select_n3A_390 = arith.select %ne3A_380, %add3A_382, %add3A_389 : vector<64x128xi1>, vector<64x128xf32>
    %swap3A_391 = arith.constant 640 : index
    %swap3A_392 = arith.constant 0 : index
    %swap3A_393 = vector.load %arg15[%swap3A_391, %swap3A_392] : memref<960x128xf32, #tpu.memory_space<vmem>>, vector<64x128xf32>
    tpu.vector_store %arg15[%swap3A_391, %swap3A_392], %select_n3A_390 {strides = array<i32>} : memref<960x128xf32, #tpu.memory_space<vmem>>, vector<64x128xf32>,
    %dot_general3A_394 = arith.constant dense<0.000000e+00> : vector<64x128xf32>
    %dot_general3A_395 = tpu.matmul %select_n3A_390, %get3A_10, %dot_general3A_394 {dimension_numbers = #tpu.dot_dimension_numbers<[1], [0], [0], [1], [0, 0, 1, 1], [], []>, precision = #tpu.contract_precision<fp32>, transpose_lhs_hint = false} : vector<64x128xf32>, vector<128x128xf32>, vector<64x128xf32> -> vector<64x128xf32>
    %swap3A_396 = arith.constant 640 : index
    %swap3A_397 = arith.constant 0 : index
    %swap3A_398 = vector.load %arg16[%swap3A_396, %swap3A_397] : memref<960x128xf32, #tpu.memory_space<vmem>>, vector<64x128xf32>
    tpu.vector_store %arg16[%swap3A_396, %swap3A_397], %dot_general3A_395 {strides = array<i32>} : memref<960x128xf32, #tpu.memory_space<vmem>>, vector<64x128xf32>,
    %get3A_399 = arith.constant 0 : index
    %get3A_400 = arith.constant 1408 : index
    %get3A_401 = vector.load %arg7[%get3A_399, %get3A_400] : memref<128x1920xf32, #tpu.memory_space<vmem>>, vector<128x128xf32>
    %dot_general3A_402 = arith.constant dense<0.000000e+00> : vector<64x128xf32>
    %dot_general3A_403 = tpu.matmul %get3A_4, %get3A_401, %dot_general3A_402 {dimension_numbers = #tpu.dot_dimension_numbers<[1], [0], [0], [1], [0, 0, 1, 1], [], []>, precision = #tpu.contract_precision<fp32>, transpose_lhs_hint = false} : vector<64x128xf32>, vector<128x128xf32>, vector<64x128xf32> -> vector<64x128xf32>
    %get3A_404 = arith.constant 0 : index
    %get3A_405 = arith.constant 1408 : index
    %get3A_406 = vector.load %arg8[%get3A_404, %get3A_405] : memref<1x1920xf32, #tpu.memory_space<vmem>>, vector<1x128xf32>
    %add3A_407 = vector.broadcast %get3A_406 : vector<1x128xf32> to vector<64x128xf32>
    %add3A_408 = arith.addf %dot_general3A_403, %add3A_407 : vector<64x128xf32>
    %custom_jvp_call3A_409 = arith.constant 0.000000e+00 : f32
    %max3A_410 = vector.broadcast %custom_jvp_call3A_409 : f32 to vector<64x128xf32>
    %max3A_411 = arith.maximumf %add3A_408, %max3A_410 : vector<64x128xf32>
    %sub3A_412 = vector.broadcast %custom_jvp_call3A_409 : f32 to vector<64x128xf32>
    %sub3A_413 = arith.subf %add3A_408, %sub3A_412 : vector<64x128xf32>
    %ne3A_414 = arith.cmpf one, %sub3A_413, %sub3A_413 : vector<64x128xf32>
    %add3A_415 = vector.broadcast %custom_jvp_call3A_409 : f32 to vector<64x128xf32>
    %add3A_416 = arith.addf %add3A_408, %add3A_415 : vector<64x128xf32>
    %abs3A_417 = math.absf %sub3A_413 : vector<64x128xf32>
    %neg3A_418 = arith.constant 0.000000e+00 : f32
    %neg3A_419 = vector.broadcast %neg3A_418 : f32 to vector<64x128xf32>
    %neg3A_420 = arith.subf %neg3A_419, %abs3A_417 : vector<64x128xf32>
    %exp3A_421 = math.exp %neg3A_420 : vector<64x128xf32>
    %log1p3A_422 = math.log1p %exp3A_421 : vector<64x128xf32>
    %add3A_423 = arith.addf %max3A_411, %log1p3A_422 : vector<64x128xf32>
    %select_n3A_424 = arith.select %ne3A_414, %add3A_416, %add3A_423 : vector<64x128xi1>, vector<64x128xf32>
    %swap3A_425 = arith.constant 704 : index
    %swap3A_426 = arith.constant 0 : index
    %swap3A_427 = vector.load %arg15[%swap3A_425, %swap3A_426] : memref<960x128xf32, #tpu.memory_space<vmem>>, vector<64x128xf32>
    tpu.vector_store %arg15[%swap3A_425, %swap3A_426], %select_n3A_424 {strides = array<i32>} : memref<960x128xf32, #tpu.memory_space<vmem>>, vector<64x128xf32>,
    %dot_general3A_428 = arith.constant dense<0.000000e+00> : vector<64x128xf32>
    %dot_general3A_429 = tpu.matmul %select_n3A_424, %get3A_10, %dot_general3A_428 {dimension_numbers = #tpu.dot_dimension_numbers<[1], [0], [0], [1], [0, 0, 1, 1], [], []>, precision = #tpu.contract_precision<fp32>, transpose_lhs_hint = false} : vector<64x128xf32>, vector<128x128xf32>, vector<64x128xf32> -> vector<64x128xf32>
    %swap3A_430 = arith.constant 704 : index
    %swap3A_431 = arith.constant 0 : index
    %swap3A_432 = vector.load %arg16[%swap3A_430, %swap3A_431] : memref<960x128xf32, #tpu.memory_space<vmem>>, vector<64x128xf32>
    tpu.vector_store %arg16[%swap3A_430, %swap3A_431], %dot_general3A_429 {strides = array<i32>} : memref<960x128xf32, #tpu.memory_space<vmem>>, vector<64x128xf32>,
    %get3A_433 = arith.constant 0 : index
    %get3A_434 = arith.constant 1536 : index
    %get3A_435 = vector.load %arg7[%get3A_433, %get3A_434] : memref<128x1920xf32, #tpu.memory_space<vmem>>, vector<128x128xf32>
    %dot_general3A_436 = arith.constant dense<0.000000e+00> : vector<64x128xf32>
    %dot_general3A_437 = tpu.matmul %get3A_4, %get3A_435, %dot_general3A_436 {dimension_numbers = #tpu.dot_dimension_numbers<[1], [0], [0], [1], [0, 0, 1, 1], [], []>, precision = #tpu.contract_precision<fp32>, transpose_lhs_hint = false} : vector<64x128xf32>, vector<128x128xf32>, vector<64x128xf32> -> vector<64x128xf32>
    %get3A_438 = arith.constant 0 : index
    %get3A_439 = arith.constant 1536 : index
    %get3A_440 = vector.load %arg8[%get3A_438, %get3A_439] : memref<1x1920xf32, #tpu.memory_space<vmem>>, vector<1x128xf32>
    %add3A_441 = vector.broadcast %get3A_440 : vector<1x128xf32> to vector<64x128xf32>
    %add3A_442 = arith.addf %dot_general3A_437, %add3A_441 : vector<64x128xf32>
    %custom_jvp_call3A_443 = arith.constant 0.000000e+00 : f32
    %max3A_444 = vector.broadcast %custom_jvp_call3A_443 : f32 to vector<64x128xf32>
    %max3A_445 = arith.maximumf %add3A_442, %max3A_444 : vector<64x128xf32>
    %sub3A_446 = vector.broadcast %custom_jvp_call3A_443 : f32 to vector<64x128xf32>
    %sub3A_447 = arith.subf %add3A_442, %sub3A_446 : vector<64x128xf32>
    %ne3A_448 = arith.cmpf one, %sub3A_447, %sub3A_447 : vector<64x128xf32>
    %add3A_449 = vector.broadcast %custom_jvp_call3A_443 : f32 to vector<64x128xf32>
    %add3A_450 = arith.addf %add3A_442, %add3A_449 : vector<64x128xf32>
    %abs3A_451 = math.absf %sub3A_447 : vector<64x128xf32>
    %neg3A_452 = arith.constant 0.000000e+00 : f32
    %neg3A_453 = vector.broadcast %neg3A_452 : f32 to vector<64x128xf32>
    %neg3A_454 = arith.subf %neg3A_453, %abs3A_451 : vector<64x128xf32>
    %exp3A_455 = math.exp %neg3A_454 : vector<64x128xf32>
    %log1p3A_456 = math.log1p %exp3A_455 : vector<64x128xf32>
    %add3A_457 = arith.addf %max3A_445, %log1p3A_456 : vector<64x128xf32>
    %select_n3A_458 = arith.select %ne3A_448, %add3A_450, %add3A_457 : vector<64x128xi1>, vector<64x128xf32>
    %swap3A_459 = arith.constant 768 : index
    %swap3A_460 = arith.constant 0 : index
    %swap3A_461 = vector.load %arg15[%swap3A_459, %swap3A_460] : memref<960x128xf32, #tpu.memory_space<vmem>>, vector<64x128xf32>
    tpu.vector_store %arg15[%swap3A_459, %swap3A_460], %select_n3A_458 {strides = array<i32>} : memref<960x128xf32, #tpu.memory_space<vmem>>, vector<64x128xf32>,
    %dot_general3A_462 = arith.constant dense<0.000000e+00> : vector<64x128xf32>
    %dot_general3A_463 = tpu.matmul %select_n3A_458, %get3A_10, %dot_general3A_462 {dimension_numbers = #tpu.dot_dimension_numbers<[1], [0], [0], [1], [0, 0, 1, 1], [], []>, precision = #tpu.contract_precision<fp32>, transpose_lhs_hint = false} : vector<64x128xf32>, vector<128x128xf32>, vector<64x128xf32> -> vector<64x128xf32>
    %swap3A_464 = arith.constant 768 : index
    %swap3A_465 = arith.constant 0 : index
    %swap3A_466 = vector.load %arg16[%swap3A_464, %swap3A_465] : memref<960x128xf32, #tpu.memory_space<vmem>>, vector<64x128xf32>
    tpu.vector_store %arg16[%swap3A_464, %swap3A_465], %dot_general3A_463 {strides = array<i32>} : memref<960x128xf32, #tpu.memory_space<vmem>>, vector<64x128xf32>,
    %get3A_467 = arith.constant 0 : index
    %get3A_468 = arith.constant 1664 : index
    %get3A_469 = vector.load %arg7[%get3A_467, %get3A_468] : memref<128x1920xf32, #tpu.memory_space<vmem>>, vector<128x128xf32>
    %dot_general3A_470 = arith.constant dense<0.000000e+00> : vector<64x128xf32>
    %dot_general3A_471 = tpu.matmul %get3A_4, %get3A_469, %dot_general3A_470 {dimension_numbers = #tpu.dot_dimension_numbers<[1], [0], [0], [1], [0, 0, 1, 1], [], []>, precision = #tpu.contract_precision<fp32>, transpose_lhs_hint = false} : vector<64x128xf32>, vector<128x128xf32>, vector<64x128xf32> -> vector<64x128xf32>
    %get3A_472 = arith.constant 0 : index
    %get3A_473 = arith.constant 1664 : index
    %get3A_474 = vector.load %arg8[%get3A_472, %get3A_473] : memref<1x1920xf32, #tpu.memory_space<vmem>>, vector<1x128xf32>
    %add3A_475 = vector.broadcast %get3A_474 : vector<1x128xf32> to vector<64x128xf32>
    %add3A_476 = arith.addf %dot_general3A_471, %add3A_475 : vector<64x128xf32>
    %custom_jvp_call3A_477 = arith.constant 0.000000e+00 : f32
    %max3A_478 = vector.broadcast %custom_jvp_call3A_477 : f32 to vector<64x128xf32>
    %max3A_479 = arith.maximumf %add3A_476, %max3A_478 : vector<64x128xf32>
    %sub3A_480 = vector.broadcast %custom_jvp_call3A_477 : f32 to vector<64x128xf32>
    %sub3A_481 = arith.subf %add3A_476, %sub3A_480 : vector<64x128xf32>
    %ne3A_482 = arith.cmpf one, %sub3A_481, %sub3A_481 : vector<64x128xf32>
    %add3A_483 = vector.broadcast %custom_jvp_call3A_477 : f32 to vector<64x128xf32>
    %add3A_484 = arith.addf %add3A_476, %add3A_483 : vector<64x128xf32>
    %abs3A_485 = math.absf %sub3A_481 : vector<64x128xf32>
    %neg3A_486 = arith.constant 0.000000e+00 : f32
    %neg3A_487 = vector.broadcast %neg3A_486 : f32 to vector<64x128xf32>
    %neg3A_488 = arith.subf %neg3A_487, %abs3A_485 : vector<64x128xf32>
    %exp3A_489 = math.exp %neg3A_488 : vector<64x128xf32>
    %log1p3A_490 = math.log1p %exp3A_489 : vector<64x128xf32>
    %add3A_491 = arith.addf %max3A_479, %log1p3A_490 : vector<64x128xf32>
    %select_n3A_492 = arith.select %ne3A_482, %add3A_484, %add3A_491 : vector<64x128xi1>, vector<64x128xf32>
    %swap3A_493 = arith.constant 832 : index
    %swap3A_494 = arith.constant 0 : index
    %swap3A_495 = vector.load %arg15[%swap3A_493, %swap3A_494] : memref<960x128xf32, #tpu.memory_space<vmem>>, vector<64x128xf32>
    tpu.vector_store %arg15[%swap3A_493, %swap3A_494], %select_n3A_492 {strides = array<i32>} : memref<960x128xf32, #tpu.memory_space<vmem>>, vector<64x128xf32>,
    %dot_general3A_496 = arith.constant dense<0.000000e+00> : vector<64x128xf32>
    %dot_general3A_497 = tpu.matmul %select_n3A_492, %get3A_10, %dot_general3A_496 {dimension_numbers = #tpu.dot_dimension_numbers<[1], [0], [0], [1], [0, 0, 1, 1], [], []>, precision = #tpu.contract_precision<fp32>, transpose_lhs_hint = false} : vector<64x128xf32>, vector<128x128xf32>, vector<64x128xf32> -> vector<64x128xf32>
    %swap3A_498 = arith.constant 832 : index
    %swap3A_499 = arith.constant 0 : index
    %swap3A_500 = vector.load %arg16[%swap3A_498, %swap3A_499] : memref<960x128xf32, #tpu.memory_space<vmem>>, vector<64x128xf32>
    tpu.vector_store %arg16[%swap3A_498, %swap3A_499], %dot_general3A_497 {strides = array<i32>} : memref<960x128xf32, #tpu.memory_space<vmem>>, vector<64x128xf32>,
    %get3A_501 = arith.constant 0 : index
    %get3A_502 = arith.constant 1792 : index
    %get3A_503 = vector.load %arg7[%get3A_501, %get3A_502] : memref<128x1920xf32, #tpu.memory_space<vmem>>, vector<128x128xf32>
    %dot_general3A_504 = arith.constant dense<0.000000e+00> : vector<64x128xf32>
    %dot_general3A_505 = tpu.matmul %get3A_4, %get3A_503, %dot_general3A_504 {dimension_numbers = #tpu.dot_dimension_numbers<[1], [0], [0], [1], [0, 0, 1, 1], [], []>, precision = #tpu.contract_precision<fp32>, transpose_lhs_hint = false} : vector<64x128xf32>, vector<128x128xf32>, vector<64x128xf32> -> vector<64x128xf32>
    %get3A_506 = arith.constant 0 : index
    %get3A_507 = arith.constant 1792 : index
    %get3A_508 = vector.load %arg8[%get3A_506, %get3A_507] : memref<1x1920xf32, #tpu.memory_space<vmem>>, vector<1x128xf32>
    %add3A_509 = vector.broadcast %get3A_508 : vector<1x128xf32> to vector<64x128xf32>
    %add3A_510 = arith.addf %dot_general3A_505, %add3A_509 : vector<64x128xf32>
    %custom_jvp_call3A_511 = arith.constant 0.000000e+00 : f32
    %max3A_512 = vector.broadcast %custom_jvp_call3A_511 : f32 to vector<64x128xf32>
    %max3A_513 = arith.maximumf %add3A_510, %max3A_512 : vector<64x128xf32>
    %sub3A_514 = vector.broadcast %custom_jvp_call3A_511 : f32 to vector<64x128xf32>
    %sub3A_515 = arith.subf %add3A_510, %sub3A_514 : vector<64x128xf32>
    %ne3A_516 = arith.cmpf one, %sub3A_515, %sub3A_515 : vector<64x128xf32>
    %add3A_517 = vector.broadcast %custom_jvp_call3A_511 : f32 to vector<64x128xf32>
    %add3A_518 = arith.addf %add3A_510, %add3A_517 : vector<64x128xf32>
    %abs3A_519 = math.absf %sub3A_515 : vector<64x128xf32>
    %neg3A_520 = arith.constant 0.000000e+00 : f32
    %neg3A_521 = vector.broadcast %neg3A_520 : f32 to vector<64x128xf32>
    %neg3A_522 = arith.subf %neg3A_521, %abs3A_519 : vector<64x128xf32>
    %exp3A_523 = math.exp %neg3A_522 : vector<64x128xf32>
    %log1p3A_524 = math.log1p %exp3A_523 : vector<64x128xf32>
    %add3A_525 = arith.addf %max3A_513, %log1p3A_524 : vector<64x128xf32>
    %select_n3A_526 = arith.select %ne3A_516, %add3A_518, %add3A_525 : vector<64x128xi1>, vector<64x128xf32>
    %swap3A_527 = arith.constant 896 : index
    %swap3A_528 = arith.constant 0 : index
    %swap3A_529 = vector.load %arg15[%swap3A_527, %swap3A_528] : memref<960x128xf32, #tpu.memory_space<vmem>>, vector<64x128xf32>
    tpu.vector_store %arg15[%swap3A_527, %swap3A_528], %select_n3A_526 {strides = array<i32>} : memref<960x128xf32, #tpu.memory_space<vmem>>, vector<64x128xf32>,
    %dot_general3A_530 = arith.constant dense<0.000000e+00> : vector<64x128xf32>
    %dot_general3A_531 = tpu.matmul %select_n3A_526, %get3A_10, %dot_general3A_530 {dimension_numbers = #tpu.dot_dimension_numbers<[1], [0], [0], [1], [0, 0, 1, 1], [], []>, precision = #tpu.contract_precision<fp32>, transpose_lhs_hint = false} : vector<64x128xf32>, vector<128x128xf32>, vector<64x128xf32> -> vector<64x128xf32>
    %swap3A_532 = arith.constant 896 : index
    %swap3A_533 = arith.constant 0 : index
    %swap3A_534 = vector.load %arg16[%swap3A_532, %swap3A_533] : memref<960x128xf32, #tpu.memory_space<vmem>>, vector<64x128xf32>
    tpu.vector_store %arg16[%swap3A_532, %swap3A_533], %dot_general3A_531 {strides = array<i32>} : memref<960x128xf32, #tpu.memory_space<vmem>>, vector<64x128xf32>,
    %reduce_max3A = arith.constant dense<0xFF800000> : vector<64xf32>
    %reduce_max3A_535 = vector.multi_reduction <maximumf>, %select_n3A, %reduce_max3A [1] : vector<64x128xf32> to vector<64xf32>
    %broadcast_in_dim3A = vector.shape_cast %reduce_max3A_535 : vector<64xf32> to vector<64x1xf32>
    %sub3A_536 = vector.broadcast %broadcast_in_dim3A : vector<64x1xf32> to vector<64x128xf32>
    %sub3A_537 = arith.subf %select_n3A, %sub3A_536 : vector<64x128xf32>
    %exp3A_538 = math.exp %sub3A_537 : vector<64x128xf32>
    %reduce_sum3A = arith.constant dense<0.000000e+00> : vector<64xf32>
    %reduce_sum3A_539 = vector.multi_reduction <add>, %exp3A_538, %reduce_sum3A [1] : vector<64x128xf32> to vector<64xf32>
    %broadcast_in_dim3A_540 = vector.shape_cast %reduce_sum3A_539 : vector<64xf32> to vector<64x1xf32>
    %div3A = vector.broadcast %broadcast_in_dim3A_540 : vector<64x1xf32> to vector<64x128xf32>
    %div3A_541 = arith.divf %exp3A_538, %div3A : vector<64x128xf32>
    %add3A_542 = arith.constant 9.99999993E-9 : f32
    %add3A_543 = vector.broadcast %add3A_542 : f32 to vector<64x128xf32>
    %add3A_544 = arith.addf %div3A_541, %add3A_543 : vector<64x128xf32>
    %log3A = math.log %add3A_544 : vector<64x128xf32>
    %get3A_545 = arith.constant 0 : index
    %get3A_546 = arith.constant 0 : index
    %get3A_547 = arith.constant 0 : index
    %get3A_548 = vector.load %arg9[%get3A_545, %get3A_546, %get3A_547] : memref<16x64x128xf32, #tpu.memory_space<vmem>>, vector<1x64x128xf32>
    %get3A_549 = vector.shape_cast %get3A_548 : vector<1x64x128xf32> to vector<64x128xf32>
    %add3A_550 = arith.addf %log3A, %get3A_549 : vector<64x128xf32>
    %div3A_551 = vector.broadcast %get3A_1 : f32 to vector<64x128xf32>
    %div3A_552 = arith.divf %add3A_550, %div3A_551 : vector<64x128xf32>
    %argmax3A = tpu.reduce_index %div3A_552 {axis = 1 : i32, kind = #tpu.reduction_kind<arg_max>} : vector<64x128xf32> -> vector<64xi32>
    %broadcast_in_dim3A_553 = vector.shape_cast %argmax3A : vector<64xi32> to vector<64x1xi32>
    %iota3A = tpu.iota {dimensions = array<i32: 1>} : vector<64x128xi32>
    %eq3A = vector.broadcast %broadcast_in_dim3A_553 : vector<64x1xi32> to vector<64x128xi32>
    %eq3A_554 = arith.cmpi eq, %iota3A, %eq3A : vector<64x128xi32>
    %convert_element_type3A = arith.extui %eq3A_554 : vector<64x128xi1> to vector<64x128xi32>
    %convert_element_type3A_555 = arith.sitofp %convert_element_type3A : vector<64x128xi32> to vector<64x128xf32>
    %reshape3A = vector.shape_cast %convert_element_type3A_555 : vector<64x128xf32> to vector<64x1x128xf32>
    %swap3A_556 = arith.constant 0 : index
    %swap3A_557 = arith.constant 0 : index
    %swap3A_558 = arith.constant 0 : index
    %swap3A_559 = vector.load %arg11[%swap3A_556, %swap3A_557, %swap3A_558] : memref<64x16x128xf32, #tpu.memory_space<vmem>>, vector<64x1x128xf32>
    tpu.vector_store %arg11[%swap3A_556, %swap3A_557, %swap3A_558], %reshape3A {strides = array<i32>} : memref<64x16x128xf32, #tpu.memory_space<vmem>>, vector<64x1x128xf32>,
    %reshape3A_560 = vector.shape_cast %div3A_541 : vector<64x128xf32> to vector<64x1x128xf32>
    %swap3A_561 = arith.constant 0 : index
    %swap3A_562 = arith.constant 0 : index
    %swap3A_563 = arith.constant 0 : index
    %swap3A_564 = vector.load %arg12[%swap3A_561, %swap3A_562, %swap3A_563] : memref<64x16x128xf32, #tpu.memory_space<vmem>>, vector<64x1x128xf32>
    tpu.vector_store %arg12[%swap3A_561, %swap3A_562, %swap3A_563], %reshape3A_560 {strides = array<i32>} : memref<64x16x128xf32, #tpu.memory_space<vmem>>, vector<64x1x128xf32>,
    %reduce_sum3A_565 = arith.constant dense<0.000000e+00> : vector<128xf32>
    %reduce_sum3A_566 = vector.multi_reduction <add>, %div3A_541, %reduce_sum3A_565 [0] : vector<64x128xf32> to vector<128xf32>
    %broadcast_in_dim3A_567 = vector.shape_cast %reduce_sum3A_566 : vector<128xf32> to vector<1x128xf32>
    %div3A_568 = arith.constant 6.400000e+01 : f32
    %div3A_569 = vector.broadcast %div3A_568 : f32 to vector<1x128xf32>
    %div3A_570 = arith.divf %broadcast_in_dim3A_567, %div3A_569 : vector<1x128xf32>
    %swap3A_571 = arith.constant 0 : index
    %swap3A_572 = arith.constant 0 : index
    %swap3A_573 = vector.load %arg17[%swap3A_571, %swap3A_572] : memref<16x128xf32, #tpu.memory_space<vmem>>, vector<1x128xf32>
    tpu.vector_store %arg17[%swap3A_571, %swap3A_572], %div3A_570 {strides = array<i32>} : memref<16x128xf32, #tpu.memory_space<vmem>>, vector<1x128xf32>,
    %get3A_574 = arith.constant 0 : index
    %get3A_575 = arith.constant 0 : index
    %get3A_576 = vector.load %arg15[%get3A_574, %get3A_575] : memref<960x128xf32, #tpu.memory_space<vmem>>, vector<64x128xf32>
    %get3A_577 = arith.constant 0 : index
    %get3A_578 = arith.constant 0 : index
    %get3A_579 = vector.load %arg16[%get3A_577, %get3A_578] : memref<960x128xf32, #tpu.memory_space<vmem>>, vector<64x128xf32>
    %dot_general3A_580 = arith.constant dense<0.000000e+00> : vector<64x128xf32>
    %dot_general3A_581 = tpu.matmul %convert_element_type3A_555, %get3A_7, %dot_general3A_580 {dimension_numbers = #tpu.dot_dimension_numbers<[1], [0], [0], [1], [0, 0, 1, 1], [], []>, precision = #tpu.contract_precision<fp32>, transpose_lhs_hint = false} : vector<64x128xf32>, vector<128x128xf32>, vector<64x128xf32> -> vector<64x128xf32>
    %mul3A = arith.mulf %convert_element_type3A_555, %get3A_576 : vector<64x128xf32>
    %reduce_sum3A_582 = arith.constant dense<0.000000e+00> : vector<64xf32>
    %reduce_sum3A_583 = vector.multi_reduction <add>, %mul3A, %reduce_sum3A_582 [1] : vector<64x128xf32> to vector<64xf32>
    %broadcast_in_dim3A_584 = vector.shape_cast %reduce_sum3A_583 : vector<64xf32> to vector<64x1xf32>
    %mul3A_585 = vector.broadcast %broadcast_in_dim3A_584 : vector<64x1xf32> to vector<64x128xf32>
    %mul3A_586 = arith.mulf %mul3A_585, %get3A_576 : vector<64x128xf32>
    %mul3A_587 = arith.mulf %dot_general3A_581, %mul3A_586 : vector<64x128xf32>
    %reduce_sum3A_588 = arith.constant dense<0.000000e+00> : vector<64xf32>
    %reduce_sum3A_589 = vector.multi_reduction <add>, %mul3A_587, %reduce_sum3A_588 [1] : vector<64x128xf32> to vector<64xf32>
    %broadcast_in_dim3A_590 = vector.shape_cast %reduce_sum3A_589 : vector<64xf32> to vector<64x1xf32>
    %max3A_591 = arith.constant 9.99999993E-9 : f32
    %max3A_592 = vector.broadcast %max3A_591 : f32 to vector<64x1xf32>
    %max3A_593 = arith.maximumf %broadcast_in_dim3A_590, %max3A_592 : vector<64x1xf32>
    %div3A_594 = vector.broadcast %max3A_593 : vector<64x1xf32> to vector<64x128xf32>
    %div3A_595 = arith.divf %mul3A_587, %div3A_594 : vector<64x128xf32>
    %add3A_596 = arith.constant 9.99999993E-9 : f32
    %add3A_597 = vector.broadcast %add3A_596 : f32 to vector<64x128xf32>
    %add3A_598 = arith.addf %div3A_595, %add3A_597 : vector<64x128xf32>
    %log3A_599 = math.log %add3A_598 : vector<64x128xf32>
    %get3A_600 = arith.constant 1 : index
    %get3A_601 = arith.constant 0 : index
    %get3A_602 = arith.constant 0 : index
    %get3A_603 = vector.load %arg9[%get3A_600, %get3A_601, %get3A_602] : memref<16x64x128xf32, #tpu.memory_space<vmem>>, vector<1x64x128xf32>
    %get3A_604 = vector.shape_cast %get3A_603 : vector<1x64x128xf32> to vector<64x128xf32>
    %add3A_605 = arith.addf %log3A_599, %get3A_604 : vector<64x128xf32>
    %div3A_606 = vector.broadcast %get3A_1 : f32 to vector<64x128xf32>
    %div3A_607 = arith.divf %add3A_605, %div3A_606 : vector<64x128xf32>
    %argmax3A_608 = tpu.reduce_index %div3A_607 {axis = 1 : i32, kind = #tpu.reduction_kind<arg_max>} : vector<64x128xf32> -> vector<64xi32>
    %broadcast_in_dim3A_609 = vector.shape_cast %argmax3A_608 : vector<64xi32> to vector<64x1xi32>
    %eq3A_610 = vector.broadcast %broadcast_in_dim3A_609 : vector<64x1xi32> to vector<64x128xi32>
    %eq3A_611 = arith.cmpi eq, %iota3A, %eq3A_610 : vector<64x128xi32>
    %convert_element_type3A_612 = arith.extui %eq3A_611 : vector<64x128xi1> to vector<64x128xi32>
    %convert_element_type3A_613 = arith.sitofp %convert_element_type3A_612 : vector<64x128xi32> to vector<64x128xf32>
    %reshape3A_614 = vector.shape_cast %convert_element_type3A_613 : vector<64x128xf32> to vector<64x1x128xf32>
    %swap3A_615 = arith.constant 0 : index
    %swap3A_616 = arith.constant 1 : index
    %swap3A_617 = arith.constant 0 : index
    %swap3A_618 = vector.load %arg11[%swap3A_615, %swap3A_616, %swap3A_617] : memref<64x16x128xf32, #tpu.memory_space<vmem>>, vector<64x1x128xf32>
    tpu.vector_store %arg11[%swap3A_615, %swap3A_616, %swap3A_617], %reshape3A_614 {strides = array<i32>} : memref<64x16x128xf32, #tpu.memory_space<vmem>>, vector<64x1x128xf32>,
    %mul3A_619 = arith.mulf %get3A_576, %get3A_579 : vector<64x128xf32>
    %max3A_620 = arith.constant 9.99999993E-9 : f32
    %max3A_621 = vector.broadcast %max3A_620 : f32 to vector<64x128xf32>
    %max3A_622 = arith.maximumf %mul3A_619, %max3A_621 : vector<64x128xf32>
    %mul3A_623 = arith.mulf %div3A_541, %get3A_576 : vector<64x128xf32>
    %div3A_624 = arith.divf %mul3A_623, %max3A_622 : vector<64x128xf32>
    %dot_general3A_625 = arith.constant dense<0.000000e+00> : vector<64x128xf32>
    %dot_general3A_626 = tpu.matmul %div3A_624, %get3A_7, %dot_general3A_625 {dimension_numbers = #tpu.dot_dimension_numbers<[1], [0], [0], [1], [0, 0, 1, 1], [], []>, precision = #tpu.contract_precision<fp32>, transpose_lhs_hint = false} : vector<64x128xf32>, vector<128x128xf32>, vector<64x128xf32> -> vector<64x128xf32>
    %mul3A_627 = arith.mulf %get3A_576, %dot_general3A_626 : vector<64x128xf32>
    %reshape3A_628 = vector.shape_cast %mul3A_627 : vector<64x128xf32> to vector<64x1x128xf32>
    %swap3A_629 = arith.constant 0 : index
    %swap3A_630 = arith.constant 1 : index
    %swap3A_631 = arith.constant 0 : index
    %swap3A_632 = vector.load %arg12[%swap3A_629, %swap3A_630, %swap3A_631] : memref<64x16x128xf32, #tpu.memory_space<vmem>>, vector<64x1x128xf32>
    tpu.vector_store %arg12[%swap3A_629, %swap3A_630, %swap3A_631], %reshape3A_628 {strides = array<i32>} : memref<64x16x128xf32, #tpu.memory_space<vmem>>, vector<64x1x128xf32>,
    %reduce_sum3A_633 = arith.constant dense<0.000000e+00> : vector<128xf32>
    %reduce_sum3A_634 = vector.multi_reduction <add>, %mul3A_627, %reduce_sum3A_633 [0] : vector<64x128xf32> to vector<128xf32>
    %broadcast_in_dim3A_635 = vector.shape_cast %reduce_sum3A_634 : vector<128xf32> to vector<1x128xf32>
    %div3A_636 = arith.constant 6.400000e+01 : f32
    %div3A_637 = vector.broadcast %div3A_636 : f32 to vector<1x128xf32>
    %div3A_638 = arith.divf %broadcast_in_dim3A_635, %div3A_637 : vector<1x128xf32>
    %swap3A_639 = arith.constant 1 : index
    %swap3A_640 = arith.constant 0 : index
    %swap3A_641 = vector.load %arg17[%swap3A_639, %swap3A_640] : memref<16x128xf32, #tpu.memory_space<vmem>>, vector<1x128xf32>
    tpu.vector_store %arg17[%swap3A_639, %swap3A_640], %div3A_638 {strides = array<i32>} : memref<16x128xf32, #tpu.memory_space<vmem>>, vector<1x128xf32>,
    %get3A_642 = arith.constant 64 : index
    %get3A_643 = arith.constant 0 : index
    %get3A_644 = vector.load %arg15[%get3A_642, %get3A_643] : memref<960x128xf32, #tpu.memory_space<vmem>>, vector<64x128xf32>
    %get3A_645 = arith.constant 64 : index
    %get3A_646 = arith.constant 0 : index
    %get3A_647 = vector.load %arg16[%get3A_645, %get3A_646] : memref<960x128xf32, #tpu.memory_space<vmem>>, vector<64x128xf32>
    %dot_general3A_648 = arith.constant dense<0.000000e+00> : vector<64x128xf32>
    %dot_general3A_649 = tpu.matmul %convert_element_type3A_613, %get3A_7, %dot_general3A_648 {dimension_numbers = #tpu.dot_dimension_numbers<[1], [0], [0], [1], [0, 0, 1, 1], [], []>, precision = #tpu.contract_precision<fp32>, transpose_lhs_hint = false} : vector<64x128xf32>, vector<128x128xf32>, vector<64x128xf32> -> vector<64x128xf32>
    %mul3A_650 = arith.mulf %convert_element_type3A_613, %get3A_644 : vector<64x128xf32>
    %reduce_sum3A_651 = arith.constant dense<0.000000e+00> : vector<64xf32>
    %reduce_sum3A_652 = vector.multi_reduction <add>, %mul3A_650, %reduce_sum3A_651 [1] : vector<64x128xf32> to vector<64xf32>
    %broadcast_in_dim3A_653 = vector.shape_cast %reduce_sum3A_652 : vector<64xf32> to vector<64x1xf32>
    %mul3A_654 = vector.broadcast %broadcast_in_dim3A_653 : vector<64x1xf32> to vector<64x128xf32>
    %mul3A_655 = arith.mulf %mul3A_654, %get3A_644 : vector<64x128xf32>
    %mul3A_656 = arith.mulf %dot_general3A_649, %mul3A_655 : vector<64x128xf32>
    %reduce_sum3A_657 = arith.constant dense<0.000000e+00> : vector<64xf32>
    %reduce_sum3A_658 = vector.multi_reduction <add>, %mul3A_656, %reduce_sum3A_657 [1] : vector<64x128xf32> to vector<64xf32>
    %broadcast_in_dim3A_659 = vector.shape_cast %reduce_sum3A_658 : vector<64xf32> to vector<64x1xf32>
    %max3A_660 = arith.constant 9.99999993E-9 : f32
    %max3A_661 = vector.broadcast %max3A_660 : f32 to vector<64x1xf32>
    %max3A_662 = arith.maximumf %broadcast_in_dim3A_659, %max3A_661 : vector<64x1xf32>
    %div3A_663 = vector.broadcast %max3A_662 : vector<64x1xf32> to vector<64x128xf32>
    %div3A_664 = arith.divf %mul3A_656, %div3A_663 : vector<64x128xf32>
    %add3A_665 = arith.constant 9.99999993E-9 : f32
    %add3A_666 = vector.broadcast %add3A_665 : f32 to vector<64x128xf32>
    %add3A_667 = arith.addf %div3A_664, %add3A_666 : vector<64x128xf32>
    %log3A_668 = math.log %add3A_667 : vector<64x128xf32>
    %get3A_669 = arith.constant 2 : index
    %get3A_670 = arith.constant 0 : index
    %get3A_671 = arith.constant 0 : index
    %get3A_672 = vector.load %arg9[%get3A_669, %get3A_670, %get3A_671] : memref<16x64x128xf32, #tpu.memory_space<vmem>>, vector<1x64x128xf32>
    %get3A_673 = vector.shape_cast %get3A_672 : vector<1x64x128xf32> to vector<64x128xf32>
    %add3A_674 = arith.addf %log3A_668, %get3A_673 : vector<64x128xf32>
    %div3A_675 = vector.broadcast %get3A_1 : f32 to vector<64x128xf32>
    %div3A_676 = arith.divf %add3A_674, %div3A_675 : vector<64x128xf32>
    %argmax3A_677 = tpu.reduce_index %div3A_676 {axis = 1 : i32, kind = #tpu.reduction_kind<arg_max>} : vector<64x128xf32> -> vector<64xi32>
    %broadcast_in_dim3A_678 = vector.shape_cast %argmax3A_677 : vector<64xi32> to vector<64x1xi32>
    %eq3A_679 = vector.broadcast %broadcast_in_dim3A_678 : vector<64x1xi32> to vector<64x128xi32>
    %eq3A_680 = arith.cmpi eq, %iota3A, %eq3A_679 : vector<64x128xi32>
    %convert_element_type3A_681 = arith.extui %eq3A_680 : vector<64x128xi1> to vector<64x128xi32>
    %convert_element_type3A_682 = arith.sitofp %convert_element_type3A_681 : vector<64x128xi32> to vector<64x128xf32>
    %reshape3A_683 = vector.shape_cast %convert_element_type3A_682 : vector<64x128xf32> to vector<64x1x128xf32>
    %swap3A_684 = arith.constant 0 : index
    %swap3A_685 = arith.constant 2 : index
    %swap3A_686 = arith.constant 0 : index
    %swap3A_687 = vector.load %arg11[%swap3A_684, %swap3A_685, %swap3A_686] : memref<64x16x128xf32, #tpu.memory_space<vmem>>, vector<64x1x128xf32>
    tpu.vector_store %arg11[%swap3A_684, %swap3A_685, %swap3A_686], %reshape3A_683 {strides = array<i32>} : memref<64x16x128xf32, #tpu.memory_space<vmem>>, vector<64x1x128xf32>,
    %mul3A_688 = arith.mulf %get3A_644, %get3A_647 : vector<64x128xf32>
    %max3A_689 = arith.constant 9.99999993E-9 : f32
    %max3A_690 = vector.broadcast %max3A_689 : f32 to vector<64x128xf32>
    %max3A_691 = arith.maximumf %mul3A_688, %max3A_690 : vector<64x128xf32>
    %mul3A_692 = arith.mulf %mul3A_627, %get3A_644 : vector<64x128xf32>
    %div3A_693 = arith.divf %mul3A_692, %max3A_691 : vector<64x128xf32>
    %dot_general3A_694 = arith.constant dense<0.000000e+00> : vector<64x128xf32>
    %dot_general3A_695 = tpu.matmul %div3A_693, %get3A_7, %dot_general3A_694 {dimension_numbers = #tpu.dot_dimension_numbers<[1], [0], [0], [1], [0, 0, 1, 1], [], []>, precision = #tpu.contract_precision<fp32>, transpose_lhs_hint = false} : vector<64x128xf32>, vector<128x128xf32>, vector<64x128xf32> -> vector<64x128xf32>
    %mul3A_696 = arith.mulf %get3A_644, %dot_general3A_695 : vector<64x128xf32>
    %reshape3A_697 = vector.shape_cast %mul3A_696 : vector<64x128xf32> to vector<64x1x128xf32>
    %swap3A_698 = arith.constant 0 : index
    %swap3A_699 = arith.constant 2 : index
    %swap3A_700 = arith.constant 0 : index
    %swap3A_701 = vector.load %arg12[%swap3A_698, %swap3A_699, %swap3A_700] : memref<64x16x128xf32, #tpu.memory_space<vmem>>, vector<64x1x128xf32>
    tpu.vector_store %arg12[%swap3A_698, %swap3A_699, %swap3A_700], %reshape3A_697 {strides = array<i32>} : memref<64x16x128xf32, #tpu.memory_space<vmem>>, vector<64x1x128xf32>,
    %reduce_sum3A_702 = arith.constant dense<0.000000e+00> : vector<128xf32>
    %reduce_sum3A_703 = vector.multi_reduction <add>, %mul3A_696, %reduce_sum3A_702 [0] : vector<64x128xf32> to vector<128xf32>
    %broadcast_in_dim3A_704 = vector.shape_cast %reduce_sum3A_703 : vector<128xf32> to vector<1x128xf32>
    %div3A_705 = arith.constant 6.400000e+01 : f32
    %div3A_706 = vector.broadcast %div3A_705 : f32 to vector<1x128xf32>
    %div3A_707 = arith.divf %broadcast_in_dim3A_704, %div3A_706 : vector<1x128xf32>
    %swap3A_708 = arith.constant 2 : index
    %swap3A_709 = arith.constant 0 : index
    %swap3A_710 = vector.load %arg17[%swap3A_708, %swap3A_709] : memref<16x128xf32, #tpu.memory_space<vmem>>, vector<1x128xf32>
    tpu.vector_store %arg17[%swap3A_708, %swap3A_709], %div3A_707 {strides = array<i32>} : memref<16x128xf32, #tpu.memory_space<vmem>>, vector<1x128xf32>,
    %get3A_711 = arith.constant 128 : index
    %get3A_712 = arith.constant 0 : index
    %get3A_713 = vector.load %arg15[%get3A_711, %get3A_712] : memref<960x128xf32, #tpu.memory_space<vmem>>, vector<64x128xf32>
    %get3A_714 = arith.constant 128 : index
    %get3A_715 = arith.constant 0 : index
    %get3A_716 = vector.load %arg16[%get3A_714, %get3A_715] : memref<960x128xf32, #tpu.memory_space<vmem>>, vector<64x128xf32>
    %dot_general3A_717 = arith.constant dense<0.000000e+00> : vector<64x128xf32>
    %dot_general3A_718 = tpu.matmul %convert_element_type3A_682, %get3A_7, %dot_general3A_717 {dimension_numbers = #tpu.dot_dimension_numbers<[1], [0], [0], [1], [0, 0, 1, 1], [], []>, precision = #tpu.contract_precision<fp32>, transpose_lhs_hint = false} : vector<64x128xf32>, vector<128x128xf32>, vector<64x128xf32> -> vector<64x128xf32>
    %mul3A_719 = arith.mulf %convert_element_type3A_682, %get3A_713 : vector<64x128xf32>
    %reduce_sum3A_720 = arith.constant dense<0.000000e+00> : vector<64xf32>
    %reduce_sum3A_721 = vector.multi_reduction <add>, %mul3A_719, %reduce_sum3A_720 [1] : vector<64x128xf32> to vector<64xf32>
    %broadcast_in_dim3A_722 = vector.shape_cast %reduce_sum3A_721 : vector<64xf32> to vector<64x1xf32>
    %mul3A_723 = vector.broadcast %broadcast_in_dim3A_722 : vector<64x1xf32> to vector<64x128xf32>
    %mul3A_724 = arith.mulf %mul3A_723, %get3A_713 : vector<64x128xf32>
    %mul3A_725 = arith.mulf %dot_general3A_718, %mul3A_724 : vector<64x128xf32>
    %reduce_sum3A_726 = arith.constant dense<0.000000e+00> : vector<64xf32>
    %reduce_sum3A_727 = vector.multi_reduction <add>, %mul3A_725, %reduce_sum3A_726 [1] : vector<64x128xf32> to vector<64xf32>
    %broadcast_in_dim3A_728 = vector.shape_cast %reduce_sum3A_727 : vector<64xf32> to vector<64x1xf32>
    %max3A_729 = arith.constant 9.99999993E-9 : f32
    %max3A_730 = vector.broadcast %max3A_729 : f32 to vector<64x1xf32>
    %max3A_731 = arith.maximumf %broadcast_in_dim3A_728, %max3A_730 : vector<64x1xf32>
    %div3A_732 = vector.broadcast %max3A_731 : vector<64x1xf32> to vector<64x128xf32>
    %div3A_733 = arith.divf %mul3A_725, %div3A_732 : vector<64x128xf32>
    %add3A_734 = arith.constant 9.99999993E-9 : f32
    %add3A_735 = vector.broadcast %add3A_734 : f32 to vector<64x128xf32>
    %add3A_736 = arith.addf %div3A_733, %add3A_735 : vector<64x128xf32>
    %log3A_737 = math.log %add3A_736 : vector<64x128xf32>
    %get3A_738 = arith.constant 3 : index
    %get3A_739 = arith.constant 0 : index
    %get3A_740 = arith.constant 0 : index
    %get3A_741 = vector.load %arg9[%get3A_738, %get3A_739, %get3A_740] : memref<16x64x128xf32, #tpu.memory_space<vmem>>, vector<1x64x128xf32>
    %get3A_742 = vector.shape_cast %get3A_741 : vector<1x64x128xf32> to vector<64x128xf32>
    %add3A_743 = arith.addf %log3A_737, %get3A_742 : vector<64x128xf32>
    %div3A_744 = vector.broadcast %get3A_1 : f32 to vector<64x128xf32>
    %div3A_745 = arith.divf %add3A_743, %div3A_744 : vector<64x128xf32>
    %argmax3A_746 = tpu.reduce_index %div3A_745 {axis = 1 : i32, kind = #tpu.reduction_kind<arg_max>} : vector<64x128xf32> -> vector<64xi32>
    %broadcast_in_dim3A_747 = vector.shape_cast %argmax3A_746 : vector<64xi32> to vector<64x1xi32>
    %eq3A_748 = vector.broadcast %broadcast_in_dim3A_747 : vector<64x1xi32> to vector<64x128xi32>
    %eq3A_749 = arith.cmpi eq, %iota3A, %eq3A_748 : vector<64x128xi32>
    %convert_element_type3A_750 = arith.extui %eq3A_749 : vector<64x128xi1> to vector<64x128xi32>
    %convert_element_type3A_751 = arith.sitofp %convert_element_type3A_750 : vector<64x128xi32> to vector<64x128xf32>
    %reshape3A_752 = vector.shape_cast %convert_element_type3A_751 : vector<64x128xf32> to vector<64x1x128xf32>
    %swap3A_753 = arith.constant 0 : index
    %swap3A_754 = arith.constant 3 : index
    %swap3A_755 = arith.constant 0 : index
    %swap3A_756 = vector.load %arg11[%swap3A_753, %swap3A_754, %swap3A_755] : memref<64x16x128xf32, #tpu.memory_space<vmem>>, vector<64x1x128xf32>
    tpu.vector_store %arg11[%swap3A_753, %swap3A_754, %swap3A_755], %reshape3A_752 {strides = array<i32>} : memref<64x16x128xf32, #tpu.memory_space<vmem>>, vector<64x1x128xf32>,
    %mul3A_757 = arith.mulf %get3A_713, %get3A_716 : vector<64x128xf32>
    %max3A_758 = arith.constant 9.99999993E-9 : f32
    %max3A_759 = vector.broadcast %max3A_758 : f32 to vector<64x128xf32>
    %max3A_760 = arith.maximumf %mul3A_757, %max3A_759 : vector<64x128xf32>
    %mul3A_761 = arith.mulf %mul3A_696, %get3A_713 : vector<64x128xf32>
    %div3A_762 = arith.divf %mul3A_761, %max3A_760 : vector<64x128xf32>
    %dot_general3A_763 = arith.constant dense<0.000000e+00> : vector<64x128xf32>
    %dot_general3A_764 = tpu.matmul %div3A_762, %get3A_7, %dot_general3A_763 {dimension_numbers = #tpu.dot_dimension_numbers<[1], [0], [0], [1], [0, 0, 1, 1], [], []>, precision = #tpu.contract_precision<fp32>, transpose_lhs_hint = false} : vector<64x128xf32>, vector<128x128xf32>, vector<64x128xf32> -> vector<64x128xf32>
    %mul3A_765 = arith.mulf %get3A_713, %dot_general3A_764 : vector<64x128xf32>
    %reshape3A_766 = vector.shape_cast %mul3A_765 : vector<64x128xf32> to vector<64x1x128xf32>
    %swap3A_767 = arith.constant 0 : index
    %swap3A_768 = arith.constant 3 : index
    %swap3A_769 = arith.constant 0 : index
    %swap3A_770 = vector.load %arg12[%swap3A_767, %swap3A_768, %swap3A_769] : memref<64x16x128xf32, #tpu.memory_space<vmem>>, vector<64x1x128xf32>
    tpu.vector_store %arg12[%swap3A_767, %swap3A_768, %swap3A_769], %reshape3A_766 {strides = array<i32>} : memref<64x16x128xf32, #tpu.memory_space<vmem>>, vector<64x1x128xf32>,
    %reduce_sum3A_771 = arith.constant dense<0.000000e+00> : vector<128xf32>
    %reduce_sum3A_772 = vector.multi_reduction <add>, %mul3A_765, %reduce_sum3A_771 [0] : vector<64x128xf32> to vector<128xf32>
    %broadcast_in_dim3A_773 = vector.shape_cast %reduce_sum3A_772 : vector<128xf32> to vector<1x128xf32>
    %div3A_774 = arith.constant 6.400000e+01 : f32
    %div3A_775 = vector.broadcast %div3A_774 : f32 to vector<1x128xf32>
    %div3A_776 = arith.divf %broadcast_in_dim3A_773, %div3A_775 : vector<1x128xf32>
    %swap3A_777 = arith.constant 3 : index
    %swap3A_778 = arith.constant 0 : index
    %swap3A_779 = vector.load %arg17[%swap3A_777, %swap3A_778] : memref<16x128xf32, #tpu.memory_space<vmem>>, vector<1x128xf32>
    tpu.vector_store %arg17[%swap3A_777, %swap3A_778], %div3A_776 {strides = array<i32>} : memref<16x128xf32, #tpu.memory_space<vmem>>, vector<1x128xf32>,
    %get3A_780 = arith.constant 192 : index
    %get3A_781 = arith.constant 0 : index
    %get3A_782 = vector.load %arg15[%get3A_780, %get3A_781] : memref<960x128xf32, #tpu.memory_space<vmem>>, vector<64x128xf32>
    %get3A_783 = arith.constant 192 : index
    %get3A_784 = arith.constant 0 : index
    %get3A_785 = vector.load %arg16[%get3A_783, %get3A_784] : memref<960x128xf32, #tpu.memory_space<vmem>>, vector<64x128xf32>
    %dot_general3A_786 = arith.constant dense<0.000000e+00> : vector<64x128xf32>
    %dot_general3A_787 = tpu.matmul %convert_element_type3A_751, %get3A_7, %dot_general3A_786 {dimension_numbers = #tpu.dot_dimension_numbers<[1], [0], [0], [1], [0, 0, 1, 1], [], []>, precision = #tpu.contract_precision<fp32>, transpose_lhs_hint = false} : vector<64x128xf32>, vector<128x128xf32>, vector<64x128xf32> -> vector<64x128xf32>
    %mul3A_788 = arith.mulf %convert_element_type3A_751, %get3A_782 : vector<64x128xf32>
    %reduce_sum3A_789 = arith.constant dense<0.000000e+00> : vector<64xf32>
    %reduce_sum3A_790 = vector.multi_reduction <add>, %mul3A_788, %reduce_sum3A_789 [1] : vector<64x128xf32> to vector<64xf32>
    %broadcast_in_dim3A_791 = vector.shape_cast %reduce_sum3A_790 : vector<64xf32> to vector<64x1xf32>
    %mul3A_792 = vector.broadcast %broadcast_in_dim3A_791 : vector<64x1xf32> to vector<64x128xf32>
    %mul3A_793 = arith.mulf %mul3A_792, %get3A_782 : vector<64x128xf32>
    %mul3A_794 = arith.mulf %dot_general3A_787, %mul3A_793 : vector<64x128xf32>
    %reduce_sum3A_795 = arith.constant dense<0.000000e+00> : vector<64xf32>
    %reduce_sum3A_796 = vector.multi_reduction <add>, %mul3A_794, %reduce_sum3A_795 [1] : vector<64x128xf32> to vector<64xf32>
    %broadcast_in_dim3A_797 = vector.shape_cast %reduce_sum3A_796 : vector<64xf32> to vector<64x1xf32>
    %max3A_798 = arith.constant 9.99999993E-9 : f32
    %max3A_799 = vector.broadcast %max3A_798 : f32 to vector<64x1xf32>
    %max3A_800 = arith.maximumf %broadcast_in_dim3A_797, %max3A_799 : vector<64x1xf32>
    %div3A_801 = vector.broadcast %max3A_800 : vector<64x1xf32> to vector<64x128xf32>
    %div3A_802 = arith.divf %mul3A_794, %div3A_801 : vector<64x128xf32>
    %add3A_803 = arith.constant 9.99999993E-9 : f32
    %add3A_804 = vector.broadcast %add3A_803 : f32 to vector<64x128xf32>
    %add3A_805 = arith.addf %div3A_802, %add3A_804 : vector<64x128xf32>
    %log3A_806 = math.log %add3A_805 : vector<64x128xf32>
    %get3A_807 = arith.constant 4 : index
    %get3A_808 = arith.constant 0 : index
    %get3A_809 = arith.constant 0 : index
    %get3A_810 = vector.load %arg9[%get3A_807, %get3A_808, %get3A_809] : memref<16x64x128xf32, #tpu.memory_space<vmem>>, vector<1x64x128xf32>
    %get3A_811 = vector.shape_cast %get3A_810 : vector<1x64x128xf32> to vector<64x128xf32>
    %add3A_812 = arith.addf %log3A_806, %get3A_811 : vector<64x128xf32>
    %div3A_813 = vector.broadcast %get3A_1 : f32 to vector<64x128xf32>
    %div3A_814 = arith.divf %add3A_812, %div3A_813 : vector<64x128xf32>
    %argmax3A_815 = tpu.reduce_index %div3A_814 {axis = 1 : i32, kind = #tpu.reduction_kind<arg_max>} : vector<64x128xf32> -> vector<64xi32>
    %broadcast_in_dim3A_816 = vector.shape_cast %argmax3A_815 : vector<64xi32> to vector<64x1xi32>
    %eq3A_817 = vector.broadcast %broadcast_in_dim3A_816 : vector<64x1xi32> to vector<64x128xi32>
    %eq3A_818 = arith.cmpi eq, %iota3A, %eq3A_817 : vector<64x128xi32>
    %convert_element_type3A_819 = arith.extui %eq3A_818 : vector<64x128xi1> to vector<64x128xi32>
    %convert_element_type3A_820 = arith.sitofp %convert_element_type3A_819 : vector<64x128xi32> to vector<64x128xf32>
    %reshape3A_821 = vector.shape_cast %convert_element_type3A_820 : vector<64x128xf32> to vector<64x1x128xf32>
    %swap3A_822 = arith.constant 0 : index
    %swap3A_823 = arith.constant 4 : index
    %swap3A_824 = arith.constant 0 : index
    %swap3A_825 = vector.load %arg11[%swap3A_822, %swap3A_823, %swap3A_824] : memref<64x16x128xf32, #tpu.memory_space<vmem>>, vector<64x1x128xf32>
    tpu.vector_store %arg11[%swap3A_822, %swap3A_823, %swap3A_824], %reshape3A_821 {strides = array<i32>} : memref<64x16x128xf32, #tpu.memory_space<vmem>>, vector<64x1x128xf32>,
    %mul3A_826 = arith.mulf %get3A_782, %get3A_785 : vector<64x128xf32>
    %max3A_827 = arith.constant 9.99999993E-9 : f32
    %max3A_828 = vector.broadcast %max3A_827 : f32 to vector<64x128xf32>
    %max3A_829 = arith.maximumf %mul3A_826, %max3A_828 : vector<64x128xf32>
    %mul3A_830 = arith.mulf %mul3A_765, %get3A_782 : vector<64x128xf32>
    %div3A_831 = arith.divf %mul3A_830, %max3A_829 : vector<64x128xf32>
    %dot_general3A_832 = arith.constant dense<0.000000e+00> : vector<64x128xf32>
    %dot_general3A_833 = tpu.matmul %div3A_831, %get3A_7, %dot_general3A_832 {dimension_numbers = #tpu.dot_dimension_numbers<[1], [0], [0], [1], [0, 0, 1, 1], [], []>, precision = #tpu.contract_precision<fp32>, transpose_lhs_hint = false} : vector<64x128xf32>, vector<128x128xf32>, vector<64x128xf32> -> vector<64x128xf32>
    %mul3A_834 = arith.mulf %get3A_782, %dot_general3A_833 : vector<64x128xf32>
    %reshape3A_835 = vector.shape_cast %mul3A_834 : vector<64x128xf32> to vector<64x1x128xf32>
    %swap3A_836 = arith.constant 0 : index
    %swap3A_837 = arith.constant 4 : index
    %swap3A_838 = arith.constant 0 : index
    %swap3A_839 = vector.load %arg12[%swap3A_836, %swap3A_837, %swap3A_838] : memref<64x16x128xf32, #tpu.memory_space<vmem>>, vector<64x1x128xf32>
    tpu.vector_store %arg12[%swap3A_836, %swap3A_837, %swap3A_838], %reshape3A_835 {strides = array<i32>} : memref<64x16x128xf32, #tpu.memory_space<vmem>>, vector<64x1x128xf32>,
    %reduce_sum3A_840 = arith.constant dense<0.000000e+00> : vector<128xf32>
    %reduce_sum3A_841 = vector.multi_reduction <add>, %mul3A_834, %reduce_sum3A_840 [0] : vector<64x128xf32> to vector<128xf32>
    %broadcast_in_dim3A_842 = vector.shape_cast %reduce_sum3A_841 : vector<128xf32> to vector<1x128xf32>
    %div3A_843 = arith.constant 6.400000e+01 : f32
    %div3A_844 = vector.broadcast %div3A_843 : f32 to vector<1x128xf32>
    %div3A_845 = arith.divf %broadcast_in_dim3A_842, %div3A_844 : vector<1x128xf32>
    %swap3A_846 = arith.constant 4 : index
    %swap3A_847 = arith.constant 0 : index
    %swap3A_848 = vector.load %arg17[%swap3A_846, %swap3A_847] : memref<16x128xf32, #tpu.memory_space<vmem>>, vector<1x128xf32>
    tpu.vector_store %arg17[%swap3A_846, %swap3A_847], %div3A_845 {strides = array<i32>} : memref<16x128xf32, #tpu.memory_space<vmem>>, vector<1x128xf32>,
    %get3A_849 = arith.constant 256 : index
    %get3A_850 = arith.constant 0 : index
    %get3A_851 = vector.load %arg15[%get3A_849, %get3A_850] : memref<960x128xf32, #tpu.memory_space<vmem>>, vector<64x128xf32>
    %get3A_852 = arith.constant 256 : index
    %get3A_853 = arith.constant 0 : index
    %get3A_854 = vector.load %arg16[%get3A_852, %get3A_853] : memref<960x128xf32, #tpu.memory_space<vmem>>, vector<64x128xf32>
    %dot_general3A_855 = arith.constant dense<0.000000e+00> : vector<64x128xf32>
    %dot_general3A_856 = tpu.matmul %convert_element_type3A_820, %get3A_7, %dot_general3A_855 {dimension_numbers = #tpu.dot_dimension_numbers<[1], [0], [0], [1], [0, 0, 1, 1], [], []>, precision = #tpu.contract_precision<fp32>, transpose_lhs_hint = false} : vector<64x128xf32>, vector<128x128xf32>, vector<64x128xf32> -> vector<64x128xf32>
    %mul3A_857 = arith.mulf %convert_element_type3A_820, %get3A_851 : vector<64x128xf32>
    %reduce_sum3A_858 = arith.constant dense<0.000000e+00> : vector<64xf32>
    %reduce_sum3A_859 = vector.multi_reduction <add>, %mul3A_857, %reduce_sum3A_858 [1] : vector<64x128xf32> to vector<64xf32>
    %broadcast_in_dim3A_860 = vector.shape_cast %reduce_sum3A_859 : vector<64xf32> to vector<64x1xf32>
    %mul3A_861 = vector.broadcast %broadcast_in_dim3A_860 : vector<64x1xf32> to vector<64x128xf32>
    %mul3A_862 = arith.mulf %mul3A_861, %get3A_851 : vector<64x128xf32>
    %mul3A_863 = arith.mulf %dot_general3A_856, %mul3A_862 : vector<64x128xf32>
    %reduce_sum3A_864 = arith.constant dense<0.000000e+00> : vector<64xf32>
    %reduce_sum3A_865 = vector.multi_reduction <add>, %mul3A_863, %reduce_sum3A_864 [1] : vector<64x128xf32> to vector<64xf32>
    %broadcast_in_dim3A_866 = vector.shape_cast %reduce_sum3A_865 : vector<64xf32> to vector<64x1xf32>
    %max3A_867 = arith.constant 9.99999993E-9 : f32
    %max3A_868 = vector.broadcast %max3A_867 : f32 to vector<64x1xf32>
    %max3A_869 = arith.maximumf %broadcast_in_dim3A_866, %max3A_868 : vector<64x1xf32>
    %div3A_870 = vector.broadcast %max3A_869 : vector<64x1xf32> to vector<64x128xf32>
    %div3A_871 = arith.divf %mul3A_863, %div3A_870 : vector<64x128xf32>
    %add3A_872 = arith.constant 9.99999993E-9 : f32
    %add3A_873 = vector.broadcast %add3A_872 : f32 to vector<64x128xf32>
    %add3A_874 = arith.addf %div3A_871, %add3A_873 : vector<64x128xf32>
    %log3A_875 = math.log %add3A_874 : vector<64x128xf32>
    %get3A_876 = arith.constant 5 : index
    %get3A_877 = arith.constant 0 : index
    %get3A_878 = arith.constant 0 : index
    %get3A_879 = vector.load %arg9[%get3A_876, %get3A_877, %get3A_878] : memref<16x64x128xf32, #tpu.memory_space<vmem>>, vector<1x64x128xf32>
    %get3A_880 = vector.shape_cast %get3A_879 : vector<1x64x128xf32> to vector<64x128xf32>
    %add3A_881 = arith.addf %log3A_875, %get3A_880 : vector<64x128xf32>
    %div3A_882 = vector.broadcast %get3A_1 : f32 to vector<64x128xf32>
    %div3A_883 = arith.divf %add3A_881, %div3A_882 : vector<64x128xf32>
    %argmax3A_884 = tpu.reduce_index %div3A_883 {axis = 1 : i32, kind = #tpu.reduction_kind<arg_max>} : vector<64x128xf32> -> vector<64xi32>
    %broadcast_in_dim3A_885 = vector.shape_cast %argmax3A_884 : vector<64xi32> to vector<64x1xi32>
    %eq3A_886 = vector.broadcast %broadcast_in_dim3A_885 : vector<64x1xi32> to vector<64x128xi32>
    %eq3A_887 = arith.cmpi eq, %iota3A, %eq3A_886 : vector<64x128xi32>
    %convert_element_type3A_888 = arith.extui %eq3A_887 : vector<64x128xi1> to vector<64x128xi32>
    %convert_element_type3A_889 = arith.sitofp %convert_element_type3A_888 : vector<64x128xi32> to vector<64x128xf32>
    %reshape3A_890 = vector.shape_cast %convert_element_type3A_889 : vector<64x128xf32> to vector<64x1x128xf32>
    %swap3A_891 = arith.constant 0 : index
    %swap3A_892 = arith.constant 5 : index
    %swap3A_893 = arith.constant 0 : index
    %swap3A_894 = vector.load %arg11[%swap3A_891, %swap3A_892, %swap3A_893] : memref<64x16x128xf32, #tpu.memory_space<vmem>>, vector<64x1x128xf32>
    tpu.vector_store %arg11[%swap3A_891, %swap3A_892, %swap3A_893], %reshape3A_890 {strides = array<i32>} : memref<64x16x128xf32, #tpu.memory_space<vmem>>, vector<64x1x128xf32>,
    %mul3A_895 = arith.mulf %get3A_851, %get3A_854 : vector<64x128xf32>
    %max3A_896 = arith.constant 9.99999993E-9 : f32
    %max3A_897 = vector.broadcast %max3A_896 : f32 to vector<64x128xf32>
    %max3A_898 = arith.maximumf %mul3A_895, %max3A_897 : vector<64x128xf32>
    %mul3A_899 = arith.mulf %mul3A_834, %get3A_851 : vector<64x128xf32>
    %div3A_900 = arith.divf %mul3A_899, %max3A_898 : vector<64x128xf32>
    %dot_general3A_901 = arith.constant dense<0.000000e+00> : vector<64x128xf32>
    %dot_general3A_902 = tpu.matmul %div3A_900, %get3A_7, %dot_general3A_901 {dimension_numbers = #tpu.dot_dimension_numbers<[1], [0], [0], [1], [0, 0, 1, 1], [], []>, precision = #tpu.contract_precision<fp32>, transpose_lhs_hint = false} : vector<64x128xf32>, vector<128x128xf32>, vector<64x128xf32> -> vector<64x128xf32>
    %mul3A_903 = arith.mulf %get3A_851, %dot_general3A_902 : vector<64x128xf32>
    %reshape3A_904 = vector.shape_cast %mul3A_903 : vector<64x128xf32> to vector<64x1x128xf32>
    %swap3A_905 = arith.constant 0 : index
    %swap3A_906 = arith.constant 5 : index
    %swap3A_907 = arith.constant 0 : index
    %swap3A_908 = vector.load %arg12[%swap3A_905, %swap3A_906, %swap3A_907] : memref<64x16x128xf32, #tpu.memory_space<vmem>>, vector<64x1x128xf32>
    tpu.vector_store %arg12[%swap3A_905, %swap3A_906, %swap3A_907], %reshape3A_904 {strides = array<i32>} : memref<64x16x128xf32, #tpu.memory_space<vmem>>, vector<64x1x128xf32>,
    %reduce_sum3A_909 = arith.constant dense<0.000000e+00> : vector<128xf32>
    %reduce_sum3A_910 = vector.multi_reduction <add>, %mul3A_903, %reduce_sum3A_909 [0] : vector<64x128xf32> to vector<128xf32>
    %broadcast_in_dim3A_911 = vector.shape_cast %reduce_sum3A_910 : vector<128xf32> to vector<1x128xf32>
    %div3A_912 = arith.constant 6.400000e+01 : f32
    %div3A_913 = vector.broadcast %div3A_912 : f32 to vector<1x128xf32>
    %div3A_914 = arith.divf %broadcast_in_dim3A_911, %div3A_913 : vector<1x128xf32>
    %swap3A_915 = arith.constant 5 : index
    %swap3A_916 = arith.constant 0 : index
    %swap3A_917 = vector.load %arg17[%swap3A_915, %swap3A_916] : memref<16x128xf32, #tpu.memory_space<vmem>>, vector<1x128xf32>
    tpu.vector_store %arg17[%swap3A_915, %swap3A_916], %div3A_914 {strides = array<i32>} : memref<16x128xf32, #tpu.memory_space<vmem>>, vector<1x128xf32>,
    %get3A_918 = arith.constant 320 : index
    %get3A_919 = arith.constant 0 : index
    %get3A_920 = vector.load %arg15[%get3A_918, %get3A_919] : memref<960x128xf32, #tpu.memory_space<vmem>>, vector<64x128xf32>
    %get3A_921 = arith.constant 320 : index
    %get3A_922 = arith.constant 0 : index
    %get3A_923 = vector.load %arg16[%get3A_921, %get3A_922] : memref<960x128xf32, #tpu.memory_space<vmem>>, vector<64x128xf32>
    %dot_general3A_924 = arith.constant dense<0.000000e+00> : vector<64x128xf32>
    %dot_general3A_925 = tpu.matmul %convert_element_type3A_889, %get3A_7, %dot_general3A_924 {dimension_numbers = #tpu.dot_dimension_numbers<[1], [0], [0], [1], [0, 0, 1, 1], [], []>, precision = #tpu.contract_precision<fp32>, transpose_lhs_hint = false} : vector<64x128xf32>, vector<128x128xf32>, vector<64x128xf32> -> vector<64x128xf32>
    %mul3A_926 = arith.mulf %convert_element_type3A_889, %get3A_920 : vector<64x128xf32>
    %reduce_sum3A_927 = arith.constant dense<0.000000e+00> : vector<64xf32>
    %reduce_sum3A_928 = vector.multi_reduction <add>, %mul3A_926, %reduce_sum3A_927 [1] : vector<64x128xf32> to vector<64xf32>
    %broadcast_in_dim3A_929 = vector.shape_cast %reduce_sum3A_928 : vector<64xf32> to vector<64x1xf32>
    %mul3A_930 = vector.broadcast %broadcast_in_dim3A_929 : vector<64x1xf32> to vector<64x128xf32>
    %mul3A_931 = arith.mulf %mul3A_930, %get3A_920 : vector<64x128xf32>
    %mul3A_932 = arith.mulf %dot_general3A_925, %mul3A_931 : vector<64x128xf32>
    %reduce_sum3A_933 = arith.constant dense<0.000000e+00> : vector<64xf32>
    %reduce_sum3A_934 = vector.multi_reduction <add>, %mul3A_932, %reduce_sum3A_933 [1] : vector<64x128xf32> to vector<64xf32>
    %broadcast_in_dim3A_935 = vector.shape_cast %reduce_sum3A_934 : vector<64xf32> to vector<64x1xf32>
    %max3A_936 = arith.constant 9.99999993E-9 : f32
    %max3A_937 = vector.broadcast %max3A_936 : f32 to vector<64x1xf32>
    %max3A_938 = arith.maximumf %broadcast_in_dim3A_935, %max3A_937 : vector<64x1xf32>
    %div3A_939 = vector.broadcast %max3A_938 : vector<64x1xf32> to vector<64x128xf32>
    %div3A_940 = arith.divf %mul3A_932, %div3A_939 : vector<64x128xf32>
    %add3A_941 = arith.constant 9.99999993E-9 : f32
    %add3A_942 = vector.broadcast %add3A_941 : f32 to vector<64x128xf32>
    %add3A_943 = arith.addf %div3A_940, %add3A_942 : vector<64x128xf32>
    %log3A_944 = math.log %add3A_943 : vector<64x128xf32>
    %get3A_945 = arith.constant 6 : index
    %get3A_946 = arith.constant 0 : index
    %get3A_947 = arith.constant 0 : index
    %get3A_948 = vector.load %arg9[%get3A_945, %get3A_946, %get3A_947] : memref<16x64x128xf32, #tpu.memory_space<vmem>>, vector<1x64x128xf32>
    %get3A_949 = vector.shape_cast %get3A_948 : vector<1x64x128xf32> to vector<64x128xf32>
    %add3A_950 = arith.addf %log3A_944, %get3A_949 : vector<64x128xf32>
    %div3A_951 = vector.broadcast %get3A_1 : f32 to vector<64x128xf32>
    %div3A_952 = arith.divf %add3A_950, %div3A_951 : vector<64x128xf32>
    %argmax3A_953 = tpu.reduce_index %div3A_952 {axis = 1 : i32, kind = #tpu.reduction_kind<arg_max>} : vector<64x128xf32> -> vector<64xi32>
    %broadcast_in_dim3A_954 = vector.shape_cast %argmax3A_953 : vector<64xi32> to vector<64x1xi32>
    %eq3A_955 = vector.broadcast %broadcast_in_dim3A_954 : vector<64x1xi32> to vector<64x128xi32>
    %eq3A_956 = arith.cmpi eq, %iota3A, %eq3A_955 : vector<64x128xi32>
    %convert_element_type3A_957 = arith.extui %eq3A_956 : vector<64x128xi1> to vector<64x128xi32>
    %convert_element_type3A_958 = arith.sitofp %convert_element_type3A_957 : vector<64x128xi32> to vector<64x128xf32>
    %reshape3A_959 = vector.shape_cast %convert_element_type3A_958 : vector<64x128xf32> to vector<64x1x128xf32>
    %swap3A_960 = arith.constant 0 : index
    %swap3A_961 = arith.constant 6 : index
    %swap3A_962 = arith.constant 0 : index
    %swap3A_963 = vector.load %arg11[%swap3A_960, %swap3A_961, %swap3A_962] : memref<64x16x128xf32, #tpu.memory_space<vmem>>, vector<64x1x128xf32>
    tpu.vector_store %arg11[%swap3A_960, %swap3A_961, %swap3A_962], %reshape3A_959 {strides = array<i32>} : memref<64x16x128xf32, #tpu.memory_space<vmem>>, vector<64x1x128xf32>,
    %mul3A_964 = arith.mulf %get3A_920, %get3A_923 : vector<64x128xf32>
    %max3A_965 = arith.constant 9.99999993E-9 : f32
    %max3A_966 = vector.broadcast %max3A_965 : f32 to vector<64x128xf32>
    %max3A_967 = arith.maximumf %mul3A_964, %max3A_966 : vector<64x128xf32>
    %mul3A_968 = arith.mulf %mul3A_903, %get3A_920 : vector<64x128xf32>
    %div3A_969 = arith.divf %mul3A_968, %max3A_967 : vector<64x128xf32>
    %dot_general3A_970 = arith.constant dense<0.000000e+00> : vector<64x128xf32>
    %dot_general3A_971 = tpu.matmul %div3A_969, %get3A_7, %dot_general3A_970 {dimension_numbers = #tpu.dot_dimension_numbers<[1], [0], [0], [1], [0, 0, 1, 1], [], []>, precision = #tpu.contract_precision<fp32>, transpose_lhs_hint = false} : vector<64x128xf32>, vector<128x128xf32>, vector<64x128xf32> -> vector<64x128xf32>
    %mul3A_972 = arith.mulf %get3A_920, %dot_general3A_971 : vector<64x128xf32>
    %reshape3A_973 = vector.shape_cast %mul3A_972 : vector<64x128xf32> to vector<64x1x128xf32>
    %swap3A_974 = arith.constant 0 : index
    %swap3A_975 = arith.constant 6 : index
    %swap3A_976 = arith.constant 0 : index
    %swap3A_977 = vector.load %arg12[%swap3A_974, %swap3A_975, %swap3A_976] : memref<64x16x128xf32, #tpu.memory_space<vmem>>, vector<64x1x128xf32>
    tpu.vector_store %arg12[%swap3A_974, %swap3A_975, %swap3A_976], %reshape3A_973 {strides = array<i32>} : memref<64x16x128xf32, #tpu.memory_space<vmem>>, vector<64x1x128xf32>,
    %reduce_sum3A_978 = arith.constant dense<0.000000e+00> : vector<128xf32>
    %reduce_sum3A_979 = vector.multi_reduction <add>, %mul3A_972, %reduce_sum3A_978 [0] : vector<64x128xf32> to vector<128xf32>
    %broadcast_in_dim3A_980 = vector.shape_cast %reduce_sum3A_979 : vector<128xf32> to vector<1x128xf32>
    %div3A_981 = arith.constant 6.400000e+01 : f32
    %div3A_982 = vector.broadcast %div3A_981 : f32 to vector<1x128xf32>
    %div3A_983 = arith.divf %broadcast_in_dim3A_980, %div3A_982 : vector<1x128xf32>
    %swap3A_984 = arith.constant 6 : index
    %swap3A_985 = arith.constant 0 : index
    %swap3A_986 = vector.load %arg17[%swap3A_984, %swap3A_985] : memref<16x128xf32, #tpu.memory_space<vmem>>, vector<1x128xf32>
    tpu.vector_store %arg17[%swap3A_984, %swap3A_985], %div3A_983 {strides = array<i32>} : memref<16x128xf32, #tpu.memory_space<vmem>>, vector<1x128xf32>,
    %get3A_987 = arith.constant 384 : index
    %get3A_988 = arith.constant 0 : index
    %get3A_989 = vector.load %arg15[%get3A_987, %get3A_988] : memref<960x128xf32, #tpu.memory_space<vmem>>, vector<64x128xf32>
    %get3A_990 = arith.constant 384 : index
    %get3A_991 = arith.constant 0 : index
    %get3A_992 = vector.load %arg16[%get3A_990, %get3A_991] : memref<960x128xf32, #tpu.memory_space<vmem>>, vector<64x128xf32>
    %dot_general3A_993 = arith.constant dense<0.000000e+00> : vector<64x128xf32>
    %dot_general3A_994 = tpu.matmul %convert_element_type3A_958, %get3A_7, %dot_general3A_993 {dimension_numbers = #tpu.dot_dimension_numbers<[1], [0], [0], [1], [0, 0, 1, 1], [], []>, precision = #tpu.contract_precision<fp32>, transpose_lhs_hint = false} : vector<64x128xf32>, vector<128x128xf32>, vector<64x128xf32> -> vector<64x128xf32>
    %mul3A_995 = arith.mulf %convert_element_type3A_958, %get3A_989 : vector<64x128xf32>
    %reduce_sum3A_996 = arith.constant dense<0.000000e+00> : vector<64xf32>
    %reduce_sum3A_997 = vector.multi_reduction <add>, %mul3A_995, %reduce_sum3A_996 [1] : vector<64x128xf32> to vector<64xf32>
    %broadcast_in_dim3A_998 = vector.shape_cast %reduce_sum3A_997 : vector<64xf32> to vector<64x1xf32>
    %mul3A_999 = vector.broadcast %broadcast_in_dim3A_998 : vector<64x1xf32> to vector<64x128xf32>
    %mul3A_1000 = arith.mulf %mul3A_999, %get3A_989 : vector<64x128xf32>
    %mul3A_1001 = arith.mulf %dot_general3A_994, %mul3A_1000 : vector<64x128xf32>
    %reduce_sum3A_1002 = arith.constant dense<0.000000e+00> : vector<64xf32>
    %reduce_sum3A_1003 = vector.multi_reduction <add>, %mul3A_1001, %reduce_sum3A_1002 [1] : vector<64x128xf32> to vector<64xf32>
    %broadcast_in_dim3A_1004 = vector.shape_cast %reduce_sum3A_1003 : vector<64xf32> to vector<64x1xf32>
    %max3A_1005 = arith.constant 9.99999993E-9 : f32
    %max3A_1006 = vector.broadcast %max3A_1005 : f32 to vector<64x1xf32>
    %max3A_1007 = arith.maximumf %broadcast_in_dim3A_1004, %max3A_1006 : vector<64x1xf32>
    %div3A_1008 = vector.broadcast %max3A_1007 : vector<64x1xf32> to vector<64x128xf32>
    %div3A_1009 = arith.divf %mul3A_1001, %div3A_1008 : vector<64x128xf32>
    %add3A_1010 = arith.constant 9.99999993E-9 : f32
    %add3A_1011 = vector.broadcast %add3A_1010 : f32 to vector<64x128xf32>
    %add3A_1012 = arith.addf %div3A_1009, %add3A_1011 : vector<64x128xf32>
    %log3A_1013 = math.log %add3A_1012 : vector<64x128xf32>
    %get3A_1014 = arith.constant 7 : index
    %get3A_1015 = arith.constant 0 : index
    %get3A_1016 = arith.constant 0 : index
    %get3A_1017 = vector.load %arg9[%get3A_1014, %get3A_1015, %get3A_1016] : memref<16x64x128xf32, #tpu.memory_space<vmem>>, vector<1x64x128xf32>
    %get3A_1018 = vector.shape_cast %get3A_1017 : vector<1x64x128xf32> to vector<64x128xf32>
    %add3A_1019 = arith.addf %log3A_1013, %get3A_1018 : vector<64x128xf32>
    %div3A_1020 = vector.broadcast %get3A_1 : f32 to vector<64x128xf32>
    %div3A_1021 = arith.divf %add3A_1019, %div3A_1020 : vector<64x128xf32>
    %argmax3A_1022 = tpu.reduce_index %div3A_1021 {axis = 1 : i32, kind = #tpu.reduction_kind<arg_max>} : vector<64x128xf32> -> vector<64xi32>
    %broadcast_in_dim3A_1023 = vector.shape_cast %argmax3A_1022 : vector<64xi32> to vector<64x1xi32>
    %eq3A_1024 = vector.broadcast %broadcast_in_dim3A_1023 : vector<64x1xi32> to vector<64x128xi32>
    %eq3A_1025 = arith.cmpi eq, %iota3A, %eq3A_1024 : vector<64x128xi32>
    %convert_element_type3A_1026 = arith.extui %eq3A_1025 : vector<64x128xi1> to vector<64x128xi32>
    %convert_element_type3A_1027 = arith.sitofp %convert_element_type3A_1026 : vector<64x128xi32> to vector<64x128xf32>
    %reshape3A_1028 = vector.shape_cast %convert_element_type3A_1027 : vector<64x128xf32> to vector<64x1x128xf32>
    %swap3A_1029 = arith.constant 0 : index
    %swap3A_1030 = arith.constant 7 : index
    %swap3A_1031 = arith.constant 0 : index
    %swap3A_1032 = vector.load %arg11[%swap3A_1029, %swap3A_1030, %swap3A_1031] : memref<64x16x128xf32, #tpu.memory_space<vmem>>, vector<64x1x128xf32>
    tpu.vector_store %arg11[%swap3A_1029, %swap3A_1030, %swap3A_1031], %reshape3A_1028 {strides = array<i32>} : memref<64x16x128xf32, #tpu.memory_space<vmem>>, vector<64x1x128xf32>,
    %mul3A_1033 = arith.mulf %get3A_989, %get3A_992 : vector<64x128xf32>
    %max3A_1034 = arith.constant 9.99999993E-9 : f32
    %max3A_1035 = vector.broadcast %max3A_1034 : f32 to vector<64x128xf32>
    %max3A_1036 = arith.maximumf %mul3A_1033, %max3A_1035 : vector<64x128xf32>
    %mul3A_1037 = arith.mulf %mul3A_972, %get3A_989 : vector<64x128xf32>
    %div3A_1038 = arith.divf %mul3A_1037, %max3A_1036 : vector<64x128xf32>
    %dot_general3A_1039 = arith.constant dense<0.000000e+00> : vector<64x128xf32>
    %dot_general3A_1040 = tpu.matmul %div3A_1038, %get3A_7, %dot_general3A_1039 {dimension_numbers = #tpu.dot_dimension_numbers<[1], [0], [0], [1], [0, 0, 1, 1], [], []>, precision = #tpu.contract_precision<fp32>, transpose_lhs_hint = false} : vector<64x128xf32>, vector<128x128xf32>, vector<64x128xf32> -> vector<64x128xf32>
    %mul3A_1041 = arith.mulf %get3A_989, %dot_general3A_1040 : vector<64x128xf32>
    %reshape3A_1042 = vector.shape_cast %mul3A_1041 : vector<64x128xf32> to vector<64x1x128xf32>
    %swap3A_1043 = arith.constant 0 : index
    %swap3A_1044 = arith.constant 7 : index
    %swap3A_1045 = arith.constant 0 : index
    %swap3A_1046 = vector.load %arg12[%swap3A_1043, %swap3A_1044, %swap3A_1045] : memref<64x16x128xf32, #tpu.memory_space<vmem>>, vector<64x1x128xf32>
    tpu.vector_store %arg12[%swap3A_1043, %swap3A_1044, %swap3A_1045], %reshape3A_1042 {strides = array<i32>} : memref<64x16x128xf32, #tpu.memory_space<vmem>>, vector<64x1x128xf32>,
    %reduce_sum3A_1047 = arith.constant dense<0.000000e+00> : vector<128xf32>
    %reduce_sum3A_1048 = vector.multi_reduction <add>, %mul3A_1041, %reduce_sum3A_1047 [0] : vector<64x128xf32> to vector<128xf32>
    %broadcast_in_dim3A_1049 = vector.shape_cast %reduce_sum3A_1048 : vector<128xf32> to vector<1x128xf32>
    %div3A_1050 = arith.constant 6.400000e+01 : f32
    %div3A_1051 = vector.broadcast %div3A_1050 : f32 to vector<1x128xf32>
    %div3A_1052 = arith.divf %broadcast_in_dim3A_1049, %div3A_1051 : vector<1x128xf32>
    %swap3A_1053 = arith.constant 7 : index
    %swap3A_1054 = arith.constant 0 : index
    %swap3A_1055 = vector.load %arg17[%swap3A_1053, %swap3A_1054] : memref<16x128xf32, #tpu.memory_space<vmem>>, vector<1x128xf32>
    tpu.vector_store %arg17[%swap3A_1053, %swap3A_1054], %div3A_1052 {strides = array<i32>} : memref<16x128xf32, #tpu.memory_space<vmem>>, vector<1x128xf32>,
    %get3A_1056 = arith.constant 448 : index
    %get3A_1057 = arith.constant 0 : index
    %get3A_1058 = vector.load %arg15[%get3A_1056, %get3A_1057] : memref<960x128xf32, #tpu.memory_space<vmem>>, vector<64x128xf32>
    %get3A_1059 = arith.constant 448 : index
    %get3A_1060 = arith.constant 0 : index
    %get3A_1061 = vector.load %arg16[%get3A_1059, %get3A_1060] : memref<960x128xf32, #tpu.memory_space<vmem>>, vector<64x128xf32>
    %dot_general3A_1062 = arith.constant dense<0.000000e+00> : vector<64x128xf32>
    %dot_general3A_1063 = tpu.matmul %convert_element_type3A_1027, %get3A_7, %dot_general3A_1062 {dimension_numbers = #tpu.dot_dimension_numbers<[1], [0], [0], [1], [0, 0, 1, 1], [], []>, precision = #tpu.contract_precision<fp32>, transpose_lhs_hint = false} : vector<64x128xf32>, vector<128x128xf32>, vector<64x128xf32> -> vector<64x128xf32>
    %mul3A_1064 = arith.mulf %convert_element_type3A_1027, %get3A_1058 : vector<64x128xf32>
    %reduce_sum3A_1065 = arith.constant dense<0.000000e+00> : vector<64xf32>
    %reduce_sum3A_1066 = vector.multi_reduction <add>, %mul3A_1064, %reduce_sum3A_1065 [1] : vector<64x128xf32> to vector<64xf32>
    %broadcast_in_dim3A_1067 = vector.shape_cast %reduce_sum3A_1066 : vector<64xf32> to vector<64x1xf32>
    %mul3A_1068 = vector.broadcast %broadcast_in_dim3A_1067 : vector<64x1xf32> to vector<64x128xf32>
    %mul3A_1069 = arith.mulf %mul3A_1068, %get3A_1058 : vector<64x128xf32>
    %mul3A_1070 = arith.mulf %dot_general3A_1063, %mul3A_1069 : vector<64x128xf32>
    %reduce_sum3A_1071 = arith.constant dense<0.000000e+00> : vector<64xf32>
    %reduce_sum3A_1072 = vector.multi_reduction <add>, %mul3A_1070, %reduce_sum3A_1071 [1] : vector<64x128xf32> to vector<64xf32>
    %broadcast_in_dim3A_1073 = vector.shape_cast %reduce_sum3A_1072 : vector<64xf32> to vector<64x1xf32>
    %max3A_1074 = arith.constant 9.99999993E-9 : f32
    %max3A_1075 = vector.broadcast %max3A_1074 : f32 to vector<64x1xf32>
    %max3A_1076 = arith.maximumf %broadcast_in_dim3A_1073, %max3A_1075 : vector<64x1xf32>
    %div3A_1077 = vector.broadcast %max3A_1076 : vector<64x1xf32> to vector<64x128xf32>
    %div3A_1078 = arith.divf %mul3A_1070, %div3A_1077 : vector<64x128xf32>
    %add3A_1079 = arith.constant 9.99999993E-9 : f32
    %add3A_1080 = vector.broadcast %add3A_1079 : f32 to vector<64x128xf32>
    %add3A_1081 = arith.addf %div3A_1078, %add3A_1080 : vector<64x128xf32>
    %log3A_1082 = math.log %add3A_1081 : vector<64x128xf32>
    %get3A_1083 = arith.constant 8 : index
    %get3A_1084 = arith.constant 0 : index
    %get3A_1085 = arith.constant 0 : index
    %get3A_1086 = vector.load %arg9[%get3A_1083, %get3A_1084, %get3A_1085] : memref<16x64x128xf32, #tpu.memory_space<vmem>>, vector<1x64x128xf32>
    %get3A_1087 = vector.shape_cast %get3A_1086 : vector<1x64x128xf32> to vector<64x128xf32>
    %add3A_1088 = arith.addf %log3A_1082, %get3A_1087 : vector<64x128xf32>
    %div3A_1089 = vector.broadcast %get3A_1 : f32 to vector<64x128xf32>
    %div3A_1090 = arith.divf %add3A_1088, %div3A_1089 : vector<64x128xf32>
    %argmax3A_1091 = tpu.reduce_index %div3A_1090 {axis = 1 : i32, kind = #tpu.reduction_kind<arg_max>} : vector<64x128xf32> -> vector<64xi32>
    %broadcast_in_dim3A_1092 = vector.shape_cast %argmax3A_1091 : vector<64xi32> to vector<64x1xi32>
    %eq3A_1093 = vector.broadcast %broadcast_in_dim3A_1092 : vector<64x1xi32> to vector<64x128xi32>
    %eq3A_1094 = arith.cmpi eq, %iota3A, %eq3A_1093 : vector<64x128xi32>
    %convert_element_type3A_1095 = arith.extui %eq3A_1094 : vector<64x128xi1> to vector<64x128xi32>
    %convert_element_type3A_1096 = arith.sitofp %convert_element_type3A_1095 : vector<64x128xi32> to vector<64x128xf32>
    %reshape3A_1097 = vector.shape_cast %convert_element_type3A_1096 : vector<64x128xf32> to vector<64x1x128xf32>
    %swap3A_1098 = arith.constant 0 : index
    %swap3A_1099 = arith.constant 8 : index
    %swap3A_1100 = arith.constant 0 : index
    %swap3A_1101 = vector.load %arg11[%swap3A_1098, %swap3A_1099, %swap3A_1100] : memref<64x16x128xf32, #tpu.memory_space<vmem>>, vector<64x1x128xf32>
    tpu.vector_store %arg11[%swap3A_1098, %swap3A_1099, %swap3A_1100], %reshape3A_1097 {strides = array<i32>} : memref<64x16x128xf32, #tpu.memory_space<vmem>>, vector<64x1x128xf32>,
    %mul3A_1102 = arith.mulf %get3A_1058, %get3A_1061 : vector<64x128xf32>
    %max3A_1103 = arith.constant 9.99999993E-9 : f32
    %max3A_1104 = vector.broadcast %max3A_1103 : f32 to vector<64x128xf32>
    %max3A_1105 = arith.maximumf %mul3A_1102, %max3A_1104 : vector<64x128xf32>
    %mul3A_1106 = arith.mulf %mul3A_1041, %get3A_1058 : vector<64x128xf32>
    %div3A_1107 = arith.divf %mul3A_1106, %max3A_1105 : vector<64x128xf32>
    %dot_general3A_1108 = arith.constant dense<0.000000e+00> : vector<64x128xf32>
    %dot_general3A_1109 = tpu.matmul %div3A_1107, %get3A_7, %dot_general3A_1108 {dimension_numbers = #tpu.dot_dimension_numbers<[1], [0], [0], [1], [0, 0, 1, 1], [], []>, precision = #tpu.contract_precision<fp32>, transpose_lhs_hint = false} : vector<64x128xf32>, vector<128x128xf32>, vector<64x128xf32> -> vector<64x128xf32>
    %mul3A_1110 = arith.mulf %get3A_1058, %dot_general3A_1109 : vector<64x128xf32>
    %reshape3A_1111 = vector.shape_cast %mul3A_1110 : vector<64x128xf32> to vector<64x1x128xf32>
    %swap3A_1112 = arith.constant 0 : index
    %swap3A_1113 = arith.constant 8 : index
    %swap3A_1114 = arith.constant 0 : index
    %swap3A_1115 = vector.load %arg12[%swap3A_1112, %swap3A_1113, %swap3A_1114] : memref<64x16x128xf32, #tpu.memory_space<vmem>>, vector<64x1x128xf32>
    tpu.vector_store %arg12[%swap3A_1112, %swap3A_1113, %swap3A_1114], %reshape3A_1111 {strides = array<i32>} : memref<64x16x128xf32, #tpu.memory_space<vmem>>, vector<64x1x128xf32>,
    %reduce_sum3A_1116 = arith.constant dense<0.000000e+00> : vector<128xf32>
    %reduce_sum3A_1117 = vector.multi_reduction <add>, %mul3A_1110, %reduce_sum3A_1116 [0] : vector<64x128xf32> to vector<128xf32>
    %broadcast_in_dim3A_1118 = vector.shape_cast %reduce_sum3A_1117 : vector<128xf32> to vector<1x128xf32>
    %div3A_1119 = arith.constant 6.400000e+01 : f32
    %div3A_1120 = vector.broadcast %div3A_1119 : f32 to vector<1x128xf32>
    %div3A_1121 = arith.divf %broadcast_in_dim3A_1118, %div3A_1120 : vector<1x128xf32>
    %swap3A_1122 = arith.constant 8 : index
    %swap3A_1123 = arith.constant 0 : index
    %swap3A_1124 = vector.load %arg17[%swap3A_1122, %swap3A_1123] : memref<16x128xf32, #tpu.memory_space<vmem>>, vector<1x128xf32>
    tpu.vector_store %arg17[%swap3A_1122, %swap3A_1123], %div3A_1121 {strides = array<i32>} : memref<16x128xf32, #tpu.memory_space<vmem>>, vector<1x128xf32>,
    %get3A_1125 = arith.constant 512 : index
    %get3A_1126 = arith.constant 0 : index
    %get3A_1127 = vector.load %arg15[%get3A_1125, %get3A_1126] : memref<960x128xf32, #tpu.memory_space<vmem>>, vector<64x128xf32>
    %get3A_1128 = arith.constant 512 : index
    %get3A_1129 = arith.constant 0 : index
    %get3A_1130 = vector.load %arg16[%get3A_1128, %get3A_1129] : memref<960x128xf32, #tpu.memory_space<vmem>>, vector<64x128xf32>
    %dot_general3A_1131 = arith.constant dense<0.000000e+00> : vector<64x128xf32>
    %dot_general3A_1132 = tpu.matmul %convert_element_type3A_1096, %get3A_7, %dot_general3A_1131 {dimension_numbers = #tpu.dot_dimension_numbers<[1], [0], [0], [1], [0, 0, 1, 1], [], []>, precision = #tpu.contract_precision<fp32>, transpose_lhs_hint = false} : vector<64x128xf32>, vector<128x128xf32>, vector<64x128xf32> -> vector<64x128xf32>
    %mul3A_1133 = arith.mulf %convert_element_type3A_1096, %get3A_1127 : vector<64x128xf32>
    %reduce_sum3A_1134 = arith.constant dense<0.000000e+00> : vector<64xf32>
    %reduce_sum3A_1135 = vector.multi_reduction <add>, %mul3A_1133, %reduce_sum3A_1134 [1] : vector<64x128xf32> to vector<64xf32>
    %broadcast_in_dim3A_1136 = vector.shape_cast %reduce_sum3A_1135 : vector<64xf32> to vector<64x1xf32>
    %mul3A_1137 = vector.broadcast %broadcast_in_dim3A_1136 : vector<64x1xf32> to vector<64x128xf32>
    %mul3A_1138 = arith.mulf %mul3A_1137, %get3A_1127 : vector<64x128xf32>
    %mul3A_1139 = arith.mulf %dot_general3A_1132, %mul3A_1138 : vector<64x128xf32>
    %reduce_sum3A_1140 = arith.constant dense<0.000000e+00> : vector<64xf32>
    %reduce_sum3A_1141 = vector.multi_reduction <add>, %mul3A_1139, %reduce_sum3A_1140 [1] : vector<64x128xf32> to vector<64xf32>
    %broadcast_in_dim3A_1142 = vector.shape_cast %reduce_sum3A_1141 : vector<64xf32> to vector<64x1xf32>
    %max3A_1143 = arith.constant 9.99999993E-9 : f32
    %max3A_1144 = vector.broadcast %max3A_1143 : f32 to vector<64x1xf32>
    %max3A_1145 = arith.maximumf %broadcast_in_dim3A_1142, %max3A_1144 : vector<64x1xf32>
    %div3A_1146 = vector.broadcast %max3A_1145 : vector<64x1xf32> to vector<64x128xf32>
    %div3A_1147 = arith.divf %mul3A_1139, %div3A_1146 : vector<64x128xf32>
    %add3A_1148 = arith.constant 9.99999993E-9 : f32
    %add3A_1149 = vector.broadcast %add3A_1148 : f32 to vector<64x128xf32>
    %add3A_1150 = arith.addf %div3A_1147, %add3A_1149 : vector<64x128xf32>
    %log3A_1151 = math.log %add3A_1150 : vector<64x128xf32>
    %get3A_1152 = arith.constant 9 : index
    %get3A_1153 = arith.constant 0 : index
    %get3A_1154 = arith.constant 0 : index
    %get3A_1155 = vector.load %arg9[%get3A_1152, %get3A_1153, %get3A_1154] : memref<16x64x128xf32, #tpu.memory_space<vmem>>, vector<1x64x128xf32>
    %get3A_1156 = vector.shape_cast %get3A_1155 : vector<1x64x128xf32> to vector<64x128xf32>
    %add3A_1157 = arith.addf %log3A_1151, %get3A_1156 : vector<64x128xf32>
    %div3A_1158 = vector.broadcast %get3A_1 : f32 to vector<64x128xf32>
    %div3A_1159 = arith.divf %add3A_1157, %div3A_1158 : vector<64x128xf32>
    %argmax3A_1160 = tpu.reduce_index %div3A_1159 {axis = 1 : i32, kind = #tpu.reduction_kind<arg_max>} : vector<64x128xf32> -> vector<64xi32>
    %broadcast_in_dim3A_1161 = vector.shape_cast %argmax3A_1160 : vector<64xi32> to vector<64x1xi32>
    %eq3A_1162 = vector.broadcast %broadcast_in_dim3A_1161 : vector<64x1xi32> to vector<64x128xi32>
    %eq3A_1163 = arith.cmpi eq, %iota3A, %eq3A_1162 : vector<64x128xi32>
    %convert_element_type3A_1164 = arith.extui %eq3A_1163 : vector<64x128xi1> to vector<64x128xi32>
    %convert_element_type3A_1165 = arith.sitofp %convert_element_type3A_1164 : vector<64x128xi32> to vector<64x128xf32>
    %reshape3A_1166 = vector.shape_cast %convert_element_type3A_1165 : vector<64x128xf32> to vector<64x1x128xf32>
    %swap3A_1167 = arith.constant 0 : index
    %swap3A_1168 = arith.constant 9 : index
    %swap3A_1169 = arith.constant 0 : index
    %swap3A_1170 = vector.load %arg11[%swap3A_1167, %swap3A_1168, %swap3A_1169] : memref<64x16x128xf32, #tpu.memory_space<vmem>>, vector<64x1x128xf32>
    tpu.vector_store %arg11[%swap3A_1167, %swap3A_1168, %swap3A_1169], %reshape3A_1166 {strides = array<i32>} : memref<64x16x128xf32, #tpu.memory_space<vmem>>, vector<64x1x128xf32>,
    %mul3A_1171 = arith.mulf %get3A_1127, %get3A_1130 : vector<64x128xf32>
    %max3A_1172 = arith.constant 9.99999993E-9 : f32
    %max3A_1173 = vector.broadcast %max3A_1172 : f32 to vector<64x128xf32>
    %max3A_1174 = arith.maximumf %mul3A_1171, %max3A_1173 : vector<64x128xf32>
    %mul3A_1175 = arith.mulf %mul3A_1110, %get3A_1127 : vector<64x128xf32>
    %div3A_1176 = arith.divf %mul3A_1175, %max3A_1174 : vector<64x128xf32>
    %dot_general3A_1177 = arith.constant dense<0.000000e+00> : vector<64x128xf32>
    %dot_general3A_1178 = tpu.matmul %div3A_1176, %get3A_7, %dot_general3A_1177 {dimension_numbers = #tpu.dot_dimension_numbers<[1], [0], [0], [1], [0, 0, 1, 1], [], []>, precision = #tpu.contract_precision<fp32>, transpose_lhs_hint = false} : vector<64x128xf32>, vector<128x128xf32>, vector<64x128xf32> -> vector<64x128xf32>
    %mul3A_1179 = arith.mulf %get3A_1127, %dot_general3A_1178 : vector<64x128xf32>
    %reshape3A_1180 = vector.shape_cast %mul3A_1179 : vector<64x128xf32> to vector<64x1x128xf32>
    %swap3A_1181 = arith.constant 0 : index
    %swap3A_1182 = arith.constant 9 : index
    %swap3A_1183 = arith.constant 0 : index
    %swap3A_1184 = vector.load %arg12[%swap3A_1181, %swap3A_1182, %swap3A_1183] : memref<64x16x128xf32, #tpu.memory_space<vmem>>, vector<64x1x128xf32>
    tpu.vector_store %arg12[%swap3A_1181, %swap3A_1182, %swap3A_1183], %reshape3A_1180 {strides = array<i32>} : memref<64x16x128xf32, #tpu.memory_space<vmem>>, vector<64x1x128xf32>,
    %reduce_sum3A_1185 = arith.constant dense<0.000000e+00> : vector<128xf32>
    %reduce_sum3A_1186 = vector.multi_reduction <add>, %mul3A_1179, %reduce_sum3A_1185 [0] : vector<64x128xf32> to vector<128xf32>
    %broadcast_in_dim3A_1187 = vector.shape_cast %reduce_sum3A_1186 : vector<128xf32> to vector<1x128xf32>
    %div3A_1188 = arith.constant 6.400000e+01 : f32
    %div3A_1189 = vector.broadcast %div3A_1188 : f32 to vector<1x128xf32>
    %div3A_1190 = arith.divf %broadcast_in_dim3A_1187, %div3A_1189 : vector<1x128xf32>
    %swap3A_1191 = arith.constant 9 : index
    %swap3A_1192 = arith.constant 0 : index
    %swap3A_1193 = vector.load %arg17[%swap3A_1191, %swap3A_1192] : memref<16x128xf32, #tpu.memory_space<vmem>>, vector<1x128xf32>
    tpu.vector_store %arg17[%swap3A_1191, %swap3A_1192], %div3A_1190 {strides = array<i32>} : memref<16x128xf32, #tpu.memory_space<vmem>>, vector<1x128xf32>,
    %get3A_1194 = arith.constant 576 : index
    %get3A_1195 = arith.constant 0 : index
    %get3A_1196 = vector.load %arg15[%get3A_1194, %get3A_1195] : memref<960x128xf32, #tpu.memory_space<vmem>>, vector<64x128xf32>
    %get3A_1197 = arith.constant 576 : index
    %get3A_1198 = arith.constant 0 : index
    %get3A_1199 = vector.load %arg16[%get3A_1197, %get3A_1198] : memref<960x128xf32, #tpu.memory_space<vmem>>, vector<64x128xf32>
    %dot_general3A_1200 = arith.constant dense<0.000000e+00> : vector<64x128xf32>
    %dot_general3A_1201 = tpu.matmul %convert_element_type3A_1165, %get3A_7, %dot_general3A_1200 {dimension_numbers = #tpu.dot_dimension_numbers<[1], [0], [0], [1], [0, 0, 1, 1], [], []>, precision = #tpu.contract_precision<fp32>, transpose_lhs_hint = false} : vector<64x128xf32>, vector<128x128xf32>, vector<64x128xf32> -> vector<64x128xf32>
    %mul3A_1202 = arith.mulf %convert_element_type3A_1165, %get3A_1196 : vector<64x128xf32>
    %reduce_sum3A_1203 = arith.constant dense<0.000000e+00> : vector<64xf32>
    %reduce_sum3A_1204 = vector.multi_reduction <add>, %mul3A_1202, %reduce_sum3A_1203 [1] : vector<64x128xf32> to vector<64xf32>
    %broadcast_in_dim3A_1205 = vector.shape_cast %reduce_sum3A_1204 : vector<64xf32> to vector<64x1xf32>
    %mul3A_1206 = vector.broadcast %broadcast_in_dim3A_1205 : vector<64x1xf32> to vector<64x128xf32>
    %mul3A_1207 = arith.mulf %mul3A_1206, %get3A_1196 : vector<64x128xf32>
    %mul3A_1208 = arith.mulf %dot_general3A_1201, %mul3A_1207 : vector<64x128xf32>
    %reduce_sum3A_1209 = arith.constant dense<0.000000e+00> : vector<64xf32>
    %reduce_sum3A_1210 = vector.multi_reduction <add>, %mul3A_1208, %reduce_sum3A_1209 [1] : vector<64x128xf32> to vector<64xf32>
    %broadcast_in_dim3A_1211 = vector.shape_cast %reduce_sum3A_1210 : vector<64xf32> to vector<64x1xf32>
    %max3A_1212 = arith.constant 9.99999993E-9 : f32
    %max3A_1213 = vector.broadcast %max3A_1212 : f32 to vector<64x1xf32>
    %max3A_1214 = arith.maximumf %broadcast_in_dim3A_1211, %max3A_1213 : vector<64x1xf32>
    %div3A_1215 = vector.broadcast %max3A_1214 : vector<64x1xf32> to vector<64x128xf32>
    %div3A_1216 = arith.divf %mul3A_1208, %div3A_1215 : vector<64x128xf32>
    %add3A_1217 = arith.constant 9.99999993E-9 : f32
    %add3A_1218 = vector.broadcast %add3A_1217 : f32 to vector<64x128xf32>
    %add3A_1219 = arith.addf %div3A_1216, %add3A_1218 : vector<64x128xf32>
    %log3A_1220 = math.log %add3A_1219 : vector<64x128xf32>
    %get3A_1221 = arith.constant 10 : index
    %get3A_1222 = arith.constant 0 : index
    %get3A_1223 = arith.constant 0 : index
    %get3A_1224 = vector.load %arg9[%get3A_1221, %get3A_1222, %get3A_1223] : memref<16x64x128xf32, #tpu.memory_space<vmem>>, vector<1x64x128xf32>
    %get3A_1225 = vector.shape_cast %get3A_1224 : vector<1x64x128xf32> to vector<64x128xf32>
    %add3A_1226 = arith.addf %log3A_1220, %get3A_1225 : vector<64x128xf32>
    %div3A_1227 = vector.broadcast %get3A_1 : f32 to vector<64x128xf32>
    %div3A_1228 = arith.divf %add3A_1226, %div3A_1227 : vector<64x128xf32>
    %argmax3A_1229 = tpu.reduce_index %div3A_1228 {axis = 1 : i32, kind = #tpu.reduction_kind<arg_max>} : vector<64x128xf32> -> vector<64xi32>
    %broadcast_in_dim3A_1230 = vector.shape_cast %argmax3A_1229 : vector<64xi32> to vector<64x1xi32>
    %eq3A_1231 = vector.broadcast %broadcast_in_dim3A_1230 : vector<64x1xi32> to vector<64x128xi32>
    %eq3A_1232 = arith.cmpi eq, %iota3A, %eq3A_1231 : vector<64x128xi32>
    %convert_element_type3A_1233 = arith.extui %eq3A_1232 : vector<64x128xi1> to vector<64x128xi32>
    %convert_element_type3A_1234 = arith.sitofp %convert_element_type3A_1233 : vector<64x128xi32> to vector<64x128xf32>
    %reshape3A_1235 = vector.shape_cast %convert_element_type3A_1234 : vector<64x128xf32> to vector<64x1x128xf32>
    %swap3A_1236 = arith.constant 0 : index
    %swap3A_1237 = arith.constant 10 : index
    %swap3A_1238 = arith.constant 0 : index
    %swap3A_1239 = vector.load %arg11[%swap3A_1236, %swap3A_1237, %swap3A_1238] : memref<64x16x128xf32, #tpu.memory_space<vmem>>, vector<64x1x128xf32>
    tpu.vector_store %arg11[%swap3A_1236, %swap3A_1237, %swap3A_1238], %reshape3A_1235 {strides = array<i32>} : memref<64x16x128xf32, #tpu.memory_space<vmem>>, vector<64x1x128xf32>,
    %mul3A_1240 = arith.mulf %get3A_1196, %get3A_1199 : vector<64x128xf32>
    %max3A_1241 = arith.constant 9.99999993E-9 : f32
    %max3A_1242 = vector.broadcast %max3A_1241 : f32 to vector<64x128xf32>
    %max3A_1243 = arith.maximumf %mul3A_1240, %max3A_1242 : vector<64x128xf32>
    %mul3A_1244 = arith.mulf %mul3A_1179, %get3A_1196 : vector<64x128xf32>
    %div3A_1245 = arith.divf %mul3A_1244, %max3A_1243 : vector<64x128xf32>
    %dot_general3A_1246 = arith.constant dense<0.000000e+00> : vector<64x128xf32>
    %dot_general3A_1247 = tpu.matmul %div3A_1245, %get3A_7, %dot_general3A_1246 {dimension_numbers = #tpu.dot_dimension_numbers<[1], [0], [0], [1], [0, 0, 1, 1], [], []>, precision = #tpu.contract_precision<fp32>, transpose_lhs_hint = false} : vector<64x128xf32>, vector<128x128xf32>, vector<64x128xf32> -> vector<64x128xf32>
    %mul3A_1248 = arith.mulf %get3A_1196, %dot_general3A_1247 : vector<64x128xf32>
    %reshape3A_1249 = vector.shape_cast %mul3A_1248 : vector<64x128xf32> to vector<64x1x128xf32>
    %swap3A_1250 = arith.constant 0 : index
    %swap3A_1251 = arith.constant 10 : index
    %swap3A_1252 = arith.constant 0 : index
    %swap3A_1253 = vector.load %arg12[%swap3A_1250, %swap3A_1251, %swap3A_1252] : memref<64x16x128xf32, #tpu.memory_space<vmem>>, vector<64x1x128xf32>
    tpu.vector_store %arg12[%swap3A_1250, %swap3A_1251, %swap3A_1252], %reshape3A_1249 {strides = array<i32>} : memref<64x16x128xf32, #tpu.memory_space<vmem>>, vector<64x1x128xf32>,
    %reduce_sum3A_1254 = arith.constant dense<0.000000e+00> : vector<128xf32>
    %reduce_sum3A_1255 = vector.multi_reduction <add>, %mul3A_1248, %reduce_sum3A_1254 [0] : vector<64x128xf32> to vector<128xf32>
    %broadcast_in_dim3A_1256 = vector.shape_cast %reduce_sum3A_1255 : vector<128xf32> to vector<1x128xf32>
    %div3A_1257 = arith.constant 6.400000e+01 : f32
    %div3A_1258 = vector.broadcast %div3A_1257 : f32 to vector<1x128xf32>
    %div3A_1259 = arith.divf %broadcast_in_dim3A_1256, %div3A_1258 : vector<1x128xf32>
    %swap3A_1260 = arith.constant 10 : index
    %swap3A_1261 = arith.constant 0 : index
    %swap3A_1262 = vector.load %arg17[%swap3A_1260, %swap3A_1261] : memref<16x128xf32, #tpu.memory_space<vmem>>, vector<1x128xf32>
    tpu.vector_store %arg17[%swap3A_1260, %swap3A_1261], %div3A_1259 {strides = array<i32>} : memref<16x128xf32, #tpu.memory_space<vmem>>, vector<1x128xf32>,
    %get3A_1263 = arith.constant 640 : index
    %get3A_1264 = arith.constant 0 : index
    %get3A_1265 = vector.load %arg15[%get3A_1263, %get3A_1264] : memref<960x128xf32, #tpu.memory_space<vmem>>, vector<64x128xf32>
    %get3A_1266 = arith.constant 640 : index
    %get3A_1267 = arith.constant 0 : index
    %get3A_1268 = vector.load %arg16[%get3A_1266, %get3A_1267] : memref<960x128xf32, #tpu.memory_space<vmem>>, vector<64x128xf32>
    %dot_general3A_1269 = arith.constant dense<0.000000e+00> : vector<64x128xf32>
    %dot_general3A_1270 = tpu.matmul %convert_element_type3A_1234, %get3A_7, %dot_general3A_1269 {dimension_numbers = #tpu.dot_dimension_numbers<[1], [0], [0], [1], [0, 0, 1, 1], [], []>, precision = #tpu.contract_precision<fp32>, transpose_lhs_hint = false} : vector<64x128xf32>, vector<128x128xf32>, vector<64x128xf32> -> vector<64x128xf32>
    %mul3A_1271 = arith.mulf %convert_element_type3A_1234, %get3A_1265 : vector<64x128xf32>
    %reduce_sum3A_1272 = arith.constant dense<0.000000e+00> : vector<64xf32>
    %reduce_sum3A_1273 = vector.multi_reduction <add>, %mul3A_1271, %reduce_sum3A_1272 [1] : vector<64x128xf32> to vector<64xf32>
    %broadcast_in_dim3A_1274 = vector.shape_cast %reduce_sum3A_1273 : vector<64xf32> to vector<64x1xf32>
    %mul3A_1275 = vector.broadcast %broadcast_in_dim3A_1274 : vector<64x1xf32> to vector<64x128xf32>
    %mul3A_1276 = arith.mulf %mul3A_1275, %get3A_1265 : vector<64x128xf32>
    %mul3A_1277 = arith.mulf %dot_general3A_1270, %mul3A_1276 : vector<64x128xf32>
    %reduce_sum3A_1278 = arith.constant dense<0.000000e+00> : vector<64xf32>
    %reduce_sum3A_1279 = vector.multi_reduction <add>, %mul3A_1277, %reduce_sum3A_1278 [1] : vector<64x128xf32> to vector<64xf32>
    %broadcast_in_dim3A_1280 = vector.shape_cast %reduce_sum3A_1279 : vector<64xf32> to vector<64x1xf32>
    %max3A_1281 = arith.constant 9.99999993E-9 : f32
    %max3A_1282 = vector.broadcast %max3A_1281 : f32 to vector<64x1xf32>
    %max3A_1283 = arith.maximumf %broadcast_in_dim3A_1280, %max3A_1282 : vector<64x1xf32>
    %div3A_1284 = vector.broadcast %max3A_1283 : vector<64x1xf32> to vector<64x128xf32>
    %div3A_1285 = arith.divf %mul3A_1277, %div3A_1284 : vector<64x128xf32>
    %add3A_1286 = arith.constant 9.99999993E-9 : f32
    %add3A_1287 = vector.broadcast %add3A_1286 : f32 to vector<64x128xf32>
    %add3A_1288 = arith.addf %div3A_1285, %add3A_1287 : vector<64x128xf32>
    %log3A_1289 = math.log %add3A_1288 : vector<64x128xf32>
    %get3A_1290 = arith.constant 11 : index
    %get3A_1291 = arith.constant 0 : index
    %get3A_1292 = arith.constant 0 : index
    %get3A_1293 = vector.load %arg9[%get3A_1290, %get3A_1291, %get3A_1292] : memref<16x64x128xf32, #tpu.memory_space<vmem>>, vector<1x64x128xf32>
    %get3A_1294 = vector.shape_cast %get3A_1293 : vector<1x64x128xf32> to vector<64x128xf32>
    %add3A_1295 = arith.addf %log3A_1289, %get3A_1294 : vector<64x128xf32>
    %div3A_1296 = vector.broadcast %get3A_1 : f32 to vector<64x128xf32>
    %div3A_1297 = arith.divf %add3A_1295, %div3A_1296 : vector<64x128xf32>
    %argmax3A_1298 = tpu.reduce_index %div3A_1297 {axis = 1 : i32, kind = #tpu.reduction_kind<arg_max>} : vector<64x128xf32> -> vector<64xi32>
    %broadcast_in_dim3A_1299 = vector.shape_cast %argmax3A_1298 : vector<64xi32> to vector<64x1xi32>
    %eq3A_1300 = vector.broadcast %broadcast_in_dim3A_1299 : vector<64x1xi32> to vector<64x128xi32>
    %eq3A_1301 = arith.cmpi eq, %iota3A, %eq3A_1300 : vector<64x128xi32>
    %convert_element_type3A_1302 = arith.extui %eq3A_1301 : vector<64x128xi1> to vector<64x128xi32>
    %convert_element_type3A_1303 = arith.sitofp %convert_element_type3A_1302 : vector<64x128xi32> to vector<64x128xf32>
    %reshape3A_1304 = vector.shape_cast %convert_element_type3A_1303 : vector<64x128xf32> to vector<64x1x128xf32>
    %swap3A_1305 = arith.constant 0 : index
    %swap3A_1306 = arith.constant 11 : index
    %swap3A_1307 = arith.constant 0 : index
    %swap3A_1308 = vector.load %arg11[%swap3A_1305, %swap3A_1306, %swap3A_1307] : memref<64x16x128xf32, #tpu.memory_space<vmem>>, vector<64x1x128xf32>
    tpu.vector_store %arg11[%swap3A_1305, %swap3A_1306, %swap3A_1307], %reshape3A_1304 {strides = array<i32>} : memref<64x16x128xf32, #tpu.memory_space<vmem>>, vector<64x1x128xf32>,
    %mul3A_1309 = arith.mulf %get3A_1265, %get3A_1268 : vector<64x128xf32>
    %max3A_1310 = arith.constant 9.99999993E-9 : f32
    %max3A_1311 = vector.broadcast %max3A_1310 : f32 to vector<64x128xf32>
    %max3A_1312 = arith.maximumf %mul3A_1309, %max3A_1311 : vector<64x128xf32>
    %mul3A_1313 = arith.mulf %mul3A_1248, %get3A_1265 : vector<64x128xf32>
    %div3A_1314 = arith.divf %mul3A_1313, %max3A_1312 : vector<64x128xf32>
    %dot_general3A_1315 = arith.constant dense<0.000000e+00> : vector<64x128xf32>
    %dot_general3A_1316 = tpu.matmul %div3A_1314, %get3A_7, %dot_general3A_1315 {dimension_numbers = #tpu.dot_dimension_numbers<[1], [0], [0], [1], [0, 0, 1, 1], [], []>, precision = #tpu.contract_precision<fp32>, transpose_lhs_hint = false} : vector<64x128xf32>, vector<128x128xf32>, vector<64x128xf32> -> vector<64x128xf32>
    %mul3A_1317 = arith.mulf %get3A_1265, %dot_general3A_1316 : vector<64x128xf32>
    %reshape3A_1318 = vector.shape_cast %mul3A_1317 : vector<64x128xf32> to vector<64x1x128xf32>
    %swap3A_1319 = arith.constant 0 : index
    %swap3A_1320 = arith.constant 11 : index
    %swap3A_1321 = arith.constant 0 : index
    %swap3A_1322 = vector.load %arg12[%swap3A_1319, %swap3A_1320, %swap3A_1321] : memref<64x16x128xf32, #tpu.memory_space<vmem>>, vector<64x1x128xf32>
    tpu.vector_store %arg12[%swap3A_1319, %swap3A_1320, %swap3A_1321], %reshape3A_1318 {strides = array<i32>} : memref<64x16x128xf32, #tpu.memory_space<vmem>>, vector<64x1x128xf32>,
    %reduce_sum3A_1323 = arith.constant dense<0.000000e+00> : vector<128xf32>
    %reduce_sum3A_1324 = vector.multi_reduction <add>, %mul3A_1317, %reduce_sum3A_1323 [0] : vector<64x128xf32> to vector<128xf32>
    %broadcast_in_dim3A_1325 = vector.shape_cast %reduce_sum3A_1324 : vector<128xf32> to vector<1x128xf32>
    %div3A_1326 = arith.constant 6.400000e+01 : f32
    %div3A_1327 = vector.broadcast %div3A_1326 : f32 to vector<1x128xf32>
    %div3A_1328 = arith.divf %broadcast_in_dim3A_1325, %div3A_1327 : vector<1x128xf32>
    %swap3A_1329 = arith.constant 11 : index
    %swap3A_1330 = arith.constant 0 : index
    %swap3A_1331 = vector.load %arg17[%swap3A_1329, %swap3A_1330] : memref<16x128xf32, #tpu.memory_space<vmem>>, vector<1x128xf32>
    tpu.vector_store %arg17[%swap3A_1329, %swap3A_1330], %div3A_1328 {strides = array<i32>} : memref<16x128xf32, #tpu.memory_space<vmem>>, vector<1x128xf32>,
    %get3A_1332 = arith.constant 704 : index
    %get3A_1333 = arith.constant 0 : index
    %get3A_1334 = vector.load %arg15[%get3A_1332, %get3A_1333] : memref<960x128xf32, #tpu.memory_space<vmem>>, vector<64x128xf32>
    %get3A_1335 = arith.constant 704 : index
    %get3A_1336 = arith.constant 0 : index
    %get3A_1337 = vector.load %arg16[%get3A_1335, %get3A_1336] : memref<960x128xf32, #tpu.memory_space<vmem>>, vector<64x128xf32>
    %dot_general3A_1338 = arith.constant dense<0.000000e+00> : vector<64x128xf32>
    %dot_general3A_1339 = tpu.matmul %convert_element_type3A_1303, %get3A_7, %dot_general3A_1338 {dimension_numbers = #tpu.dot_dimension_numbers<[1], [0], [0], [1], [0, 0, 1, 1], [], []>, precision = #tpu.contract_precision<fp32>, transpose_lhs_hint = false} : vector<64x128xf32>, vector<128x128xf32>, vector<64x128xf32> -> vector<64x128xf32>
    %mul3A_1340 = arith.mulf %convert_element_type3A_1303, %get3A_1334 : vector<64x128xf32>
    %reduce_sum3A_1341 = arith.constant dense<0.000000e+00> : vector<64xf32>
    %reduce_sum3A_1342 = vector.multi_reduction <add>, %mul3A_1340, %reduce_sum3A_1341 [1] : vector<64x128xf32> to vector<64xf32>
    %broadcast_in_dim3A_1343 = vector.shape_cast %reduce_sum3A_1342 : vector<64xf32> to vector<64x1xf32>
    %mul3A_1344 = vector.broadcast %broadcast_in_dim3A_1343 : vector<64x1xf32> to vector<64x128xf32>
    %mul3A_1345 = arith.mulf %mul3A_1344, %get3A_1334 : vector<64x128xf32>
    %mul3A_1346 = arith.mulf %dot_general3A_1339, %mul3A_1345 : vector<64x128xf32>
    %reduce_sum3A_1347 = arith.constant dense<0.000000e+00> : vector<64xf32>
    %reduce_sum3A_1348 = vector.multi_reduction <add>, %mul3A_1346, %reduce_sum3A_1347 [1] : vector<64x128xf32> to vector<64xf32>
    %broadcast_in_dim3A_1349 = vector.shape_cast %reduce_sum3A_1348 : vector<64xf32> to vector<64x1xf32>
    %max3A_1350 = arith.constant 9.99999993E-9 : f32
    %max3A_1351 = vector.broadcast %max3A_1350 : f32 to vector<64x1xf32>
    %max3A_1352 = arith.maximumf %broadcast_in_dim3A_1349, %max3A_1351 : vector<64x1xf32>
    %div3A_1353 = vector.broadcast %max3A_1352 : vector<64x1xf32> to vector<64x128xf32>
    %div3A_1354 = arith.divf %mul3A_1346, %div3A_1353 : vector<64x128xf32>
    %add3A_1355 = arith.constant 9.99999993E-9 : f32
    %add3A_1356 = vector.broadcast %add3A_1355 : f32 to vector<64x128xf32>
    %add3A_1357 = arith.addf %div3A_1354, %add3A_1356 : vector<64x128xf32>
    %log3A_1358 = math.log %add3A_1357 : vector<64x128xf32>
    %get3A_1359 = arith.constant 12 : index
    %get3A_1360 = arith.constant 0 : index
    %get3A_1361 = arith.constant 0 : index
    %get3A_1362 = vector.load %arg9[%get3A_1359, %get3A_1360, %get3A_1361] : memref<16x64x128xf32, #tpu.memory_space<vmem>>, vector<1x64x128xf32>
    %get3A_1363 = vector.shape_cast %get3A_1362 : vector<1x64x128xf32> to vector<64x128xf32>
    %add3A_1364 = arith.addf %log3A_1358, %get3A_1363 : vector<64x128xf32>
    %div3A_1365 = vector.broadcast %get3A_1 : f32 to vector<64x128xf32>
    %div3A_1366 = arith.divf %add3A_1364, %div3A_1365 : vector<64x128xf32>
    %argmax3A_1367 = tpu.reduce_index %div3A_1366 {axis = 1 : i32, kind = #tpu.reduction_kind<arg_max>} : vector<64x128xf32> -> vector<64xi32>
    %broadcast_in_dim3A_1368 = vector.shape_cast %argmax3A_1367 : vector<64xi32> to vector<64x1xi32>
    %eq3A_1369 = vector.broadcast %broadcast_in_dim3A_1368 : vector<64x1xi32> to vector<64x128xi32>
    %eq3A_1370 = arith.cmpi eq, %iota3A, %eq3A_1369 : vector<64x128xi32>
    %convert_element_type3A_1371 = arith.extui %eq3A_1370 : vector<64x128xi1> to vector<64x128xi32>
    %convert_element_type3A_1372 = arith.sitofp %convert_element_type3A_1371 : vector<64x128xi32> to vector<64x128xf32>
    %reshape3A_1373 = vector.shape_cast %convert_element_type3A_1372 : vector<64x128xf32> to vector<64x1x128xf32>
    %swap3A_1374 = arith.constant 0 : index
    %swap3A_1375 = arith.constant 12 : index
    %swap3A_1376 = arith.constant 0 : index
    %swap3A_1377 = vector.load %arg11[%swap3A_1374, %swap3A_1375, %swap3A_1376] : memref<64x16x128xf32, #tpu.memory_space<vmem>>, vector<64x1x128xf32>
    tpu.vector_store %arg11[%swap3A_1374, %swap3A_1375, %swap3A_1376], %reshape3A_1373 {strides = array<i32>} : memref<64x16x128xf32, #tpu.memory_space<vmem>>, vector<64x1x128xf32>,
    %mul3A_1378 = arith.mulf %get3A_1334, %get3A_1337 : vector<64x128xf32>
    %max3A_1379 = arith.constant 9.99999993E-9 : f32
    %max3A_1380 = vector.broadcast %max3A_1379 : f32 to vector<64x128xf32>
    %max3A_1381 = arith.maximumf %mul3A_1378, %max3A_1380 : vector<64x128xf32>
    %mul3A_1382 = arith.mulf %mul3A_1317, %get3A_1334 : vector<64x128xf32>
    %div3A_1383 = arith.divf %mul3A_1382, %max3A_1381 : vector<64x128xf32>
    %dot_general3A_1384 = arith.constant dense<0.000000e+00> : vector<64x128xf32>
    %dot_general3A_1385 = tpu.matmul %div3A_1383, %get3A_7, %dot_general3A_1384 {dimension_numbers = #tpu.dot_dimension_numbers<[1], [0], [0], [1], [0, 0, 1, 1], [], []>, precision = #tpu.contract_precision<fp32>, transpose_lhs_hint = false} : vector<64x128xf32>, vector<128x128xf32>, vector<64x128xf32> -> vector<64x128xf32>
    %mul3A_1386 = arith.mulf %get3A_1334, %dot_general3A_1385 : vector<64x128xf32>
    %reshape3A_1387 = vector.shape_cast %mul3A_1386 : vector<64x128xf32> to vector<64x1x128xf32>
    %swap3A_1388 = arith.constant 0 : index
    %swap3A_1389 = arith.constant 12 : index
    %swap3A_1390 = arith.constant 0 : index
    %swap3A_1391 = vector.load %arg12[%swap3A_1388, %swap3A_1389, %swap3A_1390] : memref<64x16x128xf32, #tpu.memory_space<vmem>>, vector<64x1x128xf32>
    tpu.vector_store %arg12[%swap3A_1388, %swap3A_1389, %swap3A_1390], %reshape3A_1387 {strides = array<i32>} : memref<64x16x128xf32, #tpu.memory_space<vmem>>, vector<64x1x128xf32>,
    %reduce_sum3A_1392 = arith.constant dense<0.000000e+00> : vector<128xf32>
    %reduce_sum3A_1393 = vector.multi_reduction <add>, %mul3A_1386, %reduce_sum3A_1392 [0] : vector<64x128xf32> to vector<128xf32>
    %broadcast_in_dim3A_1394 = vector.shape_cast %reduce_sum3A_1393 : vector<128xf32> to vector<1x128xf32>
    %div3A_1395 = arith.constant 6.400000e+01 : f32
    %div3A_1396 = vector.broadcast %div3A_1395 : f32 to vector<1x128xf32>
    %div3A_1397 = arith.divf %broadcast_in_dim3A_1394, %div3A_1396 : vector<1x128xf32>
    %swap3A_1398 = arith.constant 12 : index
    %swap3A_1399 = arith.constant 0 : index
    %swap3A_1400 = vector.load %arg17[%swap3A_1398, %swap3A_1399] : memref<16x128xf32, #tpu.memory_space<vmem>>, vector<1x128xf32>
    tpu.vector_store %arg17[%swap3A_1398, %swap3A_1399], %div3A_1397 {strides = array<i32>} : memref<16x128xf32, #tpu.memory_space<vmem>>, vector<1x128xf32>,
    %get3A_1401 = arith.constant 768 : index
    %get3A_1402 = arith.constant 0 : index
    %get3A_1403 = vector.load %arg15[%get3A_1401, %get3A_1402] : memref<960x128xf32, #tpu.memory_space<vmem>>, vector<64x128xf32>
    %get3A_1404 = arith.constant 768 : index
    %get3A_1405 = arith.constant 0 : index
    %get3A_1406 = vector.load %arg16[%get3A_1404, %get3A_1405] : memref<960x128xf32, #tpu.memory_space<vmem>>, vector<64x128xf32>
    %dot_general3A_1407 = arith.constant dense<0.000000e+00> : vector<64x128xf32>
    %dot_general3A_1408 = tpu.matmul %convert_element_type3A_1372, %get3A_7, %dot_general3A_1407 {dimension_numbers = #tpu.dot_dimension_numbers<[1], [0], [0], [1], [0, 0, 1, 1], [], []>, precision = #tpu.contract_precision<fp32>, transpose_lhs_hint = false} : vector<64x128xf32>, vector<128x128xf32>, vector<64x128xf32> -> vector<64x128xf32>
    %mul3A_1409 = arith.mulf %convert_element_type3A_1372, %get3A_1403 : vector<64x128xf32>
    %reduce_sum3A_1410 = arith.constant dense<0.000000e+00> : vector<64xf32>
    %reduce_sum3A_1411 = vector.multi_reduction <add>, %mul3A_1409, %reduce_sum3A_1410 [1] : vector<64x128xf32> to vector<64xf32>
    %broadcast_in_dim3A_1412 = vector.shape_cast %reduce_sum3A_1411 : vector<64xf32> to vector<64x1xf32>
    %mul3A_1413 = vector.broadcast %broadcast_in_dim3A_1412 : vector<64x1xf32> to vector<64x128xf32>
    %mul3A_1414 = arith.mulf %mul3A_1413, %get3A_1403 : vector<64x128xf32>
    %mul3A_1415 = arith.mulf %dot_general3A_1408, %mul3A_1414 : vector<64x128xf32>
    %reduce_sum3A_1416 = arith.constant dense<0.000000e+00> : vector<64xf32>
    %reduce_sum3A_1417 = vector.multi_reduction <add>, %mul3A_1415, %reduce_sum3A_1416 [1] : vector<64x128xf32> to vector<64xf32>
    %broadcast_in_dim3A_1418 = vector.shape_cast %reduce_sum3A_1417 : vector<64xf32> to vector<64x1xf32>
    %max3A_1419 = arith.constant 9.99999993E-9 : f32
    %max3A_1420 = vector.broadcast %max3A_1419 : f32 to vector<64x1xf32>
    %max3A_1421 = arith.maximumf %broadcast_in_dim3A_1418, %max3A_1420 : vector<64x1xf32>
    %div3A_1422 = vector.broadcast %max3A_1421 : vector<64x1xf32> to vector<64x128xf32>
    %div3A_1423 = arith.divf %mul3A_1415, %div3A_1422 : vector<64x128xf32>
    %add3A_1424 = arith.constant 9.99999993E-9 : f32
    %add3A_1425 = vector.broadcast %add3A_1424 : f32 to vector<64x128xf32>
    %add3A_1426 = arith.addf %div3A_1423, %add3A_1425 : vector<64x128xf32>
    %log3A_1427 = math.log %add3A_1426 : vector<64x128xf32>
    %get3A_1428 = arith.constant 13 : index
    %get3A_1429 = arith.constant 0 : index
    %get3A_1430 = arith.constant 0 : index
    %get3A_1431 = vector.load %arg9[%get3A_1428, %get3A_1429, %get3A_1430] : memref<16x64x128xf32, #tpu.memory_space<vmem>>, vector<1x64x128xf32>
    %get3A_1432 = vector.shape_cast %get3A_1431 : vector<1x64x128xf32> to vector<64x128xf32>
    %add3A_1433 = arith.addf %log3A_1427, %get3A_1432 : vector<64x128xf32>
    %div3A_1434 = vector.broadcast %get3A_1 : f32 to vector<64x128xf32>
    %div3A_1435 = arith.divf %add3A_1433, %div3A_1434 : vector<64x128xf32>
    %argmax3A_1436 = tpu.reduce_index %div3A_1435 {axis = 1 : i32, kind = #tpu.reduction_kind<arg_max>} : vector<64x128xf32> -> vector<64xi32>
    %broadcast_in_dim3A_1437 = vector.shape_cast %argmax3A_1436 : vector<64xi32> to vector<64x1xi32>
    %eq3A_1438 = vector.broadcast %broadcast_in_dim3A_1437 : vector<64x1xi32> to vector<64x128xi32>
    %eq3A_1439 = arith.cmpi eq, %iota3A, %eq3A_1438 : vector<64x128xi32>
    %convert_element_type3A_1440 = arith.extui %eq3A_1439 : vector<64x128xi1> to vector<64x128xi32>
    %convert_element_type3A_1441 = arith.sitofp %convert_element_type3A_1440 : vector<64x128xi32> to vector<64x128xf32>
    %reshape3A_1442 = vector.shape_cast %convert_element_type3A_1441 : vector<64x128xf32> to vector<64x1x128xf32>
    %swap3A_1443 = arith.constant 0 : index
    %swap3A_1444 = arith.constant 13 : index
    %swap3A_1445 = arith.constant 0 : index
    %swap3A_1446 = vector.load %arg11[%swap3A_1443, %swap3A_1444, %swap3A_1445] : memref<64x16x128xf32, #tpu.memory_space<vmem>>, vector<64x1x128xf32>
    tpu.vector_store %arg11[%swap3A_1443, %swap3A_1444, %swap3A_1445], %reshape3A_1442 {strides = array<i32>} : memref<64x16x128xf32, #tpu.memory_space<vmem>>, vector<64x1x128xf32>,
    %mul3A_1447 = arith.mulf %get3A_1403, %get3A_1406 : vector<64x128xf32>
    %max3A_1448 = arith.constant 9.99999993E-9 : f32
    %max3A_1449 = vector.broadcast %max3A_1448 : f32 to vector<64x128xf32>
    %max3A_1450 = arith.maximumf %mul3A_1447, %max3A_1449 : vector<64x128xf32>
    %mul3A_1451 = arith.mulf %mul3A_1386, %get3A_1403 : vector<64x128xf32>
    %div3A_1452 = arith.divf %mul3A_1451, %max3A_1450 : vector<64x128xf32>
    %dot_general3A_1453 = arith.constant dense<0.000000e+00> : vector<64x128xf32>
    %dot_general3A_1454 = tpu.matmul %div3A_1452, %get3A_7, %dot_general3A_1453 {dimension_numbers = #tpu.dot_dimension_numbers<[1], [0], [0], [1], [0, 0, 1, 1], [], []>, precision = #tpu.contract_precision<fp32>, transpose_lhs_hint = false} : vector<64x128xf32>, vector<128x128xf32>, vector<64x128xf32> -> vector<64x128xf32>
    %mul3A_1455 = arith.mulf %get3A_1403, %dot_general3A_1454 : vector<64x128xf32>
    %reshape3A_1456 = vector.shape_cast %mul3A_1455 : vector<64x128xf32> to vector<64x1x128xf32>
    %swap3A_1457 = arith.constant 0 : index
    %swap3A_1458 = arith.constant 13 : index
    %swap3A_1459 = arith.constant 0 : index
    %swap3A_1460 = vector.load %arg12[%swap3A_1457, %swap3A_1458, %swap3A_1459] : memref<64x16x128xf32, #tpu.memory_space<vmem>>, vector<64x1x128xf32>
    tpu.vector_store %arg12[%swap3A_1457, %swap3A_1458, %swap3A_1459], %reshape3A_1456 {strides = array<i32>} : memref<64x16x128xf32, #tpu.memory_space<vmem>>, vector<64x1x128xf32>,
    %reduce_sum3A_1461 = arith.constant dense<0.000000e+00> : vector<128xf32>
    %reduce_sum3A_1462 = vector.multi_reduction <add>, %mul3A_1455, %reduce_sum3A_1461 [0] : vector<64x128xf32> to vector<128xf32>
    %broadcast_in_dim3A_1463 = vector.shape_cast %reduce_sum3A_1462 : vector<128xf32> to vector<1x128xf32>
    %div3A_1464 = arith.constant 6.400000e+01 : f32
    %div3A_1465 = vector.broadcast %div3A_1464 : f32 to vector<1x128xf32>
    %div3A_1466 = arith.divf %broadcast_in_dim3A_1463, %div3A_1465 : vector<1x128xf32>
    %swap3A_1467 = arith.constant 13 : index
    %swap3A_1468 = arith.constant 0 : index
    %swap3A_1469 = vector.load %arg17[%swap3A_1467, %swap3A_1468] : memref<16x128xf32, #tpu.memory_space<vmem>>, vector<1x128xf32>
    tpu.vector_store %arg17[%swap3A_1467, %swap3A_1468], %div3A_1466 {strides = array<i32>} : memref<16x128xf32, #tpu.memory_space<vmem>>, vector<1x128xf32>,
    %get3A_1470 = arith.constant 832 : index
    %get3A_1471 = arith.constant 0 : index
    %get3A_1472 = vector.load %arg15[%get3A_1470, %get3A_1471] : memref<960x128xf32, #tpu.memory_space<vmem>>, vector<64x128xf32>
    %get3A_1473 = arith.constant 832 : index
    %get3A_1474 = arith.constant 0 : index
    %get3A_1475 = vector.load %arg16[%get3A_1473, %get3A_1474] : memref<960x128xf32, #tpu.memory_space<vmem>>, vector<64x128xf32>
    %dot_general3A_1476 = arith.constant dense<0.000000e+00> : vector<64x128xf32>
    %dot_general3A_1477 = tpu.matmul %convert_element_type3A_1441, %get3A_7, %dot_general3A_1476 {dimension_numbers = #tpu.dot_dimension_numbers<[1], [0], [0], [1], [0, 0, 1, 1], [], []>, precision = #tpu.contract_precision<fp32>, transpose_lhs_hint = false} : vector<64x128xf32>, vector<128x128xf32>, vector<64x128xf32> -> vector<64x128xf32>
    %mul3A_1478 = arith.mulf %convert_element_type3A_1441, %get3A_1472 : vector<64x128xf32>
    %reduce_sum3A_1479 = arith.constant dense<0.000000e+00> : vector<64xf32>
    %reduce_sum3A_1480 = vector.multi_reduction <add>, %mul3A_1478, %reduce_sum3A_1479 [1] : vector<64x128xf32> to vector<64xf32>
    %broadcast_in_dim3A_1481 = vector.shape_cast %reduce_sum3A_1480 : vector<64xf32> to vector<64x1xf32>
    %mul3A_1482 = vector.broadcast %broadcast_in_dim3A_1481 : vector<64x1xf32> to vector<64x128xf32>
    %mul3A_1483 = arith.mulf %mul3A_1482, %get3A_1472 : vector<64x128xf32>
    %mul3A_1484 = arith.mulf %dot_general3A_1477, %mul3A_1483 : vector<64x128xf32>
    %reduce_sum3A_1485 = arith.constant dense<0.000000e+00> : vector<64xf32>
    %reduce_sum3A_1486 = vector.multi_reduction <add>, %mul3A_1484, %reduce_sum3A_1485 [1] : vector<64x128xf32> to vector<64xf32>
    %broadcast_in_dim3A_1487 = vector.shape_cast %reduce_sum3A_1486 : vector<64xf32> to vector<64x1xf32>
    %max3A_1488 = arith.constant 9.99999993E-9 : f32
    %max3A_1489 = vector.broadcast %max3A_1488 : f32 to vector<64x1xf32>
    %max3A_1490 = arith.maximumf %broadcast_in_dim3A_1487, %max3A_1489 : vector<64x1xf32>
    %div3A_1491 = vector.broadcast %max3A_1490 : vector<64x1xf32> to vector<64x128xf32>
    %div3A_1492 = arith.divf %mul3A_1484, %div3A_1491 : vector<64x128xf32>
    %add3A_1493 = arith.constant 9.99999993E-9 : f32
    %add3A_1494 = vector.broadcast %add3A_1493 : f32 to vector<64x128xf32>
    %add3A_1495 = arith.addf %div3A_1492, %add3A_1494 : vector<64x128xf32>
    %log3A_1496 = math.log %add3A_1495 : vector<64x128xf32>
    %get3A_1497 = arith.constant 14 : index
    %get3A_1498 = arith.constant 0 : index
    %get3A_1499 = arith.constant 0 : index
    %get3A_1500 = vector.load %arg9[%get3A_1497, %get3A_1498, %get3A_1499] : memref<16x64x128xf32, #tpu.memory_space<vmem>>, vector<1x64x128xf32>
    %get3A_1501 = vector.shape_cast %get3A_1500 : vector<1x64x128xf32> to vector<64x128xf32>
    %add3A_1502 = arith.addf %log3A_1496, %get3A_1501 : vector<64x128xf32>
    %div3A_1503 = vector.broadcast %get3A_1 : f32 to vector<64x128xf32>
    %div3A_1504 = arith.divf %add3A_1502, %div3A_1503 : vector<64x128xf32>
    %argmax3A_1505 = tpu.reduce_index %div3A_1504 {axis = 1 : i32, kind = #tpu.reduction_kind<arg_max>} : vector<64x128xf32> -> vector<64xi32>
    %broadcast_in_dim3A_1506 = vector.shape_cast %argmax3A_1505 : vector<64xi32> to vector<64x1xi32>
    %eq3A_1507 = vector.broadcast %broadcast_in_dim3A_1506 : vector<64x1xi32> to vector<64x128xi32>
    %eq3A_1508 = arith.cmpi eq, %iota3A, %eq3A_1507 : vector<64x128xi32>
    %convert_element_type3A_1509 = arith.extui %eq3A_1508 : vector<64x128xi1> to vector<64x128xi32>
    %convert_element_type3A_1510 = arith.sitofp %convert_element_type3A_1509 : vector<64x128xi32> to vector<64x128xf32>
    %reshape3A_1511 = vector.shape_cast %convert_element_type3A_1510 : vector<64x128xf32> to vector<64x1x128xf32>
    %swap3A_1512 = arith.constant 0 : index
    %swap3A_1513 = arith.constant 14 : index
    %swap3A_1514 = arith.constant 0 : index
    %swap3A_1515 = vector.load %arg11[%swap3A_1512, %swap3A_1513, %swap3A_1514] : memref<64x16x128xf32, #tpu.memory_space<vmem>>, vector<64x1x128xf32>
    tpu.vector_store %arg11[%swap3A_1512, %swap3A_1513, %swap3A_1514], %reshape3A_1511 {strides = array<i32>} : memref<64x16x128xf32, #tpu.memory_space<vmem>>, vector<64x1x128xf32>,
    %mul3A_1516 = arith.mulf %get3A_1472, %get3A_1475 : vector<64x128xf32>
    %max3A_1517 = arith.constant 9.99999993E-9 : f32
    %max3A_1518 = vector.broadcast %max3A_1517 : f32 to vector<64x128xf32>
    %max3A_1519 = arith.maximumf %mul3A_1516, %max3A_1518 : vector<64x128xf32>
    %mul3A_1520 = arith.mulf %mul3A_1455, %get3A_1472 : vector<64x128xf32>
    %div3A_1521 = arith.divf %mul3A_1520, %max3A_1519 : vector<64x128xf32>
    %dot_general3A_1522 = arith.constant dense<0.000000e+00> : vector<64x128xf32>
    %dot_general3A_1523 = tpu.matmul %div3A_1521, %get3A_7, %dot_general3A_1522 {dimension_numbers = #tpu.dot_dimension_numbers<[1], [0], [0], [1], [0, 0, 1, 1], [], []>, precision = #tpu.contract_precision<fp32>, transpose_lhs_hint = false} : vector<64x128xf32>, vector<128x128xf32>, vector<64x128xf32> -> vector<64x128xf32>
    %mul3A_1524 = arith.mulf %get3A_1472, %dot_general3A_1523 : vector<64x128xf32>
    %reshape3A_1525 = vector.shape_cast %mul3A_1524 : vector<64x128xf32> to vector<64x1x128xf32>
    %swap3A_1526 = arith.constant 0 : index
    %swap3A_1527 = arith.constant 14 : index
    %swap3A_1528 = arith.constant 0 : index
    %swap3A_1529 = vector.load %arg12[%swap3A_1526, %swap3A_1527, %swap3A_1528] : memref<64x16x128xf32, #tpu.memory_space<vmem>>, vector<64x1x128xf32>
    tpu.vector_store %arg12[%swap3A_1526, %swap3A_1527, %swap3A_1528], %reshape3A_1525 {strides = array<i32>} : memref<64x16x128xf32, #tpu.memory_space<vmem>>, vector<64x1x128xf32>,
    %reduce_sum3A_1530 = arith.constant dense<0.000000e+00> : vector<128xf32>
    %reduce_sum3A_1531 = vector.multi_reduction <add>, %mul3A_1524, %reduce_sum3A_1530 [0] : vector<64x128xf32> to vector<128xf32>
    %broadcast_in_dim3A_1532 = vector.shape_cast %reduce_sum3A_1531 : vector<128xf32> to vector<1x128xf32>
    %div3A_1533 = arith.constant 6.400000e+01 : f32
    %div3A_1534 = vector.broadcast %div3A_1533 : f32 to vector<1x128xf32>
    %div3A_1535 = arith.divf %broadcast_in_dim3A_1532, %div3A_1534 : vector<1x128xf32>
    %swap3A_1536 = arith.constant 14 : index
    %swap3A_1537 = arith.constant 0 : index
    %swap3A_1538 = vector.load %arg17[%swap3A_1536, %swap3A_1537] : memref<16x128xf32, #tpu.memory_space<vmem>>, vector<1x128xf32>
    tpu.vector_store %arg17[%swap3A_1536, %swap3A_1537], %div3A_1535 {strides = array<i32>} : memref<16x128xf32, #tpu.memory_space<vmem>>, vector<1x128xf32>,
    %get3A_1539 = arith.constant 896 : index
    %get3A_1540 = arith.constant 0 : index
    %get3A_1541 = vector.load %arg15[%get3A_1539, %get3A_1540] : memref<960x128xf32, #tpu.memory_space<vmem>>, vector<64x128xf32>
    %get3A_1542 = arith.constant 896 : index
    %get3A_1543 = arith.constant 0 : index
    %get3A_1544 = vector.load %arg16[%get3A_1542, %get3A_1543] : memref<960x128xf32, #tpu.memory_space<vmem>>, vector<64x128xf32>
    %dot_general3A_1545 = arith.constant dense<0.000000e+00> : vector<64x128xf32>
    %dot_general3A_1546 = tpu.matmul %convert_element_type3A_1510, %get3A_7, %dot_general3A_1545 {dimension_numbers = #tpu.dot_dimension_numbers<[1], [0], [0], [1], [0, 0, 1, 1], [], []>, precision = #tpu.contract_precision<fp32>, transpose_lhs_hint = false} : vector<64x128xf32>, vector<128x128xf32>, vector<64x128xf32> -> vector<64x128xf32>
    %mul3A_1547 = arith.mulf %convert_element_type3A_1510, %get3A_1541 : vector<64x128xf32>
    %reduce_sum3A_1548 = arith.constant dense<0.000000e+00> : vector<64xf32>
    %reduce_sum3A_1549 = vector.multi_reduction <add>, %mul3A_1547, %reduce_sum3A_1548 [1] : vector<64x128xf32> to vector<64xf32>
    %broadcast_in_dim3A_1550 = vector.shape_cast %reduce_sum3A_1549 : vector<64xf32> to vector<64x1xf32>
    %mul3A_1551 = vector.broadcast %broadcast_in_dim3A_1550 : vector<64x1xf32> to vector<64x128xf32>
    %mul3A_1552 = arith.mulf %mul3A_1551, %get3A_1541 : vector<64x128xf32>
    %mul3A_1553 = arith.mulf %dot_general3A_1546, %mul3A_1552 : vector<64x128xf32>
    %reduce_sum3A_1554 = arith.constant dense<0.000000e+00> : vector<64xf32>
    %reduce_sum3A_1555 = vector.multi_reduction <add>, %mul3A_1553, %reduce_sum3A_1554 [1] : vector<64x128xf32> to vector<64xf32>
    %broadcast_in_dim3A_1556 = vector.shape_cast %reduce_sum3A_1555 : vector<64xf32> to vector<64x1xf32>
    %max3A_1557 = arith.constant 9.99999993E-9 : f32
    %max3A_1558 = vector.broadcast %max3A_1557 : f32 to vector<64x1xf32>
    %max3A_1559 = arith.maximumf %broadcast_in_dim3A_1556, %max3A_1558 : vector<64x1xf32>
    %div3A_1560 = vector.broadcast %max3A_1559 : vector<64x1xf32> to vector<64x128xf32>
    %div3A_1561 = arith.divf %mul3A_1553, %div3A_1560 : vector<64x128xf32>
    %add3A_1562 = arith.constant 9.99999993E-9 : f32
    %add3A_1563 = vector.broadcast %add3A_1562 : f32 to vector<64x128xf32>
    %add3A_1564 = arith.addf %div3A_1561, %add3A_1563 : vector<64x128xf32>
    %log3A_1565 = math.log %add3A_1564 : vector<64x128xf32>
    %get3A_1566 = arith.constant 15 : index
    %get3A_1567 = arith.constant 0 : index
    %get3A_1568 = arith.constant 0 : index
    %get3A_1569 = vector.load %arg9[%get3A_1566, %get3A_1567, %get3A_1568] : memref<16x64x128xf32, #tpu.memory_space<vmem>>, vector<1x64x128xf32>
    %get3A_1570 = vector.shape_cast %get3A_1569 : vector<1x64x128xf32> to vector<64x128xf32>
    %add3A_1571 = arith.addf %log3A_1565, %get3A_1570 : vector<64x128xf32>
    %div3A_1572 = vector.broadcast %get3A_1 : f32 to vector<64x128xf32>
    %div3A_1573 = arith.divf %add3A_1571, %div3A_1572 : vector<64x128xf32>
    %argmax3A_1574 = tpu.reduce_index %div3A_1573 {axis = 1 : i32, kind = #tpu.reduction_kind<arg_max>} : vector<64x128xf32> -> vector<64xi32>
    %broadcast_in_dim3A_1575 = vector.shape_cast %argmax3A_1574 : vector<64xi32> to vector<64x1xi32>
    %eq3A_1576 = vector.broadcast %broadcast_in_dim3A_1575 : vector<64x1xi32> to vector<64x128xi32>
    %eq3A_1577 = arith.cmpi eq, %iota3A, %eq3A_1576 : vector<64x128xi32>
    %convert_element_type3A_1578 = arith.extui %eq3A_1577 : vector<64x128xi1> to vector<64x128xi32>
    %convert_element_type3A_1579 = arith.sitofp %convert_element_type3A_1578 : vector<64x128xi32> to vector<64x128xf32>
    %reshape3A_1580 = vector.shape_cast %convert_element_type3A_1579 : vector<64x128xf32> to vector<64x1x128xf32>
    %swap3A_1581 = arith.constant 0 : index
    %swap3A_1582 = arith.constant 15 : index
    %swap3A_1583 = arith.constant 0 : index
    %swap3A_1584 = vector.load %arg11[%swap3A_1581, %swap3A_1582, %swap3A_1583] : memref<64x16x128xf32, #tpu.memory_space<vmem>>, vector<64x1x128xf32>
    tpu.vector_store %arg11[%swap3A_1581, %swap3A_1582, %swap3A_1583], %reshape3A_1580 {strides = array<i32>} : memref<64x16x128xf32, #tpu.memory_space<vmem>>, vector<64x1x128xf32>,
    %mul3A_1585 = arith.mulf %get3A_1541, %get3A_1544 : vector<64x128xf32>
    %max3A_1586 = arith.constant 9.99999993E-9 : f32
    %max3A_1587 = vector.broadcast %max3A_1586 : f32 to vector<64x128xf32>
    %max3A_1588 = arith.maximumf %mul3A_1585, %max3A_1587 : vector<64x128xf32>
    %mul3A_1589 = arith.mulf %mul3A_1524, %get3A_1541 : vector<64x128xf32>
    %div3A_1590 = arith.divf %mul3A_1589, %max3A_1588 : vector<64x128xf32>
    %dot_general3A_1591 = arith.constant dense<0.000000e+00> : vector<64x128xf32>
    %dot_general3A_1592 = tpu.matmul %div3A_1590, %get3A_7, %dot_general3A_1591 {dimension_numbers = #tpu.dot_dimension_numbers<[1], [0], [0], [1], [0, 0, 1, 1], [], []>, precision = #tpu.contract_precision<fp32>, transpose_lhs_hint = false} : vector<64x128xf32>, vector<128x128xf32>, vector<64x128xf32> -> vector<64x128xf32>
    %mul3A_1593 = arith.mulf %get3A_1541, %dot_general3A_1592 : vector<64x128xf32>
    %reshape3A_1594 = vector.shape_cast %mul3A_1593 : vector<64x128xf32> to vector<64x1x128xf32>
    %swap3A_1595 = arith.constant 0 : index
    %swap3A_1596 = arith.constant 15 : index
    %swap3A_1597 = arith.constant 0 : index
    %swap3A_1598 = vector.load %arg12[%swap3A_1595, %swap3A_1596, %swap3A_1597] : memref<64x16x128xf32, #tpu.memory_space<vmem>>, vector<64x1x128xf32>
    tpu.vector_store %arg12[%swap3A_1595, %swap3A_1596, %swap3A_1597], %reshape3A_1594 {strides = array<i32>} : memref<64x16x128xf32, #tpu.memory_space<vmem>>, vector<64x1x128xf32>,
    %reduce_sum3A_1599 = arith.constant dense<0.000000e+00> : vector<128xf32>
    %reduce_sum3A_1600 = vector.multi_reduction <add>, %mul3A_1593, %reduce_sum3A_1599 [0] : vector<64x128xf32> to vector<128xf32>
    %broadcast_in_dim3A_1601 = vector.shape_cast %reduce_sum3A_1600 : vector<128xf32> to vector<1x128xf32>
    %div3A_1602 = arith.constant 6.400000e+01 : f32
    %div3A_1603 = vector.broadcast %div3A_1602 : f32 to vector<1x128xf32>
    %div3A_1604 = arith.divf %broadcast_in_dim3A_1601, %div3A_1603 : vector<1x128xf32>
    %swap3A_1605 = arith.constant 15 : index
    %swap3A_1606 = arith.constant 0 : index
    %swap3A_1607 = vector.load %arg17[%swap3A_1605, %swap3A_1606] : memref<16x128xf32, #tpu.memory_space<vmem>>, vector<1x128xf32>
    tpu.vector_store %arg17[%swap3A_1605, %swap3A_1606], %div3A_1604 {strides = array<i32>} : memref<16x128xf32, #tpu.memory_space<vmem>>, vector<1x128xf32>,
    %get3A_1608 = arith.constant 0 : index
    %get3A_1609 = arith.constant 0 : index
    %get3A_1610 = vector.load %arg3[%get3A_1608, %get3A_1609] : memref<128x128xf32, #tpu.memory_space<vmem>>, vector<128x128xf32>
    %gt3A = arith.constant 0.000000e+00 : f32
    %gt3A_1611 = vector.broadcast %gt3A : f32 to vector<128x128xf32>
    %gt3A_1612 = arith.cmpf ogt, %get3A_1610, %gt3A_1611 : vector<128x128xf32>
    %convert_element_type3A_1613 = arith.extui %gt3A_1612 : vector<128x128xi1> to vector<128x128xi32>
    %convert_element_type3A_1614 = arith.sitofp %convert_element_type3A_1613 : vector<128x128xi32> to vector<128x128xf32>
    %sub3A_1615 = arith.constant 1.000000e+00 : f32
    %sub3A_1616 = vector.broadcast %sub3A_1615 : f32 to vector<128x128xf32>
    %sub3A_1617 = arith.subf %sub3A_1616, %convert_element_type3A_1614 : vector<128x128xf32>
    %add3A_1618 = arith.addf %get3A_1610, %sub3A_1617 : vector<128x128xf32>
    %max3A_1619 = arith.constant 9.99999993E-9 : f32
    %max3A_1620 = vector.broadcast %max3A_1619 : f32 to vector<128x128xf32>
    %max3A_1621 = arith.maximumf %add3A_1618, %max3A_1620 : vector<128x128xf32>
    %log3A_1622 = math.log %max3A_1621 : vector<128x128xf32>
    %gt3A_1623 = arith.constant 0.000000e+00 : f32
    %gt3A_1624 = vector.broadcast %gt3A_1623 : f32 to vector<128x128xf32>
    %gt3A_1625 = arith.cmpf ogt, %get3A_10, %gt3A_1624 : vector<128x128xf32>
    %log3A_1626 = math.log %get3A_10 : vector<128x128xf32>
    %sub3A_1627 = arith.subf %log3A_1626, %log3A_1622 : vector<128x128xf32>
    %mul3A_1628 = arith.mulf %get3A_10, %sub3A_1627 : vector<128x128xf32>
    %jit3A = arith.constant 0.000000e+00 : f32
    %broadcast_in_dim3A_1629 = vector.broadcast %jit3A : f32 to vector<128x128xf32>
    %select_n3A_1630 = arith.select %gt3A_1625, %mul3A_1628, %broadcast_in_dim3A_1629 : vector<128x128xi1>, vector<128x128xf32>
    %get3A_1631 = arith.constant 0 : index
    %get3A_1632 = arith.constant 0 : index
    %get3A_1633 = vector.load %arg15[%get3A_1631, %get3A_1632] : memref<960x128xf32, #tpu.memory_space<vmem>>, vector<64x128xf32>
    %get3A_1634 = arith.constant 0 : index
    %get3A_1635 = arith.constant 0 : index
    %get3A_1636 = vector.load %arg16[%get3A_1634, %get3A_1635] : memref<960x128xf32, #tpu.memory_space<vmem>>, vector<64x128xf32>
    %mul3A_1637 = arith.mulf %get3A_1633, %get3A_1636 : vector<64x128xf32>
    %max3A_1638 = arith.constant 9.99999993E-9 : f32
    %max3A_1639 = vector.broadcast %max3A_1638 : f32 to vector<64x128xf32>
    %max3A_1640 = arith.maximumf %mul3A_1637, %max3A_1639 : vector<64x128xf32>
    %get3A_1641 = arith.constant 0 : index
    %get3A_1642 = arith.constant 0 : index
    %get3A_1643 = vector.load %arg17[%get3A_1641, %get3A_1642] : memref<16x128xf32, #tpu.memory_space<vmem>>, vector<1x128xf32>
    %mul3A_1644 = vector.broadcast %get3A_1643 : vector<1x128xf32> to vector<64x128xf32>
    %mul3A_1645 = arith.mulf %mul3A_1644, %get3A_1633 : vector<64x128xf32>
    %div3A_1646 = arith.divf %mul3A_1645, %max3A_1640 : vector<64x128xf32>
    %log3A_1647 = math.log %get3A_1633 : vector<64x128xf32>
    %dot_general3A_1648 = arith.constant dense<0.000000e+00> : vector<64x128xf32>
    %dot_general3A_1649 = tpu.matmul %get3A_1633, %select_n3A_1630, %dot_general3A_1648 {dimension_numbers = #tpu.dot_dimension_numbers<[1], [0], [0], [1], [0, 0, 1, 1], [], []>, precision = #tpu.contract_precision<fp32>, transpose_lhs_hint = false} : vector<64x128xf32>, vector<128x128xf32>, vector<64x128xf32> -> vector<64x128xf32>
    %mul3A_1650 = arith.mulf %get3A_1633, %log3A_1647 : vector<64x128xf32>
    %dot_general3A_1651 = arith.constant dense<0.000000e+00> : vector<64x128xf32>
    %dot_general3A_1652 = tpu.matmul %mul3A_1650, %get3A_10, %dot_general3A_1651 {dimension_numbers = #tpu.dot_dimension_numbers<[1], [0], [0], [1], [0, 0, 1, 1], [], []>, precision = #tpu.contract_precision<fp32>, transpose_lhs_hint = false} : vector<64x128xf32>, vector<128x128xf32>, vector<64x128xf32> -> vector<64x128xf32>
    %log3A_1653 = math.log %max3A_1640 : vector<64x128xf32>
    %sub3A_1654 = arith.subf %log3A_1647, %log3A_1653 : vector<64x128xf32>
    %mul3A_1655 = arith.mulf %sub3A_1654, %get3A_1636 : vector<64x128xf32>
    %add3A_1656 = arith.addf %dot_general3A_1649, %mul3A_1655 : vector<64x128xf32>
    %add3A_1657 = arith.addf %add3A_1656, %dot_general3A_1652 : vector<64x128xf32>
    %mul3A_1658 = arith.mulf %div3A_1646, %add3A_1657 : vector<64x128xf32>
    %reduce_sum3A_1659 = vector.shape_cast %mul3A_1658 : vector<64x128xf32> to vector<1x64x128xf32>
    %reduce_sum3A_1660 = arith.constant dense<0.000000e+00> : vector<1xf32>
    %reduce_sum3A_1661 = vector.multi_reduction <add>, %reduce_sum3A_1659, %reduce_sum3A_1660 [1, 2] : vector<1x64x128xf32> to vector<1xf32>
    %reduce_sum3A_1662 = vector.shape_cast %reduce_sum3A_1661 : vector<1xf32> to vector<1x1x1xf32>
    %reduce_sum3A_1663 = vector.extract %reduce_sum3A_1662[0, 0, 0] : f32 from vector<1x1x1xf32>
    %add3A_1664 = arith.constant 0.000000e+00 : f32
    %add3A_1665 = arith.addf %add3A_1664, %reduce_sum3A_1663 : f32
    %get3A_1666 = arith.constant 64 : index
    %get3A_1667 = arith.constant 0 : index
    %get3A_1668 = vector.load %arg15[%get3A_1666, %get3A_1667] : memref<960x128xf32, #tpu.memory_space<vmem>>, vector<64x128xf32>
    %get3A_1669 = arith.constant 64 : index
    %get3A_1670 = arith.constant 0 : index
    %get3A_1671 = vector.load %arg16[%get3A_1669, %get3A_1670] : memref<960x128xf32, #tpu.memory_space<vmem>>, vector<64x128xf32>
    %mul3A_1672 = arith.mulf %get3A_1668, %get3A_1671 : vector<64x128xf32>
    %max3A_1673 = arith.constant 9.99999993E-9 : f32
    %max3A_1674 = vector.broadcast %max3A_1673 : f32 to vector<64x128xf32>
    %max3A_1675 = arith.maximumf %mul3A_1672, %max3A_1674 : vector<64x128xf32>
    %get3A_1676 = arith.constant 1 : index
    %get3A_1677 = arith.constant 0 : index
    %get3A_1678 = vector.load %arg17[%get3A_1676, %get3A_1677] : memref<16x128xf32, #tpu.memory_space<vmem>>, vector<1x128xf32>
    %mul3A_1679 = vector.broadcast %get3A_1678 : vector<1x128xf32> to vector<64x128xf32>
    %mul3A_1680 = arith.mulf %mul3A_1679, %get3A_1668 : vector<64x128xf32>
    %div3A_1681 = arith.divf %mul3A_1680, %max3A_1675 : vector<64x128xf32>
    %log3A_1682 = math.log %get3A_1668 : vector<64x128xf32>
    %dot_general3A_1683 = arith.constant dense<0.000000e+00> : vector<64x128xf32>
    %dot_general3A_1684 = tpu.matmul %get3A_1668, %select_n3A_1630, %dot_general3A_1683 {dimension_numbers = #tpu.dot_dimension_numbers<[1], [0], [0], [1], [0, 0, 1, 1], [], []>, precision = #tpu.contract_precision<fp32>, transpose_lhs_hint = false} : vector<64x128xf32>, vector<128x128xf32>, vector<64x128xf32> -> vector<64x128xf32>
    %mul3A_1685 = arith.mulf %get3A_1668, %log3A_1682 : vector<64x128xf32>
    %dot_general3A_1686 = arith.constant dense<0.000000e+00> : vector<64x128xf32>
    %dot_general3A_1687 = tpu.matmul %mul3A_1685, %get3A_10, %dot_general3A_1686 {dimension_numbers = #tpu.dot_dimension_numbers<[1], [0], [0], [1], [0, 0, 1, 1], [], []>, precision = #tpu.contract_precision<fp32>, transpose_lhs_hint = false} : vector<64x128xf32>, vector<128x128xf32>, vector<64x128xf32> -> vector<64x128xf32>
    %log3A_1688 = math.log %max3A_1675 : vector<64x128xf32>
    %sub3A_1689 = arith.subf %log3A_1682, %log3A_1688 : vector<64x128xf32>
    %mul3A_1690 = arith.mulf %sub3A_1689, %get3A_1671 : vector<64x128xf32>
    %add3A_1691 = arith.addf %dot_general3A_1684, %mul3A_1690 : vector<64x128xf32>
    %add3A_1692 = arith.addf %add3A_1691, %dot_general3A_1687 : vector<64x128xf32>
    %mul3A_1693 = arith.mulf %div3A_1681, %add3A_1692 : vector<64x128xf32>
    %reduce_sum3A_1694 = vector.shape_cast %mul3A_1693 : vector<64x128xf32> to vector<1x64x128xf32>
    %reduce_sum3A_1695 = arith.constant dense<0.000000e+00> : vector<1xf32>
    %reduce_sum3A_1696 = vector.multi_reduction <add>, %reduce_sum3A_1694, %reduce_sum3A_1695 [1, 2] : vector<1x64x128xf32> to vector<1xf32>
    %reduce_sum3A_1697 = vector.shape_cast %reduce_sum3A_1696 : vector<1xf32> to vector<1x1x1xf32>
    %reduce_sum3A_1698 = vector.extract %reduce_sum3A_1697[0, 0, 0] : f32 from vector<1x1x1xf32>
    %add3A_1699 = arith.addf %add3A_1665, %reduce_sum3A_1698 : f32
    %get3A_1700 = arith.constant 128 : index
    %get3A_1701 = arith.constant 0 : index
    %get3A_1702 = vector.load %arg15[%get3A_1700, %get3A_1701] : memref<960x128xf32, #tpu.memory_space<vmem>>, vector<64x128xf32>
    %get3A_1703 = arith.constant 128 : index
    %get3A_1704 = arith.constant 0 : index
    %get3A_1705 = vector.load %arg16[%get3A_1703, %get3A_1704] : memref<960x128xf32, #tpu.memory_space<vmem>>, vector<64x128xf32>
    %mul3A_1706 = arith.mulf %get3A_1702, %get3A_1705 : vector<64x128xf32>
    %max3A_1707 = arith.constant 9.99999993E-9 : f32
    %max3A_1708 = vector.broadcast %max3A_1707 : f32 to vector<64x128xf32>
    %max3A_1709 = arith.maximumf %mul3A_1706, %max3A_1708 : vector<64x128xf32>
    %get3A_1710 = arith.constant 2 : index
    %get3A_1711 = arith.constant 0 : index
    %get3A_1712 = vector.load %arg17[%get3A_1710, %get3A_1711] : memref<16x128xf32, #tpu.memory_space<vmem>>, vector<1x128xf32>
    %mul3A_1713 = vector.broadcast %get3A_1712 : vector<1x128xf32> to vector<64x128xf32>
    %mul3A_1714 = arith.mulf %mul3A_1713, %get3A_1702 : vector<64x128xf32>
    %div3A_1715 = arith.divf %mul3A_1714, %max3A_1709 : vector<64x128xf32>
    %log3A_1716 = math.log %get3A_1702 : vector<64x128xf32>
    %dot_general3A_1717 = arith.constant dense<0.000000e+00> : vector<64x128xf32>
    %dot_general3A_1718 = tpu.matmul %get3A_1702, %select_n3A_1630, %dot_general3A_1717 {dimension_numbers = #tpu.dot_dimension_numbers<[1], [0], [0], [1], [0, 0, 1, 1], [], []>, precision = #tpu.contract_precision<fp32>, transpose_lhs_hint = false} : vector<64x128xf32>, vector<128x128xf32>, vector<64x128xf32> -> vector<64x128xf32>
    %mul3A_1719 = arith.mulf %get3A_1702, %log3A_1716 : vector<64x128xf32>
    %dot_general3A_1720 = arith.constant dense<0.000000e+00> : vector<64x128xf32>
    %dot_general3A_1721 = tpu.matmul %mul3A_1719, %get3A_10, %dot_general3A_1720 {dimension_numbers = #tpu.dot_dimension_numbers<[1], [0], [0], [1], [0, 0, 1, 1], [], []>, precision = #tpu.contract_precision<fp32>, transpose_lhs_hint = false} : vector<64x128xf32>, vector<128x128xf32>, vector<64x128xf32> -> vector<64x128xf32>
    %log3A_1722 = math.log %max3A_1709 : vector<64x128xf32>
    %sub3A_1723 = arith.subf %log3A_1716, %log3A_1722 : vector<64x128xf32>
    %mul3A_1724 = arith.mulf %sub3A_1723, %get3A_1705 : vector<64x128xf32>
    %add3A_1725 = arith.addf %dot_general3A_1718, %mul3A_1724 : vector<64x128xf32>
    %add3A_1726 = arith.addf %add3A_1725, %dot_general3A_1721 : vector<64x128xf32>
    %mul3A_1727 = arith.mulf %div3A_1715, %add3A_1726 : vector<64x128xf32>
    %reduce_sum3A_1728 = vector.shape_cast %mul3A_1727 : vector<64x128xf32> to vector<1x64x128xf32>
    %reduce_sum3A_1729 = arith.constant dense<0.000000e+00> : vector<1xf32>
    %reduce_sum3A_1730 = vector.multi_reduction <add>, %reduce_sum3A_1728, %reduce_sum3A_1729 [1, 2] : vector<1x64x128xf32> to vector<1xf32>
    %reduce_sum3A_1731 = vector.shape_cast %reduce_sum3A_1730 : vector<1xf32> to vector<1x1x1xf32>
    %reduce_sum3A_1732 = vector.extract %reduce_sum3A_1731[0, 0, 0] : f32 from vector<1x1x1xf32>
    %add3A_1733 = arith.addf %add3A_1699, %reduce_sum3A_1732 : f32
    %get3A_1734 = arith.constant 192 : index
    %get3A_1735 = arith.constant 0 : index
    %get3A_1736 = vector.load %arg15[%get3A_1734, %get3A_1735] : memref<960x128xf32, #tpu.memory_space<vmem>>, vector<64x128xf32>
    %get3A_1737 = arith.constant 192 : index
    %get3A_1738 = arith.constant 0 : index
    %get3A_1739 = vector.load %arg16[%get3A_1737, %get3A_1738] : memref<960x128xf32, #tpu.memory_space<vmem>>, vector<64x128xf32>
    %mul3A_1740 = arith.mulf %get3A_1736, %get3A_1739 : vector<64x128xf32>
    %max3A_1741 = arith.constant 9.99999993E-9 : f32
    %max3A_1742 = vector.broadcast %max3A_1741 : f32 to vector<64x128xf32>
    %max3A_1743 = arith.maximumf %mul3A_1740, %max3A_1742 : vector<64x128xf32>
    %get3A_1744 = arith.constant 3 : index
    %get3A_1745 = arith.constant 0 : index
    %get3A_1746 = vector.load %arg17[%get3A_1744, %get3A_1745] : memref<16x128xf32, #tpu.memory_space<vmem>>, vector<1x128xf32>
    %mul3A_1747 = vector.broadcast %get3A_1746 : vector<1x128xf32> to vector<64x128xf32>
    %mul3A_1748 = arith.mulf %mul3A_1747, %get3A_1736 : vector<64x128xf32>
    %div3A_1749 = arith.divf %mul3A_1748, %max3A_1743 : vector<64x128xf32>
    %log3A_1750 = math.log %get3A_1736 : vector<64x128xf32>
    %dot_general3A_1751 = arith.constant dense<0.000000e+00> : vector<64x128xf32>
    %dot_general3A_1752 = tpu.matmul %get3A_1736, %select_n3A_1630, %dot_general3A_1751 {dimension_numbers = #tpu.dot_dimension_numbers<[1], [0], [0], [1], [0, 0, 1, 1], [], []>, precision = #tpu.contract_precision<fp32>, transpose_lhs_hint = false} : vector<64x128xf32>, vector<128x128xf32>, vector<64x128xf32> -> vector<64x128xf32>
    %mul3A_1753 = arith.mulf %get3A_1736, %log3A_1750 : vector<64x128xf32>
    %dot_general3A_1754 = arith.constant dense<0.000000e+00> : vector<64x128xf32>
    %dot_general3A_1755 = tpu.matmul %mul3A_1753, %get3A_10, %dot_general3A_1754 {dimension_numbers = #tpu.dot_dimension_numbers<[1], [0], [0], [1], [0, 0, 1, 1], [], []>, precision = #tpu.contract_precision<fp32>, transpose_lhs_hint = false} : vector<64x128xf32>, vector<128x128xf32>, vector<64x128xf32> -> vector<64x128xf32>
    %log3A_1756 = math.log %max3A_1743 : vector<64x128xf32>
    %sub3A_1757 = arith.subf %log3A_1750, %log3A_1756 : vector<64x128xf32>
    %mul3A_1758 = arith.mulf %sub3A_1757, %get3A_1739 : vector<64x128xf32>
    %add3A_1759 = arith.addf %dot_general3A_1752, %mul3A_1758 : vector<64x128xf32>
    %add3A_1760 = arith.addf %add3A_1759, %dot_general3A_1755 : vector<64x128xf32>
    %mul3A_1761 = arith.mulf %div3A_1749, %add3A_1760 : vector<64x128xf32>
    %reduce_sum3A_1762 = vector.shape_cast %mul3A_1761 : vector<64x128xf32> to vector<1x64x128xf32>
    %reduce_sum3A_1763 = arith.constant dense<0.000000e+00> : vector<1xf32>
    %reduce_sum3A_1764 = vector.multi_reduction <add>, %reduce_sum3A_1762, %reduce_sum3A_1763 [1, 2] : vector<1x64x128xf32> to vector<1xf32>
    %reduce_sum3A_1765 = vector.shape_cast %reduce_sum3A_1764 : vector<1xf32> to vector<1x1x1xf32>
    %reduce_sum3A_1766 = vector.extract %reduce_sum3A_1765[0, 0, 0] : f32 from vector<1x1x1xf32>
    %add3A_1767 = arith.addf %add3A_1733, %reduce_sum3A_1766 : f32
    %get3A_1768 = arith.constant 256 : index
    %get3A_1769 = arith.constant 0 : index
    %get3A_1770 = vector.load %arg15[%get3A_1768, %get3A_1769] : memref<960x128xf32, #tpu.memory_space<vmem>>, vector<64x128xf32>
    %get3A_1771 = arith.constant 256 : index
    %get3A_1772 = arith.constant 0 : index
    %get3A_1773 = vector.load %arg16[%get3A_1771, %get3A_1772] : memref<960x128xf32, #tpu.memory_space<vmem>>, vector<64x128xf32>
    %mul3A_1774 = arith.mulf %get3A_1770, %get3A_1773 : vector<64x128xf32>
    %max3A_1775 = arith.constant 9.99999993E-9 : f32
    %max3A_1776 = vector.broadcast %max3A_1775 : f32 to vector<64x128xf32>
    %max3A_1777 = arith.maximumf %mul3A_1774, %max3A_1776 : vector<64x128xf32>
    %get3A_1778 = arith.constant 4 : index
    %get3A_1779 = arith.constant 0 : index
    %get3A_1780 = vector.load %arg17[%get3A_1778, %get3A_1779] : memref<16x128xf32, #tpu.memory_space<vmem>>, vector<1x128xf32>
    %mul3A_1781 = vector.broadcast %get3A_1780 : vector<1x128xf32> to vector<64x128xf32>
    %mul3A_1782 = arith.mulf %mul3A_1781, %get3A_1770 : vector<64x128xf32>
    %div3A_1783 = arith.divf %mul3A_1782, %max3A_1777 : vector<64x128xf32>
    %log3A_1784 = math.log %get3A_1770 : vector<64x128xf32>
    %dot_general3A_1785 = arith.constant dense<0.000000e+00> : vector<64x128xf32>
    %dot_general3A_1786 = tpu.matmul %get3A_1770, %select_n3A_1630, %dot_general3A_1785 {dimension_numbers = #tpu.dot_dimension_numbers<[1], [0], [0], [1], [0, 0, 1, 1], [], []>, precision = #tpu.contract_precision<fp32>, transpose_lhs_hint = false} : vector<64x128xf32>, vector<128x128xf32>, vector<64x128xf32> -> vector<64x128xf32>
    %mul3A_1787 = arith.mulf %get3A_1770, %log3A_1784 : vector<64x128xf32>
    %dot_general3A_1788 = arith.constant dense<0.000000e+00> : vector<64x128xf32>
    %dot_general3A_1789 = tpu.matmul %mul3A_1787, %get3A_10, %dot_general3A_1788 {dimension_numbers = #tpu.dot_dimension_numbers<[1], [0], [0], [1], [0, 0, 1, 1], [], []>, precision = #tpu.contract_precision<fp32>, transpose_lhs_hint = false} : vector<64x128xf32>, vector<128x128xf32>, vector<64x128xf32> -> vector<64x128xf32>
    %log3A_1790 = math.log %max3A_1777 : vector<64x128xf32>
    %sub3A_1791 = arith.subf %log3A_1784, %log3A_1790 : vector<64x128xf32>
    %mul3A_1792 = arith.mulf %sub3A_1791, %get3A_1773 : vector<64x128xf32>
    %add3A_1793 = arith.addf %dot_general3A_1786, %mul3A_1792 : vector<64x128xf32>
    %add3A_1794 = arith.addf %add3A_1793, %dot_general3A_1789 : vector<64x128xf32>
    %mul3A_1795 = arith.mulf %div3A_1783, %add3A_1794 : vector<64x128xf32>
    %reduce_sum3A_1796 = vector.shape_cast %mul3A_1795 : vector<64x128xf32> to vector<1x64x128xf32>
    %reduce_sum3A_1797 = arith.constant dense<0.000000e+00> : vector<1xf32>
    %reduce_sum3A_1798 = vector.multi_reduction <add>, %reduce_sum3A_1796, %reduce_sum3A_1797 [1, 2] : vector<1x64x128xf32> to vector<1xf32>
    %reduce_sum3A_1799 = vector.shape_cast %reduce_sum3A_1798 : vector<1xf32> to vector<1x1x1xf32>
    %reduce_sum3A_1800 = vector.extract %reduce_sum3A_1799[0, 0, 0] : f32 from vector<1x1x1xf32>
    %add3A_1801 = arith.addf %add3A_1767, %reduce_sum3A_1800 : f32
    %get3A_1802 = arith.constant 320 : index
    %get3A_1803 = arith.constant 0 : index
    %get3A_1804 = vector.load %arg15[%get3A_1802, %get3A_1803] : memref<960x128xf32, #tpu.memory_space<vmem>>, vector<64x128xf32>
    %get3A_1805 = arith.constant 320 : index
    %get3A_1806 = arith.constant 0 : index
    %get3A_1807 = vector.load %arg16[%get3A_1805, %get3A_1806] : memref<960x128xf32, #tpu.memory_space<vmem>>, vector<64x128xf32>
    %mul3A_1808 = arith.mulf %get3A_1804, %get3A_1807 : vector<64x128xf32>
    %max3A_1809 = arith.constant 9.99999993E-9 : f32
    %max3A_1810 = vector.broadcast %max3A_1809 : f32 to vector<64x128xf32>
    %max3A_1811 = arith.maximumf %mul3A_1808, %max3A_1810 : vector<64x128xf32>
    %get3A_1812 = arith.constant 5 : index
    %get3A_1813 = arith.constant 0 : index
    %get3A_1814 = vector.load %arg17[%get3A_1812, %get3A_1813] : memref<16x128xf32, #tpu.memory_space<vmem>>, vector<1x128xf32>
    %mul3A_1815 = vector.broadcast %get3A_1814 : vector<1x128xf32> to vector<64x128xf32>
    %mul3A_1816 = arith.mulf %mul3A_1815, %get3A_1804 : vector<64x128xf32>
    %div3A_1817 = arith.divf %mul3A_1816, %max3A_1811 : vector<64x128xf32>
    %log3A_1818 = math.log %get3A_1804 : vector<64x128xf32>
    %dot_general3A_1819 = arith.constant dense<0.000000e+00> : vector<64x128xf32>
    %dot_general3A_1820 = tpu.matmul %get3A_1804, %select_n3A_1630, %dot_general3A_1819 {dimension_numbers = #tpu.dot_dimension_numbers<[1], [0], [0], [1], [0, 0, 1, 1], [], []>, precision = #tpu.contract_precision<fp32>, transpose_lhs_hint = false} : vector<64x128xf32>, vector<128x128xf32>, vector<64x128xf32> -> vector<64x128xf32>
    %mul3A_1821 = arith.mulf %get3A_1804, %log3A_1818 : vector<64x128xf32>
    %dot_general3A_1822 = arith.constant dense<0.000000e+00> : vector<64x128xf32>
    %dot_general3A_1823 = tpu.matmul %mul3A_1821, %get3A_10, %dot_general3A_1822 {dimension_numbers = #tpu.dot_dimension_numbers<[1], [0], [0], [1], [0, 0, 1, 1], [], []>, precision = #tpu.contract_precision<fp32>, transpose_lhs_hint = false} : vector<64x128xf32>, vector<128x128xf32>, vector<64x128xf32> -> vector<64x128xf32>
    %log3A_1824 = math.log %max3A_1811 : vector<64x128xf32>
    %sub3A_1825 = arith.subf %log3A_1818, %log3A_1824 : vector<64x128xf32>
    %mul3A_1826 = arith.mulf %sub3A_1825, %get3A_1807 : vector<64x128xf32>
    %add3A_1827 = arith.addf %dot_general3A_1820, %mul3A_1826 : vector<64x128xf32>
    %add3A_1828 = arith.addf %add3A_1827, %dot_general3A_1823 : vector<64x128xf32>
    %mul3A_1829 = arith.mulf %div3A_1817, %add3A_1828 : vector<64x128xf32>
    %reduce_sum3A_1830 = vector.shape_cast %mul3A_1829 : vector<64x128xf32> to vector<1x64x128xf32>
    %reduce_sum3A_1831 = arith.constant dense<0.000000e+00> : vector<1xf32>
    %reduce_sum3A_1832 = vector.multi_reduction <add>, %reduce_sum3A_1830, %reduce_sum3A_1831 [1, 2] : vector<1x64x128xf32> to vector<1xf32>
    %reduce_sum3A_1833 = vector.shape_cast %reduce_sum3A_1832 : vector<1xf32> to vector<1x1x1xf32>
    %reduce_sum3A_1834 = vector.extract %reduce_sum3A_1833[0, 0, 0] : f32 from vector<1x1x1xf32>
    %add3A_1835 = arith.addf %add3A_1801, %reduce_sum3A_1834 : f32
    %get3A_1836 = arith.constant 384 : index
    %get3A_1837 = arith.constant 0 : index
    %get3A_1838 = vector.load %arg15[%get3A_1836, %get3A_1837] : memref<960x128xf32, #tpu.memory_space<vmem>>, vector<64x128xf32>
    %get3A_1839 = arith.constant 384 : index
    %get3A_1840 = arith.constant 0 : index
    %get3A_1841 = vector.load %arg16[%get3A_1839, %get3A_1840] : memref<960x128xf32, #tpu.memory_space<vmem>>, vector<64x128xf32>
    %mul3A_1842 = arith.mulf %get3A_1838, %get3A_1841 : vector<64x128xf32>
    %max3A_1843 = arith.constant 9.99999993E-9 : f32
    %max3A_1844 = vector.broadcast %max3A_1843 : f32 to vector<64x128xf32>
    %max3A_1845 = arith.maximumf %mul3A_1842, %max3A_1844 : vector<64x128xf32>
    %get3A_1846 = arith.constant 6 : index
    %get3A_1847 = arith.constant 0 : index
    %get3A_1848 = vector.load %arg17[%get3A_1846, %get3A_1847] : memref<16x128xf32, #tpu.memory_space<vmem>>, vector<1x128xf32>
    %mul3A_1849 = vector.broadcast %get3A_1848 : vector<1x128xf32> to vector<64x128xf32>
    %mul3A_1850 = arith.mulf %mul3A_1849, %get3A_1838 : vector<64x128xf32>
    %div3A_1851 = arith.divf %mul3A_1850, %max3A_1845 : vector<64x128xf32>
    %log3A_1852 = math.log %get3A_1838 : vector<64x128xf32>
    %dot_general3A_1853 = arith.constant dense<0.000000e+00> : vector<64x128xf32>
    %dot_general3A_1854 = tpu.matmul %get3A_1838, %select_n3A_1630, %dot_general3A_1853 {dimension_numbers = #tpu.dot_dimension_numbers<[1], [0], [0], [1], [0, 0, 1, 1], [], []>, precision = #tpu.contract_precision<fp32>, transpose_lhs_hint = false} : vector<64x128xf32>, vector<128x128xf32>, vector<64x128xf32> -> vector<64x128xf32>
    %mul3A_1855 = arith.mulf %get3A_1838, %log3A_1852 : vector<64x128xf32>
    %dot_general3A_1856 = arith.constant dense<0.000000e+00> : vector<64x128xf32>
    %dot_general3A_1857 = tpu.matmul %mul3A_1855, %get3A_10, %dot_general3A_1856 {dimension_numbers = #tpu.dot_dimension_numbers<[1], [0], [0], [1], [0, 0, 1, 1], [], []>, precision = #tpu.contract_precision<fp32>, transpose_lhs_hint = false} : vector<64x128xf32>, vector<128x128xf32>, vector<64x128xf32> -> vector<64x128xf32>
    %log3A_1858 = math.log %max3A_1845 : vector<64x128xf32>
    %sub3A_1859 = arith.subf %log3A_1852, %log3A_1858 : vector<64x128xf32>
    %mul3A_1860 = arith.mulf %sub3A_1859, %get3A_1841 : vector<64x128xf32>
    %add3A_1861 = arith.addf %dot_general3A_1854, %mul3A_1860 : vector<64x128xf32>
    %add3A_1862 = arith.addf %add3A_1861, %dot_general3A_1857 : vector<64x128xf32>
    %mul3A_1863 = arith.mulf %div3A_1851, %add3A_1862 : vector<64x128xf32>
    %reduce_sum3A_1864 = vector.shape_cast %mul3A_1863 : vector<64x128xf32> to vector<1x64x128xf32>
    %reduce_sum3A_1865 = arith.constant dense<0.000000e+00> : vector<1xf32>
    %reduce_sum3A_1866 = vector.multi_reduction <add>, %reduce_sum3A_1864, %reduce_sum3A_1865 [1, 2] : vector<1x64x128xf32> to vector<1xf32>
    %reduce_sum3A_1867 = vector.shape_cast %reduce_sum3A_1866 : vector<1xf32> to vector<1x1x1xf32>
    %reduce_sum3A_1868 = vector.extract %reduce_sum3A_1867[0, 0, 0] : f32 from vector<1x1x1xf32>
    %add3A_1869 = arith.addf %add3A_1835, %reduce_sum3A_1868 : f32
    %get3A_1870 = arith.constant 448 : index
    %get3A_1871 = arith.constant 0 : index
    %get3A_1872 = vector.load %arg15[%get3A_1870, %get3A_1871] : memref<960x128xf32, #tpu.memory_space<vmem>>, vector<64x128xf32>
    %get3A_1873 = arith.constant 448 : index
    %get3A_1874 = arith.constant 0 : index
    %get3A_1875 = vector.load %arg16[%get3A_1873, %get3A_1874] : memref<960x128xf32, #tpu.memory_space<vmem>>, vector<64x128xf32>
    %mul3A_1876 = arith.mulf %get3A_1872, %get3A_1875 : vector<64x128xf32>
    %max3A_1877 = arith.constant 9.99999993E-9 : f32
    %max3A_1878 = vector.broadcast %max3A_1877 : f32 to vector<64x128xf32>
    %max3A_1879 = arith.maximumf %mul3A_1876, %max3A_1878 : vector<64x128xf32>
    %get3A_1880 = arith.constant 7 : index
    %get3A_1881 = arith.constant 0 : index
    %get3A_1882 = vector.load %arg17[%get3A_1880, %get3A_1881] : memref<16x128xf32, #tpu.memory_space<vmem>>, vector<1x128xf32>
    %mul3A_1883 = vector.broadcast %get3A_1882 : vector<1x128xf32> to vector<64x128xf32>
    %mul3A_1884 = arith.mulf %mul3A_1883, %get3A_1872 : vector<64x128xf32>
    %div3A_1885 = arith.divf %mul3A_1884, %max3A_1879 : vector<64x128xf32>
    %log3A_1886 = math.log %get3A_1872 : vector<64x128xf32>
    %dot_general3A_1887 = arith.constant dense<0.000000e+00> : vector<64x128xf32>
    %dot_general3A_1888 = tpu.matmul %get3A_1872, %select_n3A_1630, %dot_general3A_1887 {dimension_numbers = #tpu.dot_dimension_numbers<[1], [0], [0], [1], [0, 0, 1, 1], [], []>, precision = #tpu.contract_precision<fp32>, transpose_lhs_hint = false} : vector<64x128xf32>, vector<128x128xf32>, vector<64x128xf32> -> vector<64x128xf32>
    %mul3A_1889 = arith.mulf %get3A_1872, %log3A_1886 : vector<64x128xf32>
    %dot_general3A_1890 = arith.constant dense<0.000000e+00> : vector<64x128xf32>
    %dot_general3A_1891 = tpu.matmul %mul3A_1889, %get3A_10, %dot_general3A_1890 {dimension_numbers = #tpu.dot_dimension_numbers<[1], [0], [0], [1], [0, 0, 1, 1], [], []>, precision = #tpu.contract_precision<fp32>, transpose_lhs_hint = false} : vector<64x128xf32>, vector<128x128xf32>, vector<64x128xf32> -> vector<64x128xf32>
    %log3A_1892 = math.log %max3A_1879 : vector<64x128xf32>
    %sub3A_1893 = arith.subf %log3A_1886, %log3A_1892 : vector<64x128xf32>
    %mul3A_1894 = arith.mulf %sub3A_1893, %get3A_1875 : vector<64x128xf32>
    %add3A_1895 = arith.addf %dot_general3A_1888, %mul3A_1894 : vector<64x128xf32>
    %add3A_1896 = arith.addf %add3A_1895, %dot_general3A_1891 : vector<64x128xf32>
    %mul3A_1897 = arith.mulf %div3A_1885, %add3A_1896 : vector<64x128xf32>
    %reduce_sum3A_1898 = vector.shape_cast %mul3A_1897 : vector<64x128xf32> to vector<1x64x128xf32>
    %reduce_sum3A_1899 = arith.constant dense<0.000000e+00> : vector<1xf32>
    %reduce_sum3A_1900 = vector.multi_reduction <add>, %reduce_sum3A_1898, %reduce_sum3A_1899 [1, 2] : vector<1x64x128xf32> to vector<1xf32>
    %reduce_sum3A_1901 = vector.shape_cast %reduce_sum3A_1900 : vector<1xf32> to vector<1x1x1xf32>
    %reduce_sum3A_1902 = vector.extract %reduce_sum3A_1901[0, 0, 0] : f32 from vector<1x1x1xf32>
    %add3A_1903 = arith.addf %add3A_1869, %reduce_sum3A_1902 : f32
    %get3A_1904 = arith.constant 512 : index
    %get3A_1905 = arith.constant 0 : index
    %get3A_1906 = vector.load %arg15[%get3A_1904, %get3A_1905] : memref<960x128xf32, #tpu.memory_space<vmem>>, vector<64x128xf32>
    %get3A_1907 = arith.constant 512 : index
    %get3A_1908 = arith.constant 0 : index
    %get3A_1909 = vector.load %arg16[%get3A_1907, %get3A_1908] : memref<960x128xf32, #tpu.memory_space<vmem>>, vector<64x128xf32>
    %mul3A_1910 = arith.mulf %get3A_1906, %get3A_1909 : vector<64x128xf32>
    %max3A_1911 = arith.constant 9.99999993E-9 : f32
    %max3A_1912 = vector.broadcast %max3A_1911 : f32 to vector<64x128xf32>
    %max3A_1913 = arith.maximumf %mul3A_1910, %max3A_1912 : vector<64x128xf32>
    %get3A_1914 = arith.constant 8 : index
    %get3A_1915 = arith.constant 0 : index
    %get3A_1916 = vector.load %arg17[%get3A_1914, %get3A_1915] : memref<16x128xf32, #tpu.memory_space<vmem>>, vector<1x128xf32>
    %mul3A_1917 = vector.broadcast %get3A_1916 : vector<1x128xf32> to vector<64x128xf32>
    %mul3A_1918 = arith.mulf %mul3A_1917, %get3A_1906 : vector<64x128xf32>
    %div3A_1919 = arith.divf %mul3A_1918, %max3A_1913 : vector<64x128xf32>
    %log3A_1920 = math.log %get3A_1906 : vector<64x128xf32>
    %dot_general3A_1921 = arith.constant dense<0.000000e+00> : vector<64x128xf32>
    %dot_general3A_1922 = tpu.matmul %get3A_1906, %select_n3A_1630, %dot_general3A_1921 {dimension_numbers = #tpu.dot_dimension_numbers<[1], [0], [0], [1], [0, 0, 1, 1], [], []>, precision = #tpu.contract_precision<fp32>, transpose_lhs_hint = false} : vector<64x128xf32>, vector<128x128xf32>, vector<64x128xf32> -> vector<64x128xf32>
    %mul3A_1923 = arith.mulf %get3A_1906, %log3A_1920 : vector<64x128xf32>
    %dot_general3A_1924 = arith.constant dense<0.000000e+00> : vector<64x128xf32>
    %dot_general3A_1925 = tpu.matmul %mul3A_1923, %get3A_10, %dot_general3A_1924 {dimension_numbers = #tpu.dot_dimension_numbers<[1], [0], [0], [1], [0, 0, 1, 1], [], []>, precision = #tpu.contract_precision<fp32>, transpose_lhs_hint = false} : vector<64x128xf32>, vector<128x128xf32>, vector<64x128xf32> -> vector<64x128xf32>
    %log3A_1926 = math.log %max3A_1913 : vector<64x128xf32>
    %sub3A_1927 = arith.subf %log3A_1920, %log3A_1926 : vector<64x128xf32>
    %mul3A_1928 = arith.mulf %sub3A_1927, %get3A_1909 : vector<64x128xf32>
    %add3A_1929 = arith.addf %dot_general3A_1922, %mul3A_1928 : vector<64x128xf32>
    %add3A_1930 = arith.addf %add3A_1929, %dot_general3A_1925 : vector<64x128xf32>
    %mul3A_1931 = arith.mulf %div3A_1919, %add3A_1930 : vector<64x128xf32>
    %reduce_sum3A_1932 = vector.shape_cast %mul3A_1931 : vector<64x128xf32> to vector<1x64x128xf32>
    %reduce_sum3A_1933 = arith.constant dense<0.000000e+00> : vector<1xf32>
    %reduce_sum3A_1934 = vector.multi_reduction <add>, %reduce_sum3A_1932, %reduce_sum3A_1933 [1, 2] : vector<1x64x128xf32> to vector<1xf32>
    %reduce_sum3A_1935 = vector.shape_cast %reduce_sum3A_1934 : vector<1xf32> to vector<1x1x1xf32>
    %reduce_sum3A_1936 = vector.extract %reduce_sum3A_1935[0, 0, 0] : f32 from vector<1x1x1xf32>
    %add3A_1937 = arith.addf %add3A_1903, %reduce_sum3A_1936 : f32
    %get3A_1938 = arith.constant 576 : index
    %get3A_1939 = arith.constant 0 : index
    %get3A_1940 = vector.load %arg15[%get3A_1938, %get3A_1939] : memref<960x128xf32, #tpu.memory_space<vmem>>, vector<64x128xf32>
    %get3A_1941 = arith.constant 576 : index
    %get3A_1942 = arith.constant 0 : index
    %get3A_1943 = vector.load %arg16[%get3A_1941, %get3A_1942] : memref<960x128xf32, #tpu.memory_space<vmem>>, vector<64x128xf32>
    %mul3A_1944 = arith.mulf %get3A_1940, %get3A_1943 : vector<64x128xf32>
    %max3A_1945 = arith.constant 9.99999993E-9 : f32
    %max3A_1946 = vector.broadcast %max3A_1945 : f32 to vector<64x128xf32>
    %max3A_1947 = arith.maximumf %mul3A_1944, %max3A_1946 : vector<64x128xf32>
    %get3A_1948 = arith.constant 9 : index
    %get3A_1949 = arith.constant 0 : index
    %get3A_1950 = vector.load %arg17[%get3A_1948, %get3A_1949] : memref<16x128xf32, #tpu.memory_space<vmem>>, vector<1x128xf32>
    %mul3A_1951 = vector.broadcast %get3A_1950 : vector<1x128xf32> to vector<64x128xf32>
    %mul3A_1952 = arith.mulf %mul3A_1951, %get3A_1940 : vector<64x128xf32>
    %div3A_1953 = arith.divf %mul3A_1952, %max3A_1947 : vector<64x128xf32>
    %log3A_1954 = math.log %get3A_1940 : vector<64x128xf32>
    %dot_general3A_1955 = arith.constant dense<0.000000e+00> : vector<64x128xf32>
    %dot_general3A_1956 = tpu.matmul %get3A_1940, %select_n3A_1630, %dot_general3A_1955 {dimension_numbers = #tpu.dot_dimension_numbers<[1], [0], [0], [1], [0, 0, 1, 1], [], []>, precision = #tpu.contract_precision<fp32>, transpose_lhs_hint = false} : vector<64x128xf32>, vector<128x128xf32>, vector<64x128xf32> -> vector<64x128xf32>
    %mul3A_1957 = arith.mulf %get3A_1940, %log3A_1954 : vector<64x128xf32>
    %dot_general3A_1958 = arith.constant dense<0.000000e+00> : vector<64x128xf32>
    %dot_general3A_1959 = tpu.matmul %mul3A_1957, %get3A_10, %dot_general3A_1958 {dimension_numbers = #tpu.dot_dimension_numbers<[1], [0], [0], [1], [0, 0, 1, 1], [], []>, precision = #tpu.contract_precision<fp32>, transpose_lhs_hint = false} : vector<64x128xf32>, vector<128x128xf32>, vector<64x128xf32> -> vector<64x128xf32>
    %log3A_1960 = math.log %max3A_1947 : vector<64x128xf32>
    %sub3A_1961 = arith.subf %log3A_1954, %log3A_1960 : vector<64x128xf32>
    %mul3A_1962 = arith.mulf %sub3A_1961, %get3A_1943 : vector<64x128xf32>
    %add3A_1963 = arith.addf %dot_general3A_1956, %mul3A_1962 : vector<64x128xf32>
    %add3A_1964 = arith.addf %add3A_1963, %dot_general3A_1959 : vector<64x128xf32>
    %mul3A_1965 = arith.mulf %div3A_1953, %add3A_1964 : vector<64x128xf32>
    %reduce_sum3A_1966 = vector.shape_cast %mul3A_1965 : vector<64x128xf32> to vector<1x64x128xf32>
    %reduce_sum3A_1967 = arith.constant dense<0.000000e+00> : vector<1xf32>
    %reduce_sum3A_1968 = vector.multi_reduction <add>, %reduce_sum3A_1966, %reduce_sum3A_1967 [1, 2] : vector<1x64x128xf32> to vector<1xf32>
    %reduce_sum3A_1969 = vector.shape_cast %reduce_sum3A_1968 : vector<1xf32> to vector<1x1x1xf32>
    %reduce_sum3A_1970 = vector.extract %reduce_sum3A_1969[0, 0, 0] : f32 from vector<1x1x1xf32>
    %add3A_1971 = arith.addf %add3A_1937, %reduce_sum3A_1970 : f32
    %get3A_1972 = arith.constant 640 : index
    %get3A_1973 = arith.constant 0 : index
    %get3A_1974 = vector.load %arg15[%get3A_1972, %get3A_1973] : memref<960x128xf32, #tpu.memory_space<vmem>>, vector<64x128xf32>
    %get3A_1975 = arith.constant 640 : index
    %get3A_1976 = arith.constant 0 : index
    %get3A_1977 = vector.load %arg16[%get3A_1975, %get3A_1976] : memref<960x128xf32, #tpu.memory_space<vmem>>, vector<64x128xf32>
    %mul3A_1978 = arith.mulf %get3A_1974, %get3A_1977 : vector<64x128xf32>
    %max3A_1979 = arith.constant 9.99999993E-9 : f32
    %max3A_1980 = vector.broadcast %max3A_1979 : f32 to vector<64x128xf32>
    %max3A_1981 = arith.maximumf %mul3A_1978, %max3A_1980 : vector<64x128xf32>
    %get3A_1982 = arith.constant 10 : index
    %get3A_1983 = arith.constant 0 : index
    %get3A_1984 = vector.load %arg17[%get3A_1982, %get3A_1983] : memref<16x128xf32, #tpu.memory_space<vmem>>, vector<1x128xf32>
    %mul3A_1985 = vector.broadcast %get3A_1984 : vector<1x128xf32> to vector<64x128xf32>
    %mul3A_1986 = arith.mulf %mul3A_1985, %get3A_1974 : vector<64x128xf32>
    %div3A_1987 = arith.divf %mul3A_1986, %max3A_1981 : vector<64x128xf32>
    %log3A_1988 = math.log %get3A_1974 : vector<64x128xf32>
    %dot_general3A_1989 = arith.constant dense<0.000000e+00> : vector<64x128xf32>
    %dot_general3A_1990 = tpu.matmul %get3A_1974, %select_n3A_1630, %dot_general3A_1989 {dimension_numbers = #tpu.dot_dimension_numbers<[1], [0], [0], [1], [0, 0, 1, 1], [], []>, precision = #tpu.contract_precision<fp32>, transpose_lhs_hint = false} : vector<64x128xf32>, vector<128x128xf32>, vector<64x128xf32> -> vector<64x128xf32>
    %mul3A_1991 = arith.mulf %get3A_1974, %log3A_1988 : vector<64x128xf32>
    %dot_general3A_1992 = arith.constant dense<0.000000e+00> : vector<64x128xf32>
    %dot_general3A_1993 = tpu.matmul %mul3A_1991, %get3A_10, %dot_general3A_1992 {dimension_numbers = #tpu.dot_dimension_numbers<[1], [0], [0], [1], [0, 0, 1, 1], [], []>, precision = #tpu.contract_precision<fp32>, transpose_lhs_hint = false} : vector<64x128xf32>, vector<128x128xf32>, vector<64x128xf32> -> vector<64x128xf32>
    %log3A_1994 = math.log %max3A_1981 : vector<64x128xf32>
    %sub3A_1995 = arith.subf %log3A_1988, %log3A_1994 : vector<64x128xf32>
    %mul3A_1996 = arith.mulf %sub3A_1995, %get3A_1977 : vector<64x128xf32>
    %add3A_1997 = arith.addf %dot_general3A_1990, %mul3A_1996 : vector<64x128xf32>
    %add3A_1998 = arith.addf %add3A_1997, %dot_general3A_1993 : vector<64x128xf32>
    %mul3A_1999 = arith.mulf %div3A_1987, %add3A_1998 : vector<64x128xf32>
    %reduce_sum3A_2000 = vector.shape_cast %mul3A_1999 : vector<64x128xf32> to vector<1x64x128xf32>
    %reduce_sum3A_2001 = arith.constant dense<0.000000e+00> : vector<1xf32>
    %reduce_sum3A_2002 = vector.multi_reduction <add>, %reduce_sum3A_2000, %reduce_sum3A_2001 [1, 2] : vector<1x64x128xf32> to vector<1xf32>
    %reduce_sum3A_2003 = vector.shape_cast %reduce_sum3A_2002 : vector<1xf32> to vector<1x1x1xf32>
    %reduce_sum3A_2004 = vector.extract %reduce_sum3A_2003[0, 0, 0] : f32 from vector<1x1x1xf32>
    %add3A_2005 = arith.addf %add3A_1971, %reduce_sum3A_2004 : f32
    %get3A_2006 = arith.constant 704 : index
    %get3A_2007 = arith.constant 0 : index
    %get3A_2008 = vector.load %arg15[%get3A_2006, %get3A_2007] : memref<960x128xf32, #tpu.memory_space<vmem>>, vector<64x128xf32>
    %get3A_2009 = arith.constant 704 : index
    %get3A_2010 = arith.constant 0 : index
    %get3A_2011 = vector.load %arg16[%get3A_2009, %get3A_2010] : memref<960x128xf32, #tpu.memory_space<vmem>>, vector<64x128xf32>
    %mul3A_2012 = arith.mulf %get3A_2008, %get3A_2011 : vector<64x128xf32>
    %max3A_2013 = arith.constant 9.99999993E-9 : f32
    %max3A_2014 = vector.broadcast %max3A_2013 : f32 to vector<64x128xf32>
    %max3A_2015 = arith.maximumf %mul3A_2012, %max3A_2014 : vector<64x128xf32>
    %get3A_2016 = arith.constant 11 : index
    %get3A_2017 = arith.constant 0 : index
    %get3A_2018 = vector.load %arg17[%get3A_2016, %get3A_2017] : memref<16x128xf32, #tpu.memory_space<vmem>>, vector<1x128xf32>
    %mul3A_2019 = vector.broadcast %get3A_2018 : vector<1x128xf32> to vector<64x128xf32>
    %mul3A_2020 = arith.mulf %mul3A_2019, %get3A_2008 : vector<64x128xf32>
    %div3A_2021 = arith.divf %mul3A_2020, %max3A_2015 : vector<64x128xf32>
    %log3A_2022 = math.log %get3A_2008 : vector<64x128xf32>
    %dot_general3A_2023 = arith.constant dense<0.000000e+00> : vector<64x128xf32>
    %dot_general3A_2024 = tpu.matmul %get3A_2008, %select_n3A_1630, %dot_general3A_2023 {dimension_numbers = #tpu.dot_dimension_numbers<[1], [0], [0], [1], [0, 0, 1, 1], [], []>, precision = #tpu.contract_precision<fp32>, transpose_lhs_hint = false} : vector<64x128xf32>, vector<128x128xf32>, vector<64x128xf32> -> vector<64x128xf32>
    %mul3A_2025 = arith.mulf %get3A_2008, %log3A_2022 : vector<64x128xf32>
    %dot_general3A_2026 = arith.constant dense<0.000000e+00> : vector<64x128xf32>
    %dot_general3A_2027 = tpu.matmul %mul3A_2025, %get3A_10, %dot_general3A_2026 {dimension_numbers = #tpu.dot_dimension_numbers<[1], [0], [0], [1], [0, 0, 1, 1], [], []>, precision = #tpu.contract_precision<fp32>, transpose_lhs_hint = false} : vector<64x128xf32>, vector<128x128xf32>, vector<64x128xf32> -> vector<64x128xf32>
    %log3A_2028 = math.log %max3A_2015 : vector<64x128xf32>
    %sub3A_2029 = arith.subf %log3A_2022, %log3A_2028 : vector<64x128xf32>
    %mul3A_2030 = arith.mulf %sub3A_2029, %get3A_2011 : vector<64x128xf32>
    %add3A_2031 = arith.addf %dot_general3A_2024, %mul3A_2030 : vector<64x128xf32>
    %add3A_2032 = arith.addf %add3A_2031, %dot_general3A_2027 : vector<64x128xf32>
    %mul3A_2033 = arith.mulf %div3A_2021, %add3A_2032 : vector<64x128xf32>
    %reduce_sum3A_2034 = vector.shape_cast %mul3A_2033 : vector<64x128xf32> to vector<1x64x128xf32>
    %reduce_sum3A_2035 = arith.constant dense<0.000000e+00> : vector<1xf32>
    %reduce_sum3A_2036 = vector.multi_reduction <add>, %reduce_sum3A_2034, %reduce_sum3A_2035 [1, 2] : vector<1x64x128xf32> to vector<1xf32>
    %reduce_sum3A_2037 = vector.shape_cast %reduce_sum3A_2036 : vector<1xf32> to vector<1x1x1xf32>
    %reduce_sum3A_2038 = vector.extract %reduce_sum3A_2037[0, 0, 0] : f32 from vector<1x1x1xf32>
    %add3A_2039 = arith.addf %add3A_2005, %reduce_sum3A_2038 : f32
    %get3A_2040 = arith.constant 768 : index
    %get3A_2041 = arith.constant 0 : index
    %get3A_2042 = vector.load %arg15[%get3A_2040, %get3A_2041] : memref<960x128xf32, #tpu.memory_space<vmem>>, vector<64x128xf32>
    %get3A_2043 = arith.constant 768 : index
    %get3A_2044 = arith.constant 0 : index
    %get3A_2045 = vector.load %arg16[%get3A_2043, %get3A_2044] : memref<960x128xf32, #tpu.memory_space<vmem>>, vector<64x128xf32>
    %mul3A_2046 = arith.mulf %get3A_2042, %get3A_2045 : vector<64x128xf32>
    %max3A_2047 = arith.constant 9.99999993E-9 : f32
    %max3A_2048 = vector.broadcast %max3A_2047 : f32 to vector<64x128xf32>
    %max3A_2049 = arith.maximumf %mul3A_2046, %max3A_2048 : vector<64x128xf32>
    %get3A_2050 = arith.constant 12 : index
    %get3A_2051 = arith.constant 0 : index
    %get3A_2052 = vector.load %arg17[%get3A_2050, %get3A_2051] : memref<16x128xf32, #tpu.memory_space<vmem>>, vector<1x128xf32>
    %mul3A_2053 = vector.broadcast %get3A_2052 : vector<1x128xf32> to vector<64x128xf32>
    %mul3A_2054 = arith.mulf %mul3A_2053, %get3A_2042 : vector<64x128xf32>
    %div3A_2055 = arith.divf %mul3A_2054, %max3A_2049 : vector<64x128xf32>
    %log3A_2056 = math.log %get3A_2042 : vector<64x128xf32>
    %dot_general3A_2057 = arith.constant dense<0.000000e+00> : vector<64x128xf32>
    %dot_general3A_2058 = tpu.matmul %get3A_2042, %select_n3A_1630, %dot_general3A_2057 {dimension_numbers = #tpu.dot_dimension_numbers<[1], [0], [0], [1], [0, 0, 1, 1], [], []>, precision = #tpu.contract_precision<fp32>, transpose_lhs_hint = false} : vector<64x128xf32>, vector<128x128xf32>, vector<64x128xf32> -> vector<64x128xf32>
    %mul3A_2059 = arith.mulf %get3A_2042, %log3A_2056 : vector<64x128xf32>
    %dot_general3A_2060 = arith.constant dense<0.000000e+00> : vector<64x128xf32>
    %dot_general3A_2061 = tpu.matmul %mul3A_2059, %get3A_10, %dot_general3A_2060 {dimension_numbers = #tpu.dot_dimension_numbers<[1], [0], [0], [1], [0, 0, 1, 1], [], []>, precision = #tpu.contract_precision<fp32>, transpose_lhs_hint = false} : vector<64x128xf32>, vector<128x128xf32>, vector<64x128xf32> -> vector<64x128xf32>
    %log3A_2062 = math.log %max3A_2049 : vector<64x128xf32>
    %sub3A_2063 = arith.subf %log3A_2056, %log3A_2062 : vector<64x128xf32>
    %mul3A_2064 = arith.mulf %sub3A_2063, %get3A_2045 : vector<64x128xf32>
    %add3A_2065 = arith.addf %dot_general3A_2058, %mul3A_2064 : vector<64x128xf32>
    %add3A_2066 = arith.addf %add3A_2065, %dot_general3A_2061 : vector<64x128xf32>
    %mul3A_2067 = arith.mulf %div3A_2055, %add3A_2066 : vector<64x128xf32>
    %reduce_sum3A_2068 = vector.shape_cast %mul3A_2067 : vector<64x128xf32> to vector<1x64x128xf32>
    %reduce_sum3A_2069 = arith.constant dense<0.000000e+00> : vector<1xf32>
    %reduce_sum3A_2070 = vector.multi_reduction <add>, %reduce_sum3A_2068, %reduce_sum3A_2069 [1, 2] : vector<1x64x128xf32> to vector<1xf32>
    %reduce_sum3A_2071 = vector.shape_cast %reduce_sum3A_2070 : vector<1xf32> to vector<1x1x1xf32>
    %reduce_sum3A_2072 = vector.extract %reduce_sum3A_2071[0, 0, 0] : f32 from vector<1x1x1xf32>
    %add3A_2073 = arith.addf %add3A_2039, %reduce_sum3A_2072 : f32
    %get3A_2074 = arith.constant 832 : index
    %get3A_2075 = arith.constant 0 : index
    %get3A_2076 = vector.load %arg15[%get3A_2074, %get3A_2075] : memref<960x128xf32, #tpu.memory_space<vmem>>, vector<64x128xf32>
    %get3A_2077 = arith.constant 832 : index
    %get3A_2078 = arith.constant 0 : index
    %get3A_2079 = vector.load %arg16[%get3A_2077, %get3A_2078] : memref<960x128xf32, #tpu.memory_space<vmem>>, vector<64x128xf32>
    %mul3A_2080 = arith.mulf %get3A_2076, %get3A_2079 : vector<64x128xf32>
    %max3A_2081 = arith.constant 9.99999993E-9 : f32
    %max3A_2082 = vector.broadcast %max3A_2081 : f32 to vector<64x128xf32>
    %max3A_2083 = arith.maximumf %mul3A_2080, %max3A_2082 : vector<64x128xf32>
    %get3A_2084 = arith.constant 13 : index
    %get3A_2085 = arith.constant 0 : index
    %get3A_2086 = vector.load %arg17[%get3A_2084, %get3A_2085] : memref<16x128xf32, #tpu.memory_space<vmem>>, vector<1x128xf32>
    %mul3A_2087 = vector.broadcast %get3A_2086 : vector<1x128xf32> to vector<64x128xf32>
    %mul3A_2088 = arith.mulf %mul3A_2087, %get3A_2076 : vector<64x128xf32>
    %div3A_2089 = arith.divf %mul3A_2088, %max3A_2083 : vector<64x128xf32>
    %log3A_2090 = math.log %get3A_2076 : vector<64x128xf32>
    %dot_general3A_2091 = arith.constant dense<0.000000e+00> : vector<64x128xf32>
    %dot_general3A_2092 = tpu.matmul %get3A_2076, %select_n3A_1630, %dot_general3A_2091 {dimension_numbers = #tpu.dot_dimension_numbers<[1], [0], [0], [1], [0, 0, 1, 1], [], []>, precision = #tpu.contract_precision<fp32>, transpose_lhs_hint = false} : vector<64x128xf32>, vector<128x128xf32>, vector<64x128xf32> -> vector<64x128xf32>
    %mul3A_2093 = arith.mulf %get3A_2076, %log3A_2090 : vector<64x128xf32>
    %dot_general3A_2094 = arith.constant dense<0.000000e+00> : vector<64x128xf32>
    %dot_general3A_2095 = tpu.matmul %mul3A_2093, %get3A_10, %dot_general3A_2094 {dimension_numbers = #tpu.dot_dimension_numbers<[1], [0], [0], [1], [0, 0, 1, 1], [], []>, precision = #tpu.contract_precision<fp32>, transpose_lhs_hint = false} : vector<64x128xf32>, vector<128x128xf32>, vector<64x128xf32> -> vector<64x128xf32>
    %log3A_2096 = math.log %max3A_2083 : vector<64x128xf32>
    %sub3A_2097 = arith.subf %log3A_2090, %log3A_2096 : vector<64x128xf32>
    %mul3A_2098 = arith.mulf %sub3A_2097, %get3A_2079 : vector<64x128xf32>
    %add3A_2099 = arith.addf %dot_general3A_2092, %mul3A_2098 : vector<64x128xf32>
    %add3A_2100 = arith.addf %add3A_2099, %dot_general3A_2095 : vector<64x128xf32>
    %mul3A_2101 = arith.mulf %div3A_2089, %add3A_2100 : vector<64x128xf32>
    %reduce_sum3A_2102 = vector.shape_cast %mul3A_2101 : vector<64x128xf32> to vector<1x64x128xf32>
    %reduce_sum3A_2103 = arith.constant dense<0.000000e+00> : vector<1xf32>
    %reduce_sum3A_2104 = vector.multi_reduction <add>, %reduce_sum3A_2102, %reduce_sum3A_2103 [1, 2] : vector<1x64x128xf32> to vector<1xf32>
    %reduce_sum3A_2105 = vector.shape_cast %reduce_sum3A_2104 : vector<1xf32> to vector<1x1x1xf32>
    %reduce_sum3A_2106 = vector.extract %reduce_sum3A_2105[0, 0, 0] : f32 from vector<1x1x1xf32>
    %add3A_2107 = arith.addf %add3A_2073, %reduce_sum3A_2106 : f32
    %get3A_2108 = arith.constant 896 : index
    %get3A_2109 = arith.constant 0 : index
    %get3A_2110 = vector.load %arg15[%get3A_2108, %get3A_2109] : memref<960x128xf32, #tpu.memory_space<vmem>>, vector<64x128xf32>
    %get3A_2111 = arith.constant 896 : index
    %get3A_2112 = arith.constant 0 : index
    %get3A_2113 = vector.load %arg16[%get3A_2111, %get3A_2112] : memref<960x128xf32, #tpu.memory_space<vmem>>, vector<64x128xf32>
    %mul3A_2114 = arith.mulf %get3A_2110, %get3A_2113 : vector<64x128xf32>
    %max3A_2115 = arith.constant 9.99999993E-9 : f32
    %max3A_2116 = vector.broadcast %max3A_2115 : f32 to vector<64x128xf32>
    %max3A_2117 = arith.maximumf %mul3A_2114, %max3A_2116 : vector<64x128xf32>
    %get3A_2118 = arith.constant 14 : index
    %get3A_2119 = arith.constant 0 : index
    %get3A_2120 = vector.load %arg17[%get3A_2118, %get3A_2119] : memref<16x128xf32, #tpu.memory_space<vmem>>, vector<1x128xf32>
    %mul3A_2121 = vector.broadcast %get3A_2120 : vector<1x128xf32> to vector<64x128xf32>
    %mul3A_2122 = arith.mulf %mul3A_2121, %get3A_2110 : vector<64x128xf32>
    %div3A_2123 = arith.divf %mul3A_2122, %max3A_2117 : vector<64x128xf32>
    %log3A_2124 = math.log %get3A_2110 : vector<64x128xf32>
    %dot_general3A_2125 = arith.constant dense<0.000000e+00> : vector<64x128xf32>
    %dot_general3A_2126 = tpu.matmul %get3A_2110, %select_n3A_1630, %dot_general3A_2125 {dimension_numbers = #tpu.dot_dimension_numbers<[1], [0], [0], [1], [0, 0, 1, 1], [], []>, precision = #tpu.contract_precision<fp32>, transpose_lhs_hint = false} : vector<64x128xf32>, vector<128x128xf32>, vector<64x128xf32> -> vector<64x128xf32>
    %mul3A_2127 = arith.mulf %get3A_2110, %log3A_2124 : vector<64x128xf32>
    %dot_general3A_2128 = arith.constant dense<0.000000e+00> : vector<64x128xf32>
    %dot_general3A_2129 = tpu.matmul %mul3A_2127, %get3A_10, %dot_general3A_2128 {dimension_numbers = #tpu.dot_dimension_numbers<[1], [0], [0], [1], [0, 0, 1, 1], [], []>, precision = #tpu.contract_precision<fp32>, transpose_lhs_hint = false} : vector<64x128xf32>, vector<128x128xf32>, vector<64x128xf32> -> vector<64x128xf32>
    %log3A_2130 = math.log %max3A_2117 : vector<64x128xf32>
    %sub3A_2131 = arith.subf %log3A_2124, %log3A_2130 : vector<64x128xf32>
    %mul3A_2132 = arith.mulf %sub3A_2131, %get3A_2113 : vector<64x128xf32>
    %add3A_2133 = arith.addf %dot_general3A_2126, %mul3A_2132 : vector<64x128xf32>
    %add3A_2134 = arith.addf %add3A_2133, %dot_general3A_2129 : vector<64x128xf32>
    %mul3A_2135 = arith.mulf %div3A_2123, %add3A_2134 : vector<64x128xf32>
    %reduce_sum3A_2136 = vector.shape_cast %mul3A_2135 : vector<64x128xf32> to vector<1x64x128xf32>
    %reduce_sum3A_2137 = arith.constant dense<0.000000e+00> : vector<1xf32>
    %reduce_sum3A_2138 = vector.multi_reduction <add>, %reduce_sum3A_2136, %reduce_sum3A_2137 [1, 2] : vector<1x64x128xf32> to vector<1xf32>
    %reduce_sum3A_2139 = vector.shape_cast %reduce_sum3A_2138 : vector<1xf32> to vector<1x1x1xf32>
    %reduce_sum3A_2140 = vector.extract %reduce_sum3A_2139[0, 0, 0] : f32 from vector<1x1x1xf32>
    %add3A_2141 = arith.addf %add3A_2107, %reduce_sum3A_2140 : f32
    %reshape3A_2142 = vector.broadcast %add3A_2141 : f32 to vector<1x1xf32>
    %swap3A_2143 = arith.constant 0 : index
    %swap3A_2144 = arith.constant 0 : index
    %swap3A_2145 = vector.load %arg13[%swap3A_2143, %swap3A_2144] : memref<1x1xf32, #tpu.memory_space<vmem>>, vector<1x1xf32>
    tpu.vector_store %arg13[%swap3A_2143, %swap3A_2144], %reshape3A_2142 {strides = array<i32>} : memref<1x1xf32, #tpu.memory_space<vmem>>, vector<1x1xf32>,
    %get3A_2146 = arith.constant 0 : index
    %get3A_2147 = arith.constant 0 : index
    %get3A_2148 = vector.load %arg17[%get3A_2146, %get3A_2147] : memref<16x128xf32, #tpu.memory_space<vmem>>, vector<1x128xf32>
    %max3A_2149 = arith.constant 9.99999993E-9 : f32
    %max3A_2150 = vector.broadcast %max3A_2149 : f32 to vector<1x128xf32>
    %max3A_2151 = arith.maximumf %get3A_2148, %max3A_2150 : vector<1x128xf32>
    %log3A_2152 = math.log %max3A_2151 : vector<1x128xf32>
    %get3A_2153 = arith.constant 0 : index
    %get3A_2154 = arith.constant 0 : index
    %get3A_2155 = vector.load %arg4[%get3A_2153, %get3A_2154] : memref<1x128xf32, #tpu.memory_space<vmem>>, vector<1x128xf32>
    %reduce_max3A_2156 = arith.constant dense<0xFF800000> : vector<1xf32>
    %reduce_max3A_2157 = vector.multi_reduction <maximumf>, %get3A_2155, %reduce_max3A_2156 [1] : vector<1x128xf32> to vector<1xf32>
    %broadcast_in_dim3A_2158 = vector.shape_cast %reduce_max3A_2157 : vector<1xf32> to vector<1x1xf32>
    %sub3A_2159 = vector.broadcast %broadcast_in_dim3A_2158 : vector<1x1xf32> to vector<1x128xf32>
    %sub3A_2160 = arith.subf %get3A_2155, %sub3A_2159 : vector<1x128xf32>
    %exp3A_2161 = math.exp %sub3A_2160 : vector<1x128xf32>
    %reduce_sum3A_2162 = arith.constant dense<0.000000e+00> : vector<1xf32>
    %reduce_sum3A_2163 = vector.multi_reduction <add>, %exp3A_2161, %reduce_sum3A_2162 [1] : vector<1x128xf32> to vector<1xf32>
    %broadcast_in_dim3A_2164 = vector.shape_cast %reduce_sum3A_2163 : vector<1xf32> to vector<1x1xf32>
    %log3A_2165 = math.log %broadcast_in_dim3A_2164 : vector<1x1xf32>
    %sub3A_2166 = vector.broadcast %log3A_2165 : vector<1x1xf32> to vector<1x128xf32>
    %sub3A_2167 = arith.subf %sub3A_2160, %sub3A_2166 : vector<1x128xf32>
    %sub3A_2168 = arith.subf %log3A_2152, %sub3A_2167 : vector<1x128xf32>
    %mul3A_2169 = arith.mulf %get3A_2148, %sub3A_2168 : vector<1x128xf32>
    %reduce_sum3A_2170 = vector.shape_cast %mul3A_2169 : vector<1x128xf32> to vector<1x1x128xf32>
    %reduce_sum3A_2171 = arith.constant dense<0.000000e+00> : vector<1xf32>
    %reduce_sum3A_2172 = vector.multi_reduction <add>, %reduce_sum3A_2170, %reduce_sum3A_2171 [1, 2] : vector<1x1x128xf32> to vector<1xf32>
    %reduce_sum3A_2173 = vector.shape_cast %reduce_sum3A_2172 : vector<1xf32> to vector<1x1x1xf32>
    %reduce_sum3A_2174 = vector.extract %reduce_sum3A_2173[0, 0, 0] : f32 from vector<1x1x1xf32>
    %reshape3A_2175 = vector.broadcast %reduce_sum3A_2174 : f32 to vector<1x1xf32>
    %swap3A_2176 = arith.constant 0 : index
    %swap3A_2177 = arith.constant 0 : index
    %swap3A_2178 = vector.load %arg14[%swap3A_2176, %swap3A_2177] : memref<1x1xf32, #tpu.memory_space<vmem>>, vector<1x1xf32>
    tpu.vector_store %arg14[%swap3A_2176, %swap3A_2177], %reshape3A_2175 {strides = array<i32>} : memref<1x1xf32, #tpu.memory_space<vmem>>, vector<1x1xf32>,
    return
  }
}

</mosaic_0001>

<sc_bundles>
// kernel: kernel.4.cloned.1.call-start
scs
__scs_entry_jumppad:
0x0: {  	(pc) =	sbr.rel $0x88, $3  }
0x1: {  	(tag) =	ssettag $0x0;
	lr =	simm.s32 $0x1  }
0x2: {  	[smem:$0x3F97] =	sst lr;
	_ =	strace $0xD0000000  }
0x3: {  	_ = 	snop  }
0x4: {  	_ = 	snop  }
0x5: {  	_ = 	snop  }
0x6: {  	_ = 	snop  }
0x7: {  	_ = 	snop  }
__scs_overlays_trampoline_lowered:
0x8: {  	[smem:$0x3FA6] =	sst s0  }
0x9: {  	[smem:$0x3FA7] =	sst s1  }
0xa: {  	[smem:$0x3FA8] =	sst s2  }
0xb: {  	[smem:$0x3FA9] =	sst s3  }
0xc: {  	[smem:$0x3FAA] =	sst s4  }
0xd: {  	[smem:$0x3FAB] =	sst s5  }
0xe: {  	[smem:$0x3FAC] =	sst s6  }
0xf: {  	[smem:$0x3FAD] =	sst s7  }
0x10: {  	[smem:$0x3FAE] =	sst s8  }
0x11: {  	[smem:$0x3FAF] =	sst s9;
	s0 =	simm.s32 @!p0 $0x0  }
0x12: {  	s1 =	sld [smem:$0x3F95];
	s0 =	simm.s32 @p0 $0x1  }
0x13: {  	[smem:$0x3FB0] =	sst s0;
	s0 =	simm.s32 @!p1 $0x0  }
0x14: {  	s2 =	sld [smem:$0x3F94];
	s0 =	simm.s32 @p1 $0x1  }
0x15: {  	[smem:$0x3FB1] =	sst s0;
	s0 =	simm.s32 @!p2 $0x0  }
0x16: {  	s3 =	sld [smem:$0x3FDB];
	s0 =	simm.s32 @p2 $0x1  }
0x17: {  	s4 =	simm.s32 $0x1BF5;
	[smem:$0x3FB3] =	sst s0  }
0x18: {  	s0 =	sld [smem:$0x3F96];
	_ =	swait.ge [sflag:s4], $0x0  }
0x19: {  	s7 =	sld [smem:$0x3F97]  }
0x1a: {  	s8 =	sadd.s32 $0xFFFFE003, lr  }
0x1b: {  	s9 =	sadd.s32 $0xFFFFFEF7, lr;
	s5 =	simm.s32 $0xFFFFFFFF;
	p2 =	slt.u32 s8, $0xFFFFF086  }
0x1c: {  	p1 =	slt.u32 s9, $0xF7A;
	s5 =	simm.s32 @!p2 $0x0  }
0x1d: {  	s5 =	simm.s32 @p1 $0x1;
	p0 =	seq.s32 s7, s2  }
0x1e: {  	s7 =	smul.u32 @!p0 $0xF7A, s2;
	p2 =	seq.s32 @!p0 s5, $0x0  }
0x1f: {  	s9 =	smul.u32 $0xF7A, s1;
	s8 =	simm.s32 @!p0 $0x1BF5;
	p2 =	por !p2, p0  }
0x20: {  	[sflag:s8] =	ssyncset.s32 @!p0 $0xFFFFF086;
	s6 =	sadd.s32 @!p0 s3, s7;
	s7 =	simm.s32 @!p0 $0x108  }
0x21: {  	s3 =	sadd.s32 s3, s9;
	s6 =	sadd.s32 @!p0 $0x88, s6;
	s7 =	simm.s32 @p2 $0x1082  }
0x22: {  	[simem:s7], [sflag:s8] =	dma.local @!p0 [hbm:s6], $0xF7A  }
0x23: {  	s9 =	sor.u32 $0xD0000000, s2;
	s6 =	simm.s32 $0x108;
	_ =	swait.ge @!p0 [sflag:s8], $0x0  }
0x24: {  	s3 =	sadd.s32 $0x88, s3;
	s6 =	simm.s32 @!p1 $0x1082;
	[sflag:s4] =	ssyncset.s32 $0xFFFFF086  }
0x25: {  	[simem:s6], [sflag:s4] =	dma.local [hbm:s3], $0xF7A  }
0x26: {  	[smem:$0x3F97] =	sst s1;
	(tag) =	ssettag s2;
	_ =	strace s9  }
0x27: {  	s1 =	sld [smem:$0x3FA7]  }
0x28: {  	s2 =	sld [smem:$0x3FA8]  }
0x29: {  	s4 =	sld [smem:$0x3FAA]  }
0x2a: {  	p0 =	seq.s32 s5, $0x0;
	s5 =	sld [smem:$0x3FAB]  }
0x2b: {  	s6 =	sld [smem:$0x3FAC]  }
0x2c: {  	s7 =	sld [smem:$0x3FAD]  }
0x2d: {  	s3 =	simm.s32 $0x108;
	s8 =	sld [smem:$0x3FAE]  }
0x2e: {  	s3 =	simm.s32 @!p0 $0x1082;
	s9 =	sld [smem:$0x3FAF]  }
0x2f: {  	lr =	sadd.s32 s0, s3;
	s0 =	sld [smem:$0x3FA6]  }
0x30: {  	s3 =	sld [smem:$0x3FA9]  }
0x31: {  	[smem:$0x3FB2] =	sst s10  }
0x32: {  	s10 =	sld [smem:$0x3FB0];
	_ =	sdelay $0x3  }
0x33: {  	p0 =	seq.s32 s10, $0x1;
	s10 =	sld [smem:$0x3FB2];
	_ =	sdelay $0x3  }
0x34: {  	[smem:$0x3FB2] =	sst s10  }
0x35: {  	s10 =	sld [smem:$0x3FB1];
	_ =	sdelay $0x3  }
0x36: {  	p1 =	seq.s32 s10, $0x1;
	s10 =	sld [smem:$0x3FB2];
	_ =	sdelay $0x3  }
0x37: {  	[smem:$0x3FB2] =	sst s10  }
0x38: {  	s10 =	sld [smem:$0x3FB3]  }
0x39: {  	_ = 	snop;
	(pc) =	sbr.ind lr, $3  }
0x3a: {  	_ = 	snop  }
0x3b: {  	_ = 	snop  }
0x3c: {  	p2 =	seq.s32 s10, $0x1;
	s10 =	sld [smem:$0x3FB2]  }
0x3d: {  	_ =	shalt  }
0x3e: {  	_ =	shalt  }
0x3f: {  	_ =	shalt  }
0x40: {  	_ =	shalt  }
0x41: {  	_ =	shalt  }
0x42: {  	_ =	shalt  }
0x43: {  	_ =	shalt  }
0x44: {  	_ =	shalt  }
0x45: {  	_ =	shalt  }
0x46: {  	_ =	shalt  }
0x47: {  	_ =	shalt  }
0x48: {  	_ =	shalt  }
0x49: {  	_ =	shalt  }
0x4a: {  	_ =	shalt  }
0x4b: {  	_ =	shalt  }
0x4c: {  	_ =	shalt  }
0x4d: {  	_ =	shalt  }
0x4e: {  	_ =	shalt  }
0x4f: {  	_ =	shalt  }
0x50: {  	_ =	shalt  }
0x51: {  	_ =	shalt  }
0x52: {  	_ =	shalt  }
0x53: {  	_ =	shalt  }
0x54: {  	_ =	shalt  }
0x55: {  	_ =	shalt  }
0x56: {  	_ =	shalt  }
0x57: {  	_ =	shalt  }
0x58: {  	_ =	shalt  }
0x59: {  	_ =	shalt  }
0x5a: {  	_ =	shalt  }
0x5b: {  	_ =	shalt  }
0x5c: {  	_ =	shalt  }
0x5d: {  	_ =	shalt  }
0x5e: {  	_ =	shalt  }
0x5f: {  	_ =	shalt  }
0x60: {  	_ =	shalt  }
0x61: {  	_ =	shalt  }
0x62: {  	_ =	shalt  }
0x63: {  	_ =	shalt  }
0x64: {  	_ =	shalt  }
0x65: {  	_ =	shalt  }
0x66: {  	_ =	shalt  }
0x67: {  	_ =	shalt  }
0x68: {  	_ =	shalt  }
0x69: {  	_ =	shalt  }
0x6a: {  	_ =	shalt  }
0x6b: {  	_ =	shalt  }
0x6c: {  	_ =	shalt  }
0x6d: {  	_ =	shalt  }
0x6e: {  	_ =	shalt  }
0x6f: {  	_ =	shalt  }
0x70: {  	_ =	shalt  }
0x71: {  	_ =	shalt  }
0x72: {  	_ =	shalt  }
0x73: {  	_ =	shalt  }
0x74: {  	_ =	shalt  }
0x75: {  	_ =	shalt  }
0x76: {  	_ =	shalt  }
0x77: {  	_ =	shalt  }
0x78: {  	_ =	shalt  }
0x79: {  	_ =	shalt  }
0x7a: {  	_ =	shalt  }
0x7b: {  	_ =	shalt  }
0x7c: {  	_ =	shalt  }
0x7d: {  	_ =	shalt  }
0x7e: {  	_ =	shalt  }
0x7f: {  	_ =	shalt  }
0x80: {  	_ =	shalt  }
0x81: {  	_ =	shalt  }
0x82: {  	_ =	shalt  }
0x83: {  	_ =	shalt  }
0x84: {  	_ =	shalt  }
0x85: {  	_ =	shalt  }
0x86: {  	_ =	shalt  }
0x87: {  	_ =	shalt  }
.Lfunc_end0:
.L_simem_size_0:
called_computation_lowered:
.L_overlay_start_0:
0x88: {  	s2 =	sld [smem:$0x3FD9]  }
0x89: {  	s3 =	sld [smem:$0x3FFE];
	_ =	sdelay $0x1  }
0x8a: {  	s1 =	srdreg.scid  }
0x8b: {  	s0 =	sand.u32 $0x1, s1  }
0x8c: {  	s15 =	sshll.u32 s0, $0xA;
	s2 =	sadd.s32 s3, s2  }
0x8d: {  	s2 =	sadd.s32 s2, s15  }
0x8e: {  	[smem:$0x3FBE] =	sst s2  }
0x8f: {  	_ = 	snop  }
0x90: {  	s2 =	sld [smem:$0x3FD0];
	_ =	sdelay $0x2  }
0x91: {  	s4 =	simm.s32 $0xA;
	s5 =	simm.s32 $0x10;
	s16 =	sld [smem:$0x3FC4]  }
0x92: {  	[smem:s5], [sflag:s4] =	dma.local [hbm:s2], $0x1  }
0x93: {  	_ =	swait.eq [sflag:s4], $0x1  }
0x94: {  	[sflag:s4] =	ssyncset.done $0x0  }
0x95: {  	s17 =	sld [smem:$0x10];
	[sflag:s4] =	ssyncadd.s32 $0xFFFFFFFF  }
0x96: {  	s18 =	sld [smem:$0x13];
	(tm) =	ssettm $0x1  }
0x97: {  	s19 =	sld [smem:$0x3FFB];
	_ =	sdelay $0x3  }
0x98: {  	_ =	strace s19  }
0x99: {  	s5 =	sld [smem:$0x3FFC];
	_ =	sdelay $0x3  }
0x9a: {  	_ =	strace s5  }
0x9b: {  	s5 =	sld [smem:$0x3FFD];
	_ =	sdelay $0x3  }
0x9c: {  	_ =	strace s5  }
0x9d: {  	_ =	strace $0x8FFFFFFF  }
0x9e: {  	s20 =	sld [smem:$0x3FDB];
	_ =	sdelay $0x1  }
0x9f: {  	s6 =	simm.s32 $_scs_section_size  }
0xa0: {  	s7 =	simm.s32 $_size__tile_overlayer_lowered;
	s8 =	simm.s32 $_tile_overlayer_lowered  }
0xa1: {  	s23 =	simm.s32 $0x1BFF;
	s22 =	sshll.u32 s8, $0x1;
	s5 =	sadd.s32 s6, s20  }
0xa2: {  	s9 =	simm.s32 $0x0;
	s21 =	sshll.u32 s7, $0x1;
	s7 =	sadd.s32 s22, s5  }
0xa3: {  	[timem:s9], [sflag:s23] =	dma.local [hbm:s7], s21  }
0xa4: {  	_ =	swait.ge [sflag:s23], s21  }
0xa5: {  	s6 =	ssub.s32 $0x0, s21;
	[sflag:s23] =	ssyncset.done $0x0  }
0xa6: {  	[sflag:s23] =	ssyncadd.s32 s6;
	_ =	sdelay $0x1  }
0xa7: {  	s24 =	simm.s32 $0x1B8B  }
0xa8: {  	_ =	swait.ge [sflag:s24], $0x1  }
0xa9: {  	[sflag:s24] =	ssyncset.done $0x0  }
0xaa: {  	s25 =	simm.s32 $0x1B8E;
	[sflag:s24] =	ssyncadd.s32 $0xFFFFFFFF  }
0xab: {  	s26 =	simm.s32 $execute0_lowered;
	[smem:$0x3FD2] =	sst s25  }
0xac: {  	s6 =	sshll.u32 s26, $0x1;
	_ =	strace $0x80000046;
	[dreg:$0x1] =	wrdreg $0xFFFFFFFF  }
0xad: {  	s28 =	simm.s32 $_size_execute0_lowered;
	s5 =	sadd.s32 s5, s6;
	[dreg:$0x0] =	wrdreg $0x0  }
0xae: {  	s6 =	sshll.u32 s28, $0x1;
	[dreg:$0x2] =	wrdreg s5  }
0xaf: {  	[dreg:$0x3] =	wrdreg s6  }
0xb0: {  	[dreg:$0x4] =	wrdreg $0xC0  }
0xb1: {  	_ =	task [dreg:s9], $0x5FFFF  }
0xb2: {  	[dreg:$0x1] =	wrdreg $0xFFFFFFFF  }
0xb3: {  	[dreg:$0x0] =	wrdreg $0x60  }
0xb4: {  	[dreg:$0x2] =	wrdreg s18  }
0xb5: {  	[dreg:$0x3] =	wrdreg s16  }
0xb6: {  	[dreg:$0x4] =	wrdreg s17  }
0xb7: {  	[dreg:$0x5] =	wrdreg $0x9  }
0xb8: {  	_ =	task.clear_ibuf [dreg:s9], $0x6FFFF;
	_ =	strace $0x90000046  }
0xb9: {  	s29 =	simm.s32 $0x9;
	_ =	strace $0x80000048  }
0xba: {  	_ =	swait.ge [sflag:s29], $0x1  }
0xbb: {  	[sflag:s29] =	ssyncadd.s32 $0xFFFFFFFF  }
0xbc: {  	_ =	strace $0x90000048  }
0xbd: {  	_ =	sfence  }
0xbe: {  	s30 =	sld [smem:$0x0];
	_ =	sdelay $0x2  }
0xbf: {  	s31 =	sshll.u32 s1, $0xD;
	s1 =	sshrl.u32 s1, $0x2  }
0xc0: {  	s3 =	sand.u32 $0x4000, s31;
	s1 =	sadd.s32 s1, s30  }
0xc1: {  	s0 =	sor.u32 s3, s0;
	s1 =	sshll.u32 s1, $0x11  }
0xc2: {  	s0 =	sor.u32 s1, s0  }
0xc3: {  	s0 =	sadd.s32 $0x8F2B, s0  }
0xc4: {  	[sflag:s0] =	ssyncadd.remote.s32 $0x1  }
0xc5: {  	_ =	sfence.sel $0xFFFF  }
0xc6: {  	[dreg:$0x0] =	wrdreg $0xFFFFFFFF;
	(pc) =	sbr.abs _section_cstart, $3  }
0xc7: {  	[dreg:$0x1] =	wrdreg $0xFFFFFFFF  }
0xc8: {  	_ =	task.clear_ibuf [dreg:s9], $0x2FFFF;
	_ =	strace $0x9FFFFFFF  }
0xc9: {  	(tm) =	ssettm $0x7FFFFFFF  }
tec
execute0_lowered:
.L_overlay_start_1:
0x0: {  	(tag) =	ssettag $0x1  }
0x1: {  	s4 =	rddreg [dreg:$0x0]  }
0x2: {  	s1 =	rddreg [dreg:$0x1]  }
0x3: {  	s5 =	rddreg [dreg:$0x2];
	s2 =	simm.s32 $0x0  }
0x4: {  	[smem:$0x7FF] =	sst s2  }
0x5: {  	s0 =	rddreg [dreg:$0x3];
	v0 =	vimm.f32 $2.000000000e+02;
	_ =	strace $0x80000047  }
0x6: {  	(erf) = vrcp.f32 v0  }
0x7: {  	s6 =	srdreg.scid  }
0x8: {  	s3 =	stileid.u32;
	s10 =	simm.s32 $0x80;
	s11 =	simm.s32 $0x3400  }
0x9: {  	s12 =	simm.s32 $0x100;
	s13 =	simm.s32 $0x6600;
	s14 =	simm.s32 $0x180  }
0xa: {  	s15 =	simm.s32 $0x9800;
	s16 =	simm.s32 $0x1;
	s6 =	sand.u32 $0x1, s6  }
0xb: {  	s17 =	simm.s32 $0xCA00;
	s8 =	sshll.u32 s3, $0x1;
	s7 =	ssub.s32 $0x2, s6  }
0xc: {  	s18 =	simm.s32 $0x0;
	s6 =	sor.u32 s6, s8;
	s9 =	sshrl.u32 s7, $0x1  }
0xd: {  	s8 =	sshll.u32 s6, $0x6;
	s6 =	sshll.u32 s6, $0x5;
	s7 =	ssub.s32 s7, s9  }
0xe: {  	s4 =	sadd.s32 s4, s8;
	s5 =	sadd.s32 s5, s6;
	s8 =	simm.s32 $0x64  }
0xf: {  	s9 =	simm.s32 $0x200;
	s6 =	smax.u32 s7, $0x1;
	s7 =	simm.s32 $0x2;
	v0 =	vpop (erf)  }
.LBB2_1:
0x10: {  	[tilespmem:s2], [sflag:$0x2] =	stream.linear.gather [hbm4b:s4+s2], $0x200, $0x38;
	[tilespmem:$0xCB00] =	vst v63  }
0x11: {  	_ =	swait.ge [sflag:s7], $0x200  }
0x12: {  	[sflag:s7] =	ssyncset.done $0x0  }
0x13: {  	[sflag:s7] =	ssyncadd.s32 $0xFFFFFE00  }
0x14: {  	[tilespmem:s9], [sflag:$0x1] =	stream.indirect.gather [hbm4b:s1+s8], $0x80, s2, s8, $0xb8;
	[tilespmem:$0xCB00] =	vst v63  }
0x15: {  	_ = 	snop  }
0x16: {  	[tilespmem:s11], [sflag:$0x1] =	stream.indirect.gather [hbm4b:s1+s8], $0x80, s10, s8, $0xb8;
	[tilespmem:$0xCB00] =	vst v63  }
0x17: {  	_ = 	snop  }
0x18: {  	[tilespmem:s13], [sflag:$0x1] =	stream.indirect.gather [hbm4b:s1+s8], $0x80, s12, s8, $0xb8;
	[tilespmem:$0xCB00] =	vst v63  }
0x19: {  	_ = 	snop  }
0x1a: {  	[tilespmem:s15], [sflag:$0x1] =	stream.indirect.gather [hbm4b:s1+s8], $0x80, s14, s8, $0xb8;
	[tilespmem:$0xCB00] =	vst v63  }
0x1b: {  	_ =	swait.ge [sflag:s16], $0x3200  }
0x1c: {  	[sflag:s16] =	ssyncset.done $0x0  }
0x1d: {  	[sflag:s16] =	ssyncadd.s32 $0xFFFFCE00  }
0x1e: {  	_ =	swait.ge [sflag:s16], $0x3200  }
0x1f: {  	[sflag:s16] =	ssyncset.done $0x0  }
0x20: {  	[sflag:s16] =	ssyncadd.s32 $0xFFFFCE00  }
0x21: {  	_ =	swait.ge [sflag:s16], $0x3200  }
0x22: {  	[sflag:s16] =	ssyncset.done $0x0  }
0x23: {  	[sflag:s16] =	ssyncadd.s32 $0xFFFFCE00  }
0x24: {  	_ =	swait.ge [sflag:s16], $0x3200  }
0x25: {  	[sflag:s16] =	ssyncset.done $0x0  }
0x26: {  	s21 =	simm.s32 $0x0;
	[sflag:s16] =	ssyncadd.s32 $0xFFFFCE00  }
0x27: {  	v1 =	vld [tilespmem:s21+$0x270]  }
0x28: {  	v3 =	vld [tilespmem:s21+$0x200]  }
0x29: {  	v4 =	vld [tilespmem:s21+$0x210]  }
0x2a: {  	v13 =	vld [tilespmem:s21+$0x220]  }
0x2b: {  	v11 =	vld [tilespmem:s21+$0x230]  }
0x2c: {  	v2 =	vimm.f32 $0.0e+00;
	v7 =	vimm.f32 $0.0e+00;
	v8 =	vld [tilespmem:s21+$0x240]  }
0x2d: {  	v10 =	vimm.f32 $0.0e+00;
	v9 =	vld [tilespmem:s21+$0x250];
	v1 =	vadd.f32 v1, v2;
	v6 =	vadd.f32 v3, v2  }
0x2e: {  	s19 =	simm.s32 $0x80;
	s20 =	simm.s32 $0x400;
	v12 =	vld [tilespmem:s21+$0x260];
	v5 =	vadd.f32 v4, v2;
	v4 =	vimm.f32 $0.0e+00;
	v3 =	vimm.f32 $0.0e+00  }
.LBB2_2:
0x2f: {  	p0 =	sne.s32 s20, $0x18E00;
	v14 =	vld [tilespmem:s19+$0x270];
	v2 =	vadd.f32 v13, v2  }
0x30: {  	v15 =	vld [tilespmem:s19+$0x200];
	v7 =	vadd.f32 v11, v7  }
0x31: {  	v16 =	vld [tilespmem:s19+$0x210];
	v10 =	vadd.f32 v8, v10  }
.Ltmp0:
0x32: {  	v13 =	vld [tilespmem:s19+$0x220];
	v4 =	vadd.f32 v9, v4;
	(pc) =	sbr.rel @p0 .LBB2_2-.Ltmp0, $4  }
0x33: {  	v11 =	vld [tilespmem:s19+$0x230];
	v3 =	vadd.f32 v12, v3  }
0x34: {  	v8 =	vld [tilespmem:s19+$0x240];
	v1 =	vadd.f32 v14, v1  }
0x35: {  	v6 =	vadd.f32 v15, v6;
	v9 =	vld [tilespmem:s19+$0x250]  }
0x36: {  	v5 =	vadd.f32 v16, v5;
	v12 =	vld [tilespmem:s19+$0x260];
	s19 =	sshra.s32 s20, $0x2;
	s20 =	sadd.s32 $0x200, s20  }
0x37: {  	v14 =	vld [tilespmem:s19+$0x200]  }
0x38: {  	v15 =	vld [tilespmem:s19+$0x210]  }
0x39: {  	v16 =	vld [tilespmem:s19+$0x220]  }
0x3a: {  	v2 =	vadd.f32 v13, v2;
	v13 =	vld [tilespmem:s19+$0x250]  }
0x3b: {  	v17 =	vld [tilespmem:s19+$0x230]  }
0x3c: {  	v18 =	vld [tilespmem:s19+$0x240];
	v8 =	vadd.f32 v8, v10;
	v6 =	vadd.f32 v14, v6  }
0x3d: {  	v10 =	vld [tilespmem:s19+$0x270];
	v4 =	vadd.f32 v9, v4;
	v5 =	vadd.f32 v15, v5  }
0x3e: {  	v7 =	vadd.f32 v11, v7;
	v11 =	vld [tilespmem:s19+$0x260];
	v2 =	vadd.f32 v16, v2;
	v6 =	vmul.f32 v6, v0  }
0x3f: {  	v4 =	vadd.f32 v13, v4;
	v5 =	vmul.f32 v5, v0  }
0x40: {  	v7 =	vadd.f32 v17, v7;
	v2 =	vmul.f32 v2, v0;
	[tilespmem:$0xCA00] =	vst v6  }
0x41: {  	v3 =	vadd.f32 v12, v3;
	v8 =	vadd.f32 v18, v8;
	v4 =	vmul.f32 v4, v0;
	[tilespmem:$0xCA10] =	vst v5  }
0x42: {  	v1 =	vadd.f32 v10, v1;
	v5 =	vmul.f32 v7, v0;
	[tilespmem:$0xCA20] =	vst v2  }
0x43: {  	v3 =	vadd.f32 v11, v3;
	v2 =	vmul.f32 v8, v0;
	[tilespmem:$0xCA50] =	vst v4  }
0x44: {  	v1 =	vmul.f32 v1, v0;
	[tilespmem:$0xCA30] =	vst v5  }
0x45: {  	[tilespmem:$0xCA40] =	vst v2;
	v2 =	vmul.f32 v3, v0  }
0x46: {  	[tilespmem:$0xCA70] =	vst v1  }
0x47: {  	s21 =	simm.s32 $0x0;
	[tilespmem:$0xCA60] =	vst v2  }
0x48: {  	v1 =	vld [tilespmem:s21+$0x6670]  }
0x49: {  	v3 =	vld [tilespmem:s21+$0x6600]  }
0x4a: {  	v4 =	vld [tilespmem:s21+$0x6610]  }
0x4b: {  	v13 =	vld [tilespmem:s21+$0x6620]  }
0x4c: {  	v11 =	vld [tilespmem:s21+$0x6630]  }
0x4d: {  	v10 =	vimm.f32 $0.0e+00;
	v2 =	vimm.f32 $0.0e+00;
	v8 =	vld [tilespmem:s21+$0x6640]  }
0x4e: {  	v7 =	vimm.f32 $0.0e+00;
	v9 =	vld [tilespmem:s21+$0x6650];
	v1 =	vadd.f32 v1, v2;
	v6 =	vadd.f32 v3, v2  }
0x4f: {  	s20 =	simm.s32 $0x400;
	s19 =	simm.s32 $0x80;
	v12 =	vld [tilespmem:s21+$0x6660];
	v5 =	vadd.f32 v4, v2;
	v4 =	vimm.f32 $0.0e+00;
	v3 =	vimm.f32 $0.0e+00  }
.LBB2_4:
0x50: {  	p0 =	sne.s32 s20, $0x18E00;
	v14 =	vld [tilespmem:s19+$0x6670];
	v2 =	vadd.f32 v13, v2  }
0x51: {  	v15 =	vld [tilespmem:s19+$0x6600];
	v7 =	vadd.f32 v11, v7  }
0x52: {  	v16 =	vld [tilespmem:s19+$0x6610];
	v10 =	vadd.f32 v8, v10  }
.Ltmp1:
0x53: {  	v13 =	vld [tilespmem:s19+$0x6620];
	v4 =	vadd.f32 v9, v4;
	(pc) =	sbr.rel @p0 .LBB2_4-.Ltmp1, $4  }
0x54: {  	v11 =	vld [tilespmem:s19+$0x6630];
	v3 =	vadd.f32 v12, v3  }
0x55: {  	v8 =	vld [tilespmem:s19+$0x6640];
	v1 =	vadd.f32 v14, v1  }
0x56: {  	v6 =	vadd.f32 v15, v6;
	v9 =	vld [tilespmem:s19+$0x6650]  }
0x57: {  	v5 =	vadd.f32 v16, v5;
	v12 =	vld [tilespmem:s19+$0x6660];
	s19 =	sshra.s32 s20, $0x2;
	s20 =	sadd.s32 $0x200, s20  }
0x58: {  	v14 =	vld [tilespmem:s19+$0x6600]  }
0x59: {  	v15 =	vld [tilespmem:s19+$0x6610]  }
0x5a: {  	v16 =	vld [tilespmem:s19+$0x6620]  }
0x5b: {  	v17 =	vld [tilespmem:s19+$0x6630]  }
0x5c: {  	v60 =	vld [tilespmem:s19+$0x6650]  }
0x5d: {  	v18 =	vld [tilespmem:s19+$0x6640];
	v2 =	vadd.f32 v13, v2;
	v6 =	vadd.f32 v14, v6  }
0x5e: {  	v62 =	vld [tilespmem:s19+$0x6670];
	v7 =	vadd.f32 v11, v7;
	v5 =	vadd.f32 v15, v5  }
0x5f: {  	v61 =	vld [tilespmem:s19+$0x6660];
	v4 =	vadd.f32 v9, v4;
	v2 =	vadd.f32 v16, v2;
	v6 =	vmul.f32 v6, v0  }
0x60: {  	v8 =	vadd.f32 v8, v10;
	v7 =	vadd.f32 v17, v7;
	v5 =	vmul.f32 v5, v0  }
0x61: {  	v4 =	vadd.f32 v60, v4;
	v2 =	vmul.f32 v2, v0;
	[tilespmem:$0xCA80] =	vst v6  }
0x62: {  	v3 =	vadd.f32 v12, v3;
	v8 =	vadd.f32 v18, v8;
	v63 =	vmul.f32 v7, v0;
	[tilespmem:$0xCA90] =	vst v5  }
0x63: {  	v1 =	vadd.f32 v62, v1;
	v4 =	vmul.f32 v4, v0;
	[tilespmem:$0xCAA0] =	vst v2  }
0x64: {  	v3 =	vadd.f32 v61, v3;
	v2 =	vmul.f32 v8, v0;
	[tilespmem:$0xCAB0] =	vst v63  }
0x65: {  	v1 =	vmul.f32 v1, v0;
	[tilespmem:$0xCAD0] =	vst v4  }
0x66: {  	s18 =	sadd.s32 $0x1, s18;
	[tilespmem:$0xCAC0] =	vst v2;
	v2 =	vmul.f32 v3, v0  }
0x67: {  	p0 =	sne.s32 s18, s6;
	[tilespmem:$0xCAF0] =	vst v1  }
.Ltmp2:
0x68: {  	[tilespmem:$0xCAE0] =	vst v2;
	(pc) =	sbr.rel @p0 .LBB2_1-.Ltmp2, $4  }
0x69: {  	[hbm4b:s5+s2] =	stream.linear.scatter [tilespmem:s17], [sflag:$0x2], $0x100, $0x38;
	[tilespmem:$0xCB00] =	vst v63  }
0x6a: {  	_ =	swait.ge [sflag:s7], $0x100  }
0x6b: {  	[sflag:s7] =	ssyncset.done $0x0  }
0x6c: {  	[sflag:s7] =	ssyncadd.s32 $0xFFFFFF00  }
0x6d: {  	_ =	sfence.sel $0x180000  }
0x6e: {  	[bflag:$0x0] =	sbarrier.arrive $0xFFFF  }
0x6f: {  	p0 =	sne.s32 s3, $0x0;
	_ =	strace $0x90000047  }
0x70: {  	s0 =	sadd.s32 @!p0 $0x100000, s0;
	[bflag:$0x2] =	sbarrier.arrive $0xFFFF  }
0x71: {  	[sflag:s0] =	ssyncadd.tile.s32 @!p0 $0x1;
	_ =	shalt  }
.Lfunc_end2:
_tile_overlayer_lowered:
.L_overlay_start_2:
0x72: {  	(tag) =	ssettag $0x2  }
0x73: {  	s0 =	rddreg [dreg:$0x0];
	s2 =	stileid.u32  }
0x74: {  	s1 =	rddreg [dreg:$0x1];
	p0 =	sne.s32 s2, $0x0  }
0x75: {  	s3 =	rddreg [dreg:$0x2];
	[bflag:$0x3] =	sbarrier.arrive $0xFFFF;
	s2 =	simm.s32 @!p0 $0x1C02  }
0x76: {  	[timem:s3], [sflag:s2] =	dma.local @!p0 [hbm:s0], s1  }
0x77: {  	s0 =	simm.s32 @!p0 $0x2  }
0x78: {  	_ =	swait.ge @!p0 [sflag:s0], s1  }
0x79: {  	s1 =	ssub.s32 @!p0 $0x0, s1;
	[sflag:s0] =	ssyncset.done @!p0 $0x0  }
0x7a: {  	[sflag:s0] =	ssyncadd.s32 @!p0 s1  }
0x7b: {  	[bflag:$0x3] =	sbarrier.arrive $0xFFFF  }
0x7c: {  	_ =	shalt  }

</sc_bundles>
